<compile_context>
chip_gen: v7x
topology: tpu7x:2x2x1
jax: 0.10.2.dev20260603
libtpu: 0.0.44.dev20260713+nightly
codegen_flags: <defaults>
</compile_context>

<pallas_src>
import functools

import jax
import jax.numpy as jnp
from jax import lax
from jax.experimental import pallas as pl
from jax.experimental.pallas import tpu as pltpu
from jax.experimental.pallas import tpu_sc as plsc

N = 50000
E = 800000
NC = 2
NS = 16
CH = 128
NQ = 2
QW = 32
GPN = 128 // QW
GCH = 56

NACC = 50048
RPT = NACC // NS

NSTEP = 392
EPT = NSTEP * CH
NSTEP_D = 200
EPT_D = NSTEP_D * CH

BR = 1024
GRID = (NACC + BR - 1) // BR


def _mesh():
    return plsc.VectorSubcoreMesh(
        core_axis_name="c", subcore_axis_name="s",
        num_cores=NC, num_subcores=NS)


NROW_D = EPT_D // 16


@functools.cache
def _build_sc_deg():
    return pl.kernel(
        _sc_deg,
        out_type=jax.ShapeDtypeStruct((NC * NS * NACC,), jnp.float32),
        mesh=_mesh(),
        scratch_types=[
            pltpu.VMEM((NROW_D, 16), jnp.int32),
            pltpu.VMEM((NACC,), jnp.float32),
        ],
        compiler_params=pltpu.CompilerParams(
            use_tc_tiling_on_sc=False, needs_layout_passes=False),
    )


def _sc_deg(dst_hbm, zeros_hbm, out_hbm, idx_v, hist):
    c = lax.axis_index("c")
    s = lax.axis_index("s")
    w = c * NS + s
    pltpu.sync_copy(zeros_hbm, hist)
    pltpu.sync_copy(dst_hbm.at[pl.ds(w * NROW_D, NROW_D)], idx_v)
    ones16 = jnp.ones((16,), jnp.float32)

    def body(j, carry):
        plsc.addupdate_scatter(hist, [idx_v[j]], ones16)
        return carry

    lax.fori_loop(0, NROW_D, body, 0)
    pltpu.sync_copy(hist, out_hbm.at[pl.ds(w * NACC, NACC)])


@functools.cache
def _build_sc_edge():
    return pl.kernel(
        _sc_edge,
        out_type=jax.ShapeDtypeStruct((NQ, NACC, QW), jnp.float32),
        mesh=_mesh(),
        scratch_types=[
            pltpu.VMEM((GCH, CH), jnp.int32),
            pltpu.VMEM((GCH, CH), jnp.int32),
            pltpu.VMEM((2, CH, QW), jnp.float32),
            pltpu.VMEM_SHARED((NACC, QW), jnp.float32),
        ] + [pltpu.SemaphoreType.DMA] * 4,
        compiler_params=pltpu.CompilerParams(
            use_tc_tiling_on_sc=False, needs_layout_passes=False),
    )


def _sc_edge(g_hbm, src_hbm, dst_hbm, zeros_hbm, out_hbm,
             srcg, dstg, rows, acc, *sems):
    gsem = sems[:2]
    ssem = sems[2:]
    c = lax.axis_index("c")
    s = lax.axis_index("s")
    q = c
    tab = g_hbm.at[q]
    pltpu.sync_copy(zeros_hbm.at[pl.ds(s * RPT, RPT)],
                    acc.at[pl.ds(s * RPT, RPT)])
    plsc.subcore_barrier()

    def grp_body(grp, inner):
        base = grp * GCH
        pltpu.sync_copy(src_hbm.at[pl.ds(s * NSTEP + base, GCH)], srcg)
        pltpu.sync_copy(dst_hbm.at[pl.ds(s * NSTEP + base, GCH)], dstg)

        def gi(k, b):
            pltpu.async_copy(tab.at[srcg.at[k]], rows.at[b], gsem[b])

        def gw(k, b):
            pltpu.make_async_copy(tab.at[srcg.at[k]], rows.at[b],
                                  gsem[b]).wait()

        def si(k, b):
            pltpu.async_copy(rows.at[b], acc.at[dstg.at[k]], ssem[b],
                             add=True)

        def sw(k, b):
            pltpu.make_async_copy(rows.at[b], acc.at[dstg.at[k]],
                                  ssem[b]).wait()

        gi(0, 0)
        gi(1, 1)

        def rnd(r, ii):
            for par in range(2):
                k = 2 * r + par
                gw(k, par)
                si(k, par)
                sw(k, par)
                gi(k + 2, par)
            return ii

        lax.fori_loop(0, GCH // 2 - 1, rnd, 0)
        kf = GCH - 2
        gw(kf, 0); si(kf, 0); sw(kf, 0)
        gw(kf + 1, 1); si(kf + 1, 1); sw(kf + 1, 1)
        return inner

    lax.fori_loop(0, NSTEP // GCH, grp_body, 0)
    plsc.subcore_barrier()
    pltpu.sync_copy(acc.at[pl.ds(s * RPT, RPT)],
                    out_hbm.at[q].at[pl.ds(s * RPT, RPT)])


NG = NACC // GPN
BRG = BR // GPN
GRIDP = (NG + BRG - 1) // BRG


def _tc_pre(degp, x_p, wsbd, sel_a, sel_b):

    def body(degp_ref, x_ref, w_ref, sa_ref, sb_ref, dinv_ref, g_ref):
        deg = jnp.sum(degp_ref[...], axis=0) + 1.0
        r = lax.rsqrt(deg)
        dv = jnp.dot(sa_ref[...] * r[None, :], sb_ref[...],
                     preferred_element_type=jnp.float32)
        dinv_ref[...] = dv
        xb = x_ref[...]
        for q in range(NQ):
            g_ref[q] = dv * jnp.dot(xb, w_ref[q],
                                    preferred_element_type=jnp.float32)

    return pl.pallas_call(
        body,
        grid=(GRIDP,),
        in_specs=[
            pl.BlockSpec((NC * NS, BR), lambda i: (0, i)),
            pl.BlockSpec((BRG, 3 * GPN), lambda i: (i, 0)),
            pl.BlockSpec((NQ, 3 * GPN, 128), lambda i: (0, 0, 0)),
            pl.BlockSpec((BRG, BR), lambda i: (0, 0)),
            pl.BlockSpec((BR, 128), lambda i: (0, 0)),
        ],
        out_specs=[
            pl.BlockSpec((BRG, 128), lambda i: (i, 0)),
            pl.BlockSpec((NQ, BRG, 128), lambda i: (0, i, 0)),
        ],
        out_shape=[
            jax.ShapeDtypeStruct((NG, 128), jnp.float32),
            jax.ShapeDtypeStruct((NQ, NG, 128), jnp.float32),
        ],
    )(degp, x_p, wsbd, sel_a, sel_b)


def _tc_mid(agg, g, dinv_p, b_p, wbd):

    def body(agg_ref, g_ref, dinv_ref, b_ref, w_ref, out_ref):
        dv = dinv_ref[...]
        h = [jnp.maximum(dv * (agg_ref[q] + g_ref[q]) + b_ref[q], 0.0)
             for q in range(NQ)]
        for p in range(NQ):
            hw = sum(jnp.dot(h[q], w_ref[q, p],
                             preferred_element_type=jnp.float32)
                     for q in range(NQ))
            out_ref[p] = dv * hw

    return pl.pallas_call(
        body,
        grid=(GRIDP,),
        in_specs=[
            pl.BlockSpec((NQ, BRG, 128), lambda i: (0, i, 0)),
            pl.BlockSpec((NQ, BRG, 128), lambda i: (0, i, 0)),
            pl.BlockSpec((BRG, 128), lambda i: (i, 0)),
            pl.BlockSpec((NQ, 1, 128), lambda i: (0, 0, 0)),
            pl.BlockSpec((NQ, NQ, 128, 128), lambda i: (0, 0, 0, 0)),
        ],
        out_specs=pl.BlockSpec((NQ, BRG, 128), lambda i: (0, i, 0)),
        out_shape=jax.ShapeDtypeStruct((NQ, NG, 128), jnp.float32),
    )(agg, g, dinv_p, b_p, wbd)


def _tc_final(agg, g, dinv_p, b_p, x_p, wdsbd, bds_p, wdmbd, bdm_p,
              wdebd, bde_p):

    def body(agg_ref, g_ref, dinv_ref, b_ref, x_ref, wds_ref, bds_ref,
             wdm_ref, bdm_ref, wde_ref, bde_ref, y_ref):
        dv = dinv_ref[...]
        h = [jnp.maximum(dv * (agg_ref[q] + g_ref[q]) + b_ref[q], 0.0)
             for q in range(NQ)]
        for w_ref_i, bias_ref in ((wds_ref, bds_ref), (wdm_ref, bdm_ref),
                                  (wdm_ref, bdm_ref)):
            h = [jnp.maximum(
                    sum(jnp.dot(h[q], w_ref_i[q, p],
                                preferred_element_type=jnp.float32)
                        for q in range(NQ)) + bias_ref[p], 0.0)
                 for p in range(NQ)]
        y = sum(jnp.dot(h[q], wde_ref[q], preferred_element_type=jnp.float32)
                for q in range(NQ))
        y_ref[...] = y + bde_ref[...] + x_ref[...]

    return pl.pallas_call(
        body,
        grid=(GRIDP,),
        in_specs=[
            pl.BlockSpec((NQ, BRG, 128), lambda i: (0, i, 0)),
            pl.BlockSpec((NQ, BRG, 128), lambda i: (0, i, 0)),
            pl.BlockSpec((BRG, 128), lambda i: (i, 0)),
            pl.BlockSpec((NQ, 1, 128), lambda i: (0, 0, 0)),
            pl.BlockSpec((BRG, 3 * GPN), lambda i: (i, 0)),
            pl.BlockSpec((NQ, NQ, 128, 128), lambda i: (0, 0, 0, 0)),
            pl.BlockSpec((NQ, 1, 128), lambda i: (0, 0, 0)),
            pl.BlockSpec((NQ, NQ, 128, 128), lambda i: (0, 0, 0, 0)),
            pl.BlockSpec((NQ, 1, 128), lambda i: (0, 0, 0)),
            pl.BlockSpec((NQ, 128, 3 * GPN), lambda i: (0, 0, 0)),
            pl.BlockSpec((1, 3 * GPN), lambda i: (0, 0)),
        ],
        out_specs=pl.BlockSpec((BRG, 3 * GPN), lambda i: (i, 0)),
        out_shape=jax.ShapeDtypeStruct((N // GPN, 3 * GPN), jnp.float32),
    )(agg, g, dinv_p, b_p, x_p, wdsbd, bds_p, wdmbd, bdm_p, wdebd, bde_p)


def _bd16(m):
    return jnp.kron(jnp.eye(GPN, dtype=m.dtype), m)


def _wbd(w):
    return jnp.stack([
        jnp.stack([_bd16(w[QW * q:QW * q + QW, QW * p:QW * p + QW])
                   for p in range(NQ)]) for q in range(NQ)])


def _bpack(b):
    return jnp.stack([jnp.tile(b[QW * q:QW * q + QW], GPN) for q in range(NQ)
                      ]).reshape(NQ, 1, 128)


def kernel(x, edge_index, W_s, b_s, W_mid, b_mid, W_e, b_e,
           Wd_s, bd_s, Wd_mid, bd_mid, Wd_e, bd_e):
    src = edge_index[0].astype(jnp.int32)
    dst = edge_index[1].astype(jnp.int32)

    pad_e = NS * EPT - E
    src_p = jnp.concatenate([src, jnp.zeros((pad_e,), jnp.int32)])
    dst_p = jnp.concatenate([dst, jnp.full((pad_e,), N, jnp.int32)])
    src_t = src_p.reshape(NS * NSTEP, CH)
    dst_t = dst_p.reshape(NS * NSTEP, CH)

    pad_d = NC * NS * EPT_D - E
    dst_d = jnp.concatenate([dst, jnp.full((pad_d,), N, jnp.int32)])
    dst_d = dst_d.reshape(NC * NS * NROW_D, 16)

    zeros1 = jnp.zeros((NACC,), jnp.float32)
    zerosq = jnp.zeros((NACC, QW), jnp.float32)

    x_pk = x.reshape(N // GPN, 3 * GPN)
    wsbd = jnp.stack([_bd16(W_s[:, QW * q:QW * q + QW]) for q in range(NQ)])
    wmidbd = _wbd(W_mid)
    webd = _wbd(W_e)
    wdsbd = _wbd(Wd_s)
    wdmbd = _wbd(Wd_mid)
    wdebd = jnp.stack([_bd16(Wd_e[QW * q:QW * q + QW, :]) for q in range(NQ)])

    sel_a = (jnp.arange(BR)[None, :] // GPN
             == jnp.arange(BRG)[:, None]).astype(jnp.float32)
    sel_b = (jnp.arange(BR)[:, None] % GPN
             == jnp.arange(128)[None, :] // QW).astype(jnp.float32)
    degp = _build_sc_deg()(dst_d, zeros1).reshape(NC * NS, NACC)
    dinv_p, g = _tc_pre(degp, x_pk, wsbd, sel_a, sel_b)

    edge_pass = _build_sc_edge()

    for bb, wnbd in ((b_s, wmidbd), (b_mid, wmidbd), (b_mid, webd)):
        agg = edge_pass(g.reshape(NQ, NACC, QW), src_t, dst_t, zerosq)
        g = _tc_mid(agg.reshape(NQ, NG, 128), g, dinv_p, _bpack(bb), wnbd)

    agg = edge_pass(g.reshape(NQ, NACC, QW), src_t, dst_t, zerosq)
    y = _tc_final(agg.reshape(NQ, NG, 128), g, dinv_p, _bpack(b_e), x_pk,
                  wdsbd, _bpack(bd_s), wdmbd, _bpack(bd_mid),
                  wdebd, jnp.tile(bd_e, GPN).reshape(1, 3 * GPN))
    return y.reshape(N, 3)

# --- scband reference (transcript-rebuilt; emitter-appended) ---
"""Pipeline reference for scband-gcn-19378892440057 (READ-ONLY COPY).

The authoritative reference and input builder live on the scoring server;
editing this copy changes nothing except your own understanding.
"""

import jax, jax.numpy as jnp
import numpy as np

N = 50000
E = 800000
LATENT = 64
LATENT_DEC = 64
IN_DIM = 3
OUT_DIM = 3
NUM_LAYER = 2
NUM_LAYER_DEC = 2


def gcn_conv(x, edge_index, W, b):
    # PyG GCNConv: add self-loops, symmetric normalization D^-1/2 (A+I) D^-1/2 X W + b
    n = x.shape[0]
    loop = jnp.arange(n, dtype=edge_index.dtype)
    src = jnp.concatenate([edge_index[0], loop])
    dst = jnp.concatenate([edge_index[1], loop])
    deg = jnp.zeros((n,), jnp.float32).at[dst].add(1.0)
    dinv = jnp.where(deg > 0, jax.lax.rsqrt(deg), 0.0)
    norm = dinv[src] * dinv[dst]
    h = x @ W
    msg = h[src] * norm[:, None]
    out = jnp.zeros((n, h.shape[1]), h.dtype).at[dst].add(msg)
    return out + b


def setup_inputs(seed: int = 0) -> dict:
    key = jax.random.key(seed)
    ks = jax.random.split(key, 16)
    x = jax.random.normal(ks[0], (N, IN_DIM), dtype=jnp.float32)
    edge_index = jax.random.randint(ks[1], (2, E), 0, N, dtype=jnp.int32)
    s = 0.1
    params = {
        'W_s': s * jax.random.normal(ks[2], (IN_DIM, LATENT), dtype=jnp.float32),
        'b_s': jnp.zeros((LATENT,), jnp.float32),
        'W_mid': s * jax.random.normal(ks[3], (LATENT, LATENT), dtype=jnp.float32),
        'b_mid': jnp.zeros((LATENT,), jnp.float32),
        'W_e': s * jax.random.normal(ks[4], (LATENT, LATENT), dtype=jnp.float32),
        'b_e': jnp.zeros((LATENT,), jnp.float32),
        'Wd_s': s * jax.random.normal(ks[5], (LATENT, LATENT_DEC), dtype=jnp.float32),
        'bd_s': jnp.zeros((LATENT_DEC,), jnp.float32),
        'Wd_mid': s * jax.random.normal(ks[6], (LATENT_DEC, LATENT_DEC), dtype=jnp.float32),
        'bd_mid': jnp.zeros((LATENT_DEC,), jnp.float32),
        'Wd_e': s * jax.random.normal(ks[7], (LATENT_DEC, OUT_DIM), dtype=jnp.float32),
        'bd_e': jnp.zeros((OUT_DIM,), jnp.float32),
    }
    return {'x': x, 'edge_index': edge_index, **params}


def reference(x, edge_index, W_s, b_s, W_mid, b_mid, W_e, b_e, Wd_s, bd_s, Wd_mid, bd_mid, Wd_e, bd_e):
    h = jax.nn.relu(gcn_conv(x, edge_index, W_s, b_s))
    # nn.ModuleList([GCNConv]*num_layer) shares one module -> shared weights
    for _ in range(NUM_LAYER):
        h = jax.nn.relu(gcn_conv(h, edge_index, W_mid, b_mid))
    h = jax.nn.relu(gcn_conv(h, edge_index, W_e, b_e))
    h = jax.nn.relu(h @ Wd_s + bd_s)
    for _ in range(NUM_LAYER_DEC):
        h = jax.nn.relu(h @ Wd_mid + bd_mid)
    y = h @ Wd_e + bd_e
    return y + x

if __name__ == "__main__":
    import jax
    _d = setup_inputs()
    print(jax.jit(kernel)(*tuple(_d.values())))

</pallas_src>

<mosaic_0001>
#map = affine_map<(d0, d1) -> (0, 0, 0)>
#map1 = affine_map<(d0, d1) -> (0, 0)>
module attributes {stable_mosaic.version = 14 : i64} {
  func.func @_sc_edge(%arg0: i32, %arg1: i32, %arg2: memref<2x50048x32xf32, #tpu.memory_space<hbm>>, %arg3: memref<6272x128xi32, #tpu.memory_space<hbm>>, %arg4: memref<6272x128xi32, #tpu.memory_space<hbm>>, %arg5: memref<50048x32xf32, #tpu.memory_space<hbm>>, %arg6: memref<2x50048x32xf32, #tpu.memory_space<hbm>>, %arg7: memref<56x128xi32, #tpu.memory_space<vmem>>, %arg8: memref<56x128xi32, #tpu.memory_space<vmem>>, %arg9: memref<2x128x32xf32, #tpu.memory_space<vmem>>, %arg10: memref<50048x32xf32, #tpu.memory_space<vmem_shared>>, %arg11: memref<!tpu.dma_semaphore, #tpu.memory_space<semaphore_mem>>, %arg12: memref<!tpu.dma_semaphore, #tpu.memory_space<semaphore_mem>>, %arg13: memref<!tpu.dma_semaphore, #tpu.memory_space<semaphore_mem>>, %arg14: memref<!tpu.dma_semaphore, #tpu.memory_space<semaphore_mem>>) attributes {dimension_semantics = [#tpu.dimension_semantics<core_parallel>, #tpu.dimension_semantics<subcore_parallel>], iteration_bounds = array<i64: 2, 16>, scalar_prefetch = 0 : i64, scratch_operands = 8 : i64, tpu.core_type = #tpu.core_type<sc_vector_subcore>, window_params = [{transform_indices = #map}, {transform_indices = #map1}, {transform_indices = #map1}, {transform_indices = #map1}, {transform_indices = #map}]} {
    %mul3A = arith.constant 3128 : i32
    %mul3A_0 = arith.muli %arg1, %mul3A : i32
    %mul3A_1 = arith.constant 3128 : i32
    %mul3A_2 = arith.muli %arg1, %mul3A_1 : i32
    "tpu.region"() ({
      %run_scoped3A = tpu.sem_alloc : memref<!tpu.dma_semaphore, #tpu.memory_space<semaphore_mem>>
      %dma_start3A = arith.constant 0 : i32
      %dma_start3A_13 = tpu.memref_slice %arg10[%mul3A_2, %dma_start3A] : memref<50048x32xf32, #tpu.memory_space<vmem_shared>> -> memref<3128x32xf32, #tpu.memory_space<vmem_shared>>
      %dma_start3A_14 = arith.constant 0 : i32
      %dma_start3A_15 = tpu.memref_slice %arg5[%mul3A_0, %dma_start3A_14] : memref<50048x32xf32, #tpu.memory_space<hbm>> -> memref<3128x32xf32, #tpu.memory_space<hbm>>
      tpu.enqueue_dma source(%dma_start3A_15 : memref<3128x32xf32, #tpu.memory_space<hbm>>) target(%dma_start3A_13 : memref<3128x32xf32, #tpu.memory_space<vmem_shared>>) target_semaphore(%run_scoped3A : memref<!tpu.dma_semaphore, #tpu.memory_space<semaphore_mem>>)
      %dma_wait3A = arith.constant 0 : i32
      %dma_wait3A_16 = tpu.memref_slice %arg10[%mul3A_2, %dma_wait3A] : memref<50048x32xf32, #tpu.memory_space<vmem_shared>> -> memref<3128x32xf32, #tpu.memory_space<vmem_shared>>
      %dma_wait3A_17 = arith.constant 0 : i32
      %dma_wait3A_18 = tpu.memref_slice %arg5[%mul3A_0, %dma_wait3A_17] : memref<50048x32xf32, #tpu.memory_space<hbm>> -> memref<3128x32xf32, #tpu.memory_space<hbm>>
      tpu.wait_dma2 semaphore(%run_scoped3A : memref<!tpu.dma_semaphore, #tpu.memory_space<semaphore_mem>>) src(%dma_wait3A_18 : memref<3128x32xf32, #tpu.memory_space<hbm>>) dst(%dma_wait3A_16 : memref<3128x32xf32, #tpu.memory_space<vmem_shared>>)
      tpu.yield
    }) : () -> ()
    %barrier3A = arith.constant 0 : index
    tpu.barrier barrier_id(%barrier3A)
    %scan3A = arith.constant 0 : i32
    %scan3A_3 = arith.constant 0 : i32
    %scan3A_4 = arith.constant 7 : i32
    %scan3A_5 = arith.addi %scan3A_3, %scan3A_4 : i32
    %scan3A_6 = arith.constant 1 : i32
    scf.for %scan3A_13 = %scan3A_3 to %scan3A_5 step %scan3A_6  : i32 {
      %mul3A_14 = arith.constant 56 : i32
      %mul3A_15 = arith.muli %scan3A_13, %mul3A_14 : i32
      %mul3A_16 = arith.constant 392 : i32
      %mul3A_17 = arith.muli %arg1, %mul3A_16 : i32
      %add3A = arith.addi %mul3A_17, %mul3A_15 : i32
      "tpu.region"() ({
        %run_scoped3A = tpu.sem_alloc : memref<!tpu.dma_semaphore, #tpu.memory_space<semaphore_mem>>
        %dma_start3A_137 = arith.constant 0 : i32
        %dma_start3A_138 = tpu.memref_slice %arg3[%add3A, %dma_start3A_137] : memref<6272x128xi32, #tpu.memory_space<hbm>> -> memref<56x128xi32, #tpu.memory_space<hbm>>
        %dma_start3A_139 = arith.constant 0 : i32
        %dma_start3A_140 = tpu.memref_slice %arg3[%add3A, %dma_start3A_139] : memref<6272x128xi32, #tpu.memory_space<hbm>> -> memref<56x128xi32, #tpu.memory_space<hbm>>
        tpu.enqueue_dma source(%dma_start3A_140 : memref<56x128xi32, #tpu.memory_space<hbm>>) target(%arg7 : memref<56x128xi32, #tpu.memory_space<vmem>>) target_semaphore(%run_scoped3A : memref<!tpu.dma_semaphore, #tpu.memory_space<semaphore_mem>>)
        %dma_wait3A_141 = arith.constant 0 : i32
        %dma_wait3A_142 = tpu.memref_slice %arg3[%add3A, %dma_wait3A_141] : memref<6272x128xi32, #tpu.memory_space<hbm>> -> memref<56x128xi32, #tpu.memory_space<hbm>>
        %dma_wait3A_143 = arith.constant 0 : i32
        %dma_wait3A_144 = tpu.memref_slice %arg3[%add3A, %dma_wait3A_143] : memref<6272x128xi32, #tpu.memory_space<hbm>> -> memref<56x128xi32, #tpu.memory_space<hbm>>
        tpu.wait_dma2 semaphore(%run_scoped3A : memref<!tpu.dma_semaphore, #tpu.memory_space<semaphore_mem>>) src(%dma_wait3A_144 : memref<56x128xi32, #tpu.memory_space<hbm>>) dst(%arg7 : memref<56x128xi32, #tpu.memory_space<vmem>>)
        tpu.yield
      }) : () -> ()
      %mul3A_18 = arith.constant 392 : i32
      %mul3A_19 = arith.muli %arg1, %mul3A_18 : i32
      %add3A_20 = arith.addi %mul3A_19, %mul3A_15 : i32
      "tpu.region"() ({
        %run_scoped3A = tpu.sem_alloc : memref<!tpu.dma_semaphore, #tpu.memory_space<semaphore_mem>>
        %dma_start3A_137 = arith.constant 0 : i32
        %dma_start3A_138 = tpu.memref_slice %arg4[%add3A_20, %dma_start3A_137] : memref<6272x128xi32, #tpu.memory_space<hbm>> -> memref<56x128xi32, #tpu.memory_space<hbm>>
        %dma_start3A_139 = arith.constant 0 : i32
        %dma_start3A_140 = tpu.memref_slice %arg4[%add3A_20, %dma_start3A_139] : memref<6272x128xi32, #tpu.memory_space<hbm>> -> memref<56x128xi32, #tpu.memory_space<hbm>>
        tpu.enqueue_dma source(%dma_start3A_140 : memref<56x128xi32, #tpu.memory_space<hbm>>) target(%arg8 : memref<56x128xi32, #tpu.memory_space<vmem>>) target_semaphore(%run_scoped3A : memref<!tpu.dma_semaphore, #tpu.memory_space<semaphore_mem>>)
        %dma_wait3A_141 = arith.constant 0 : i32
        %dma_wait3A_142 = tpu.memref_slice %arg4[%add3A_20, %dma_wait3A_141] : memref<6272x128xi32, #tpu.memory_space<hbm>> -> memref<56x128xi32, #tpu.memory_space<hbm>>
        %dma_wait3A_143 = arith.constant 0 : i32
        %dma_wait3A_144 = tpu.memref_slice %arg4[%add3A_20, %dma_wait3A_143] : memref<6272x128xi32, #tpu.memory_space<hbm>> -> memref<56x128xi32, #tpu.memory_space<hbm>>
        tpu.wait_dma2 semaphore(%run_scoped3A : memref<!tpu.dma_semaphore, #tpu.memory_space<semaphore_mem>>) src(%dma_wait3A_144 : memref<56x128xi32, #tpu.memory_space<hbm>>) dst(%arg8 : memref<56x128xi32, #tpu.memory_space<vmem>>)
        tpu.yield
      }) : () -> ()
      %dma_start3A = arith.constant 0 : i32
      %dma_start3A_21 = arith.constant 0 : i32
      %dma_start3A_22 = arith.constant 0 : i32
      %dma_start3A_23 = arith.constant 0 : i32
      %dma_start3A_24 = tpu.memref_slice %arg9[%dma_start3A_21, %dma_start3A_22, %dma_start3A_23] : memref<2x128x32xf32, #tpu.memory_space<vmem>> -> memref<1x128x32xf32, #tpu.memory_space<vmem>>
      %dma_start3A_25 = tpu.memref_squeeze %dma_start3A_24 : memref<1x128x32xf32, #tpu.memory_space<vmem>> -> memref<128x32xf32, #tpu.memory_space<vmem>>
      %dma_start3A_26 = arith.constant 0 : i32
      %dma_start3A_27 = tpu.memref_slice %arg7[%dma_start3A, %dma_start3A_26] : memref<56x128xi32, #tpu.memory_space<vmem>> -> memref<1x128xi32, #tpu.memory_space<vmem>>
      %dma_start3A_28 = tpu.memref_squeeze %dma_start3A_27 : memref<1x128xi32, #tpu.memory_space<vmem>> -> memref<128xi32, #tpu.memory_space<vmem>>
      %dma_start3A_29 = arith.constant 0 : i32
      %dma_start3A_30 = arith.constant 0 : i32
      %dma_start3A_31 = tpu.memref_slice %arg2[%arg0, %dma_start3A_29, %dma_start3A_30] : memref<2x50048x32xf32, #tpu.memory_space<hbm>> -> memref<1x50048x32xf32, #tpu.memory_space<hbm>>
      %dma_start3A_32 = tpu.memref_squeeze %dma_start3A_31 : memref<1x50048x32xf32, #tpu.memory_space<hbm>> -> memref<50048x32xf32, #tpu.memory_space<hbm>>
      %dma_start3A_33 = arith.constant 0 : i32
      %dma_start3A_34 = arith.constant 0 : i32
      %dma_start3A_35 = tpu.memref_slice %dma_start3A_32[%dma_start3A_33, %dma_start3A_34] : memref<50048x32xf32, #tpu.memory_space<hbm>> -> memref<50048x32xf32, #tpu.memory_space<hbm>>
      tpu.enqueue_indirect_dma source(%dma_start3A_35 : memref<50048x32xf32, #tpu.memory_space<hbm>>) target(%dma_start3A_25 : memref<128x32xf32, #tpu.memory_space<vmem>>) offsets(%dma_start3A_28 : memref<128xi32, #tpu.memory_space<vmem>>) semaphore(%arg11 : memref<!tpu.dma_semaphore, #tpu.memory_space<semaphore_mem>>)
      %dma_start3A_36 = arith.constant 1 : i32
      %dma_start3A_37 = arith.constant 1 : i32
      %dma_start3A_38 = arith.constant 0 : i32
      %dma_start3A_39 = arith.constant 0 : i32
      %dma_start3A_40 = tpu.memref_slice %arg9[%dma_start3A_37, %dma_start3A_38, %dma_start3A_39] : memref<2x128x32xf32, #tpu.memory_space<vmem>> -> memref<1x128x32xf32, #tpu.memory_space<vmem>>
      %dma_start3A_41 = tpu.memref_squeeze %dma_start3A_40 : memref<1x128x32xf32, #tpu.memory_space<vmem>> -> memref<128x32xf32, #tpu.memory_space<vmem>>
      %dma_start3A_42 = arith.constant 0 : i32
      %dma_start3A_43 = tpu.memref_slice %arg7[%dma_start3A_36, %dma_start3A_42] : memref<56x128xi32, #tpu.memory_space<vmem>> -> memref<1x128xi32, #tpu.memory_space<vmem>>
      %dma_start3A_44 = tpu.memref_squeeze %dma_start3A_43 : memref<1x128xi32, #tpu.memory_space<vmem>> -> memref<128xi32, #tpu.memory_space<vmem>>
      %dma_start3A_45 = arith.constant 0 : i32
      %dma_start3A_46 = arith.constant 0 : i32
      %dma_start3A_47 = tpu.memref_slice %arg2[%arg0, %dma_start3A_45, %dma_start3A_46] : memref<2x50048x32xf32, #tpu.memory_space<hbm>> -> memref<1x50048x32xf32, #tpu.memory_space<hbm>>
      %dma_start3A_48 = tpu.memref_squeeze %dma_start3A_47 : memref<1x50048x32xf32, #tpu.memory_space<hbm>> -> memref<50048x32xf32, #tpu.memory_space<hbm>>
      %dma_start3A_49 = arith.constant 0 : i32
      %dma_start3A_50 = arith.constant 0 : i32
      %dma_start3A_51 = tpu.memref_slice %dma_start3A_48[%dma_start3A_49, %dma_start3A_50] : memref<50048x32xf32, #tpu.memory_space<hbm>> -> memref<50048x32xf32, #tpu.memory_space<hbm>>
      tpu.enqueue_indirect_dma source(%dma_start3A_51 : memref<50048x32xf32, #tpu.memory_space<hbm>>) target(%dma_start3A_41 : memref<128x32xf32, #tpu.memory_space<vmem>>) offsets(%dma_start3A_44 : memref<128xi32, #tpu.memory_space<vmem>>) semaphore(%arg12 : memref<!tpu.dma_semaphore, #tpu.memory_space<semaphore_mem>>)
      %scan3A_52 = arith.constant 0 : i32
      %scan3A_53 = arith.constant 0 : i32
      %scan3A_54 = arith.constant 27 : i32
      %scan3A_55 = arith.addi %scan3A_53, %scan3A_54 : i32
      %scan3A_56 = arith.constant 1 : i32
      scf.for %scan3A_137 = %scan3A_53 to %scan3A_55 step %scan3A_56  : i32 {
        %mul3A_138 = arith.constant 2 : i32
        %mul3A_139 = arith.muli %mul3A_138, %scan3A_137 : i32
        %add3A_140 = arith.constant 0 : i32
        %add3A_141 = arith.addi %mul3A_139, %add3A_140 : i32
        %dma_wait3A_142 = arith.constant 0 : i32
        %dma_wait3A_143 = arith.constant 0 : i32
        %dma_wait3A_144 = arith.constant 0 : i32
        %dma_wait3A_145 = tpu.memref_slice %arg9[%dma_wait3A_142, %dma_wait3A_143, %dma_wait3A_144] : memref<2x128x32xf32, #tpu.memory_space<vmem>> -> memref<1x128x32xf32, #tpu.memory_space<vmem>>
        %dma_wait3A_146 = tpu.memref_squeeze %dma_wait3A_145 : memref<1x128x32xf32, #tpu.memory_space<vmem>> -> memref<128x32xf32, #tpu.memory_space<vmem>>
        %dma_wait3A_147 = arith.constant 0 : i32
        %dma_wait3A_148 = tpu.memref_slice %arg7[%add3A_141, %dma_wait3A_147] : memref<56x128xi32, #tpu.memory_space<vmem>> -> memref<1x128xi32, #tpu.memory_space<vmem>>
        %dma_wait3A_149 = tpu.memref_squeeze %dma_wait3A_148 : memref<1x128xi32, #tpu.memory_space<vmem>> -> memref<128xi32, #tpu.memory_space<vmem>>
        %dma_wait3A_150 = arith.constant 0 : i32
        %dma_wait3A_151 = arith.constant 0 : i32
        %dma_wait3A_152 = tpu.memref_slice %arg2[%arg0, %dma_wait3A_150, %dma_wait3A_151] : memref<2x50048x32xf32, #tpu.memory_space<hbm>> -> memref<1x50048x32xf32, #tpu.memory_space<hbm>>
        %dma_wait3A_153 = tpu.memref_squeeze %dma_wait3A_152 : memref<1x50048x32xf32, #tpu.memory_space<hbm>> -> memref<50048x32xf32, #tpu.memory_space<hbm>>
        %dma_wait3A_154 = arith.constant 0 : i32
        %dma_wait3A_155 = arith.constant 0 : i32
        %dma_wait3A_156 = tpu.memref_slice %dma_wait3A_153[%dma_wait3A_154, %dma_wait3A_155] : memref<50048x32xf32, #tpu.memory_space<hbm>> -> memref<50048x32xf32, #tpu.memory_space<hbm>>
        tpu.wait_indirect_dma semaphore(%arg11 : memref<!tpu.dma_semaphore, #tpu.memory_space<semaphore_mem>>) src(%dma_wait3A_156 : memref<50048x32xf32, #tpu.memory_space<hbm>>) dst(%dma_wait3A_146 : memref<128x32xf32, #tpu.memory_space<vmem>>)
        %dma_start3A_157 = arith.constant 0 : i32
        %dma_start3A_158 = arith.constant 0 : i32
        %dma_start3A_159 = arith.constant 0 : i32
        %dma_start3A_160 = tpu.memref_slice %arg9[%dma_start3A_157, %dma_start3A_158, %dma_start3A_159] : memref<2x128x32xf32, #tpu.memory_space<vmem>> -> memref<1x128x32xf32, #tpu.memory_space<vmem>>
        %dma_start3A_161 = tpu.memref_squeeze %dma_start3A_160 : memref<1x128x32xf32, #tpu.memory_space<vmem>> -> memref<128x32xf32, #tpu.memory_space<vmem>>
        %dma_start3A_162 = arith.constant 0 : i32
        %dma_start3A_163 = tpu.memref_slice %arg8[%add3A_141, %dma_start3A_162] : memref<56x128xi32, #tpu.memory_space<vmem>> -> memref<1x128xi32, #tpu.memory_space<vmem>>
        %dma_start3A_164 = tpu.memref_squeeze %dma_start3A_163 : memref<1x128xi32, #tpu.memory_space<vmem>> -> memref<128xi32, #tpu.memory_space<vmem>>
        %dma_start3A_165 = arith.constant 0 : i32
        %dma_start3A_166 = arith.constant 0 : i32
        %dma_start3A_167 = tpu.memref_slice %arg10[%dma_start3A_165, %dma_start3A_166] : memref<50048x32xf32, #tpu.memory_space<vmem_shared>> -> memref<50048x32xf32, #tpu.memory_space<vmem_shared>>
        tpu.enqueue_indirect_dma source(%dma_start3A_161 : memref<128x32xf32, #tpu.memory_space<vmem>>) target(%dma_start3A_167 : memref<50048x32xf32, #tpu.memory_space<vmem_shared>>) offsets(%dma_start3A_164 : memref<128xi32, #tpu.memory_space<vmem>>) semaphore(%arg13 : memref<!tpu.dma_semaphore, #tpu.memory_space<semaphore_mem>>) {add = true}
        %dma_wait3A_168 = arith.constant 0 : i32
        %dma_wait3A_169 = arith.constant 0 : i32
        %dma_wait3A_170 = arith.constant 0 : i32
        %dma_wait3A_171 = tpu.memref_slice %arg9[%dma_wait3A_168, %dma_wait3A_169, %dma_wait3A_170] : memref<2x128x32xf32, #tpu.memory_space<vmem>> -> memref<1x128x32xf32, #tpu.memory_space<vmem>>
        %dma_wait3A_172 = tpu.memref_squeeze %dma_wait3A_171 : memref<1x128x32xf32, #tpu.memory_space<vmem>> -> memref<128x32xf32, #tpu.memory_space<vmem>>
        %dma_wait3A_173 = arith.constant 0 : i32
        %dma_wait3A_174 = tpu.memref_slice %arg8[%add3A_141, %dma_wait3A_173] : memref<56x128xi32, #tpu.memory_space<vmem>> -> memref<1x128xi32, #tpu.memory_space<vmem>>
        %dma_wait3A_175 = tpu.memref_squeeze %dma_wait3A_174 : memref<1x128xi32, #tpu.memory_space<vmem>> -> memref<128xi32, #tpu.memory_space<vmem>>
        %dma_wait3A_176 = arith.constant 0 : i32
        %dma_wait3A_177 = arith.constant 0 : i32
        %dma_wait3A_178 = tpu.memref_slice %arg10[%dma_wait3A_176, %dma_wait3A_177] : memref<50048x32xf32, #tpu.memory_space<vmem_shared>> -> memref<50048x32xf32, #tpu.memory_space<vmem_shared>>
        tpu.wait_indirect_dma semaphore(%arg13 : memref<!tpu.dma_semaphore, #tpu.memory_space<semaphore_mem>>) src(%dma_wait3A_172 : memref<128x32xf32, #tpu.memory_space<vmem>>) dst(%dma_wait3A_178 : memref<50048x32xf32, #tpu.memory_space<vmem_shared>>)
        %add3A_179 = arith.constant 2 : i32
        %add3A_180 = arith.addi %add3A_141, %add3A_179 : i32
        %dma_start3A_181 = arith.constant 0 : i32
        %dma_start3A_182 = arith.constant 0 : i32
        %dma_start3A_183 = arith.constant 0 : i32
        %dma_start3A_184 = tpu.memref_slice %arg9[%dma_start3A_181, %dma_start3A_182, %dma_start3A_183] : memref<2x128x32xf32, #tpu.memory_space<vmem>> -> memref<1x128x32xf32, #tpu.memory_space<vmem>>
        %dma_start3A_185 = tpu.memref_squeeze %dma_start3A_184 : memref<1x128x32xf32, #tpu.memory_space<vmem>> -> memref<128x32xf32, #tpu.memory_space<vmem>>
        %dma_start3A_186 = arith.constant 0 : i32
        %dma_start3A_187 = tpu.memref_slice %arg7[%add3A_180, %dma_start3A_186] : memref<56x128xi32, #tpu.memory_space<vmem>> -> memref<1x128xi32, #tpu.memory_space<vmem>>
        %dma_start3A_188 = tpu.memref_squeeze %dma_start3A_187 : memref<1x128xi32, #tpu.memory_space<vmem>> -> memref<128xi32, #tpu.memory_space<vmem>>
        %dma_start3A_189 = arith.constant 0 : i32
        %dma_start3A_190 = arith.constant 0 : i32
        %dma_start3A_191 = tpu.memref_slice %arg2[%arg0, %dma_start3A_189, %dma_start3A_190] : memref<2x50048x32xf32, #tpu.memory_space<hbm>> -> memref<1x50048x32xf32, #tpu.memory_space<hbm>>
        %dma_start3A_192 = tpu.memref_squeeze %dma_start3A_191 : memref<1x50048x32xf32, #tpu.memory_space<hbm>> -> memref<50048x32xf32, #tpu.memory_space<hbm>>
        %dma_start3A_193 = arith.constant 0 : i32
        %dma_start3A_194 = arith.constant 0 : i32
        %dma_start3A_195 = tpu.memref_slice %dma_start3A_192[%dma_start3A_193, %dma_start3A_194] : memref<50048x32xf32, #tpu.memory_space<hbm>> -> memref<50048x32xf32, #tpu.memory_space<hbm>>
        tpu.enqueue_indirect_dma source(%dma_start3A_195 : memref<50048x32xf32, #tpu.memory_space<hbm>>) target(%dma_start3A_185 : memref<128x32xf32, #tpu.memory_space<vmem>>) offsets(%dma_start3A_188 : memref<128xi32, #tpu.memory_space<vmem>>) semaphore(%arg11 : memref<!tpu.dma_semaphore, #tpu.memory_space<semaphore_mem>>)
        %mul3A_196 = arith.constant 2 : i32
        %mul3A_197 = arith.muli %mul3A_196, %scan3A_137 : i32
        %add3A_198 = arith.constant 1 : i32
        %add3A_199 = arith.addi %mul3A_197, %add3A_198 : i32
        %dma_wait3A_200 = arith.constant 1 : i32
        %dma_wait3A_201 = arith.constant 0 : i32
        %dma_wait3A_202 = arith.constant 0 : i32
        %dma_wait3A_203 = tpu.memref_slice %arg9[%dma_wait3A_200, %dma_wait3A_201, %dma_wait3A_202] : memref<2x128x32xf32, #tpu.memory_space<vmem>> -> memref<1x128x32xf32, #tpu.memory_space<vmem>>
        %dma_wait3A_204 = tpu.memref_squeeze %dma_wait3A_203 : memref<1x128x32xf32, #tpu.memory_space<vmem>> -> memref<128x32xf32, #tpu.memory_space<vmem>>
        %dma_wait3A_205 = arith.constant 0 : i32
        %dma_wait3A_206 = tpu.memref_slice %arg7[%add3A_199, %dma_wait3A_205] : memref<56x128xi32, #tpu.memory_space<vmem>> -> memref<1x128xi32, #tpu.memory_space<vmem>>
        %dma_wait3A_207 = tpu.memref_squeeze %dma_wait3A_206 : memref<1x128xi32, #tpu.memory_space<vmem>> -> memref<128xi32, #tpu.memory_space<vmem>>
        %dma_wait3A_208 = arith.constant 0 : i32
        %dma_wait3A_209 = arith.constant 0 : i32
        %dma_wait3A_210 = tpu.memref_slice %arg2[%arg0, %dma_wait3A_208, %dma_wait3A_209] : memref<2x50048x32xf32, #tpu.memory_space<hbm>> -> memref<1x50048x32xf32, #tpu.memory_space<hbm>>
        %dma_wait3A_211 = tpu.memref_squeeze %dma_wait3A_210 : memref<1x50048x32xf32, #tpu.memory_space<hbm>> -> memref<50048x32xf32, #tpu.memory_space<hbm>>
        %dma_wait3A_212 = arith.constant 0 : i32
        %dma_wait3A_213 = arith.constant 0 : i32
        %dma_wait3A_214 = tpu.memref_slice %dma_wait3A_211[%dma_wait3A_212, %dma_wait3A_213] : memref<50048x32xf32, #tpu.memory_space<hbm>> -> memref<50048x32xf32, #tpu.memory_space<hbm>>
        tpu.wait_indirect_dma semaphore(%arg12 : memref<!tpu.dma_semaphore, #tpu.memory_space<semaphore_mem>>) src(%dma_wait3A_214 : memref<50048x32xf32, #tpu.memory_space<hbm>>) dst(%dma_wait3A_204 : memref<128x32xf32, #tpu.memory_space<vmem>>)
        %dma_start3A_215 = arith.constant 1 : i32
        %dma_start3A_216 = arith.constant 0 : i32
        %dma_start3A_217 = arith.constant 0 : i32
        %dma_start3A_218 = tpu.memref_slice %arg9[%dma_start3A_215, %dma_start3A_216, %dma_start3A_217] : memref<2x128x32xf32, #tpu.memory_space<vmem>> -> memref<1x128x32xf32, #tpu.memory_space<vmem>>
        %dma_start3A_219 = tpu.memref_squeeze %dma_start3A_218 : memref<1x128x32xf32, #tpu.memory_space<vmem>> -> memref<128x32xf32, #tpu.memory_space<vmem>>
        %dma_start3A_220 = arith.constant 0 : i32
        %dma_start3A_221 = tpu.memref_slice %arg8[%add3A_199, %dma_start3A_220] : memref<56x128xi32, #tpu.memory_space<vmem>> -> memref<1x128xi32, #tpu.memory_space<vmem>>
        %dma_start3A_222 = tpu.memref_squeeze %dma_start3A_221 : memref<1x128xi32, #tpu.memory_space<vmem>> -> memref<128xi32, #tpu.memory_space<vmem>>
        %dma_start3A_223 = arith.constant 0 : i32
        %dma_start3A_224 = arith.constant 0 : i32
        %dma_start3A_225 = tpu.memref_slice %arg10[%dma_start3A_223, %dma_start3A_224] : memref<50048x32xf32, #tpu.memory_space<vmem_shared>> -> memref<50048x32xf32, #tpu.memory_space<vmem_shared>>
        tpu.enqueue_indirect_dma source(%dma_start3A_219 : memref<128x32xf32, #tpu.memory_space<vmem>>) target(%dma_start3A_225 : memref<50048x32xf32, #tpu.memory_space<vmem_shared>>) offsets(%dma_start3A_222 : memref<128xi32, #tpu.memory_space<vmem>>) semaphore(%arg14 : memref<!tpu.dma_semaphore, #tpu.memory_space<semaphore_mem>>) {add = true}
        %dma_wait3A_226 = arith.constant 1 : i32
        %dma_wait3A_227 = arith.constant 0 : i32
        %dma_wait3A_228 = arith.constant 0 : i32
        %dma_wait3A_229 = tpu.memref_slice %arg9[%dma_wait3A_226, %dma_wait3A_227, %dma_wait3A_228] : memref<2x128x32xf32, #tpu.memory_space<vmem>> -> memref<1x128x32xf32, #tpu.memory_space<vmem>>
        %dma_wait3A_230 = tpu.memref_squeeze %dma_wait3A_229 : memref<1x128x32xf32, #tpu.memory_space<vmem>> -> memref<128x32xf32, #tpu.memory_space<vmem>>
        %dma_wait3A_231 = arith.constant 0 : i32
        %dma_wait3A_232 = tpu.memref_slice %arg8[%add3A_199, %dma_wait3A_231] : memref<56x128xi32, #tpu.memory_space<vmem>> -> memref<1x128xi32, #tpu.memory_space<vmem>>
        %dma_wait3A_233 = tpu.memref_squeeze %dma_wait3A_232 : memref<1x128xi32, #tpu.memory_space<vmem>> -> memref<128xi32, #tpu.memory_space<vmem>>
        %dma_wait3A_234 = arith.constant 0 : i32
        %dma_wait3A_235 = arith.constant 0 : i32
        %dma_wait3A_236 = tpu.memref_slice %arg10[%dma_wait3A_234, %dma_wait3A_235] : memref<50048x32xf32, #tpu.memory_space<vmem_shared>> -> memref<50048x32xf32, #tpu.memory_space<vmem_shared>>
        tpu.wait_indirect_dma semaphore(%arg14 : memref<!tpu.dma_semaphore, #tpu.memory_space<semaphore_mem>>) src(%dma_wait3A_230 : memref<128x32xf32, #tpu.memory_space<vmem>>) dst(%dma_wait3A_236 : memref<50048x32xf32, #tpu.memory_space<vmem_shared>>)
        %add3A_237 = arith.constant 2 : i32
        %add3A_238 = arith.addi %add3A_199, %add3A_237 : i32
        %dma_start3A_239 = arith.constant 1 : i32
        %dma_start3A_240 = arith.constant 0 : i32
        %dma_start3A_241 = arith.constant 0 : i32
        %dma_start3A_242 = tpu.memref_slice %arg9[%dma_start3A_239, %dma_start3A_240, %dma_start3A_241] : memref<2x128x32xf32, #tpu.memory_space<vmem>> -> memref<1x128x32xf32, #tpu.memory_space<vmem>>
        %dma_start3A_243 = tpu.memref_squeeze %dma_start3A_242 : memref<1x128x32xf32, #tpu.memory_space<vmem>> -> memref<128x32xf32, #tpu.memory_space<vmem>>
        %dma_start3A_244 = arith.constant 0 : i32
        %dma_start3A_245 = tpu.memref_slice %arg7[%add3A_238, %dma_start3A_244] : memref<56x128xi32, #tpu.memory_space<vmem>> -> memref<1x128xi32, #tpu.memory_space<vmem>>
        %dma_start3A_246 = tpu.memref_squeeze %dma_start3A_245 : memref<1x128xi32, #tpu.memory_space<vmem>> -> memref<128xi32, #tpu.memory_space<vmem>>
        %dma_start3A_247 = arith.constant 0 : i32
        %dma_start3A_248 = arith.constant 0 : i32
        %dma_start3A_249 = tpu.memref_slice %arg2[%arg0, %dma_start3A_247, %dma_start3A_248] : memref<2x50048x32xf32, #tpu.memory_space<hbm>> -> memref<1x50048x32xf32, #tpu.memory_space<hbm>>
        %dma_start3A_250 = tpu.memref_squeeze %dma_start3A_249 : memref<1x50048x32xf32, #tpu.memory_space<hbm>> -> memref<50048x32xf32, #tpu.memory_space<hbm>>
        %dma_start3A_251 = arith.constant 0 : i32
        %dma_start3A_252 = arith.constant 0 : i32
        %dma_start3A_253 = tpu.memref_slice %dma_start3A_250[%dma_start3A_251, %dma_start3A_252] : memref<50048x32xf32, #tpu.memory_space<hbm>> -> memref<50048x32xf32, #tpu.memory_space<hbm>>
        tpu.enqueue_indirect_dma source(%dma_start3A_253 : memref<50048x32xf32, #tpu.memory_space<hbm>>) target(%dma_start3A_243 : memref<128x32xf32, #tpu.memory_space<vmem>>) offsets(%dma_start3A_246 : memref<128xi32, #tpu.memory_space<vmem>>) semaphore(%arg12 : memref<!tpu.dma_semaphore, #tpu.memory_space<semaphore_mem>>)
      }
      %scan3A_57 = arith.constant 27 : i32
      %dma_wait3A = arith.constant 54 : i32
      %dma_wait3A_58 = arith.constant 0 : i32
      %dma_wait3A_59 = arith.constant 0 : i32
      %dma_wait3A_60 = arith.constant 0 : i32
      %dma_wait3A_61 = tpu.memref_slice %arg9[%dma_wait3A_58, %dma_wait3A_59, %dma_wait3A_60] : memref<2x128x32xf32, #tpu.memory_space<vmem>> -> memref<1x128x32xf32, #tpu.memory_space<vmem>>
      %dma_wait3A_62 = tpu.memref_squeeze %dma_wait3A_61 : memref<1x128x32xf32, #tpu.memory_space<vmem>> -> memref<128x32xf32, #tpu.memory_space<vmem>>
      %dma_wait3A_63 = arith.constant 0 : i32
      %dma_wait3A_64 = tpu.memref_slice %arg7[%dma_wait3A, %dma_wait3A_63] : memref<56x128xi32, #tpu.memory_space<vmem>> -> memref<1x128xi32, #tpu.memory_space<vmem>>
      %dma_wait3A_65 = tpu.memref_squeeze %dma_wait3A_64 : memref<1x128xi32, #tpu.memory_space<vmem>> -> memref<128xi32, #tpu.memory_space<vmem>>
      %dma_wait3A_66 = arith.constant 0 : i32
      %dma_wait3A_67 = arith.constant 0 : i32
      %dma_wait3A_68 = tpu.memref_slice %arg2[%arg0, %dma_wait3A_66, %dma_wait3A_67] : memref<2x50048x32xf32, #tpu.memory_space<hbm>> -> memref<1x50048x32xf32, #tpu.memory_space<hbm>>
      %dma_wait3A_69 = tpu.memref_squeeze %dma_wait3A_68 : memref<1x50048x32xf32, #tpu.memory_space<hbm>> -> memref<50048x32xf32, #tpu.memory_space<hbm>>
      %dma_wait3A_70 = arith.constant 0 : i32
      %dma_wait3A_71 = arith.constant 0 : i32
      %dma_wait3A_72 = tpu.memref_slice %dma_wait3A_69[%dma_wait3A_70, %dma_wait3A_71] : memref<50048x32xf32, #tpu.memory_space<hbm>> -> memref<50048x32xf32, #tpu.memory_space<hbm>>
      tpu.wait_indirect_dma semaphore(%arg11 : memref<!tpu.dma_semaphore, #tpu.memory_space<semaphore_mem>>) src(%dma_wait3A_72 : memref<50048x32xf32, #tpu.memory_space<hbm>>) dst(%dma_wait3A_62 : memref<128x32xf32, #tpu.memory_space<vmem>>)
      %dma_start3A_73 = arith.constant 0 : i32
      %dma_start3A_74 = arith.constant 54 : i32
      %dma_start3A_75 = arith.constant 0 : i32
      %dma_start3A_76 = arith.constant 0 : i32
      %dma_start3A_77 = tpu.memref_slice %arg9[%dma_start3A_73, %dma_start3A_75, %dma_start3A_76] : memref<2x128x32xf32, #tpu.memory_space<vmem>> -> memref<1x128x32xf32, #tpu.memory_space<vmem>>
      %dma_start3A_78 = tpu.memref_squeeze %dma_start3A_77 : memref<1x128x32xf32, #tpu.memory_space<vmem>> -> memref<128x32xf32, #tpu.memory_space<vmem>>
      %dma_start3A_79 = arith.constant 0 : i32
      %dma_start3A_80 = tpu.memref_slice %arg8[%dma_start3A_74, %dma_start3A_79] : memref<56x128xi32, #tpu.memory_space<vmem>> -> memref<1x128xi32, #tpu.memory_space<vmem>>
      %dma_start3A_81 = tpu.memref_squeeze %dma_start3A_80 : memref<1x128xi32, #tpu.memory_space<vmem>> -> memref<128xi32, #tpu.memory_space<vmem>>
      %dma_start3A_82 = arith.constant 0 : i32
      %dma_start3A_83 = arith.constant 0 : i32
      %dma_start3A_84 = tpu.memref_slice %arg10[%dma_start3A_82, %dma_start3A_83] : memref<50048x32xf32, #tpu.memory_space<vmem_shared>> -> memref<50048x32xf32, #tpu.memory_space<vmem_shared>>
      tpu.enqueue_indirect_dma source(%dma_start3A_78 : memref<128x32xf32, #tpu.memory_space<vmem>>) target(%dma_start3A_84 : memref<50048x32xf32, #tpu.memory_space<vmem_shared>>) offsets(%dma_start3A_81 : memref<128xi32, #tpu.memory_space<vmem>>) semaphore(%arg13 : memref<!tpu.dma_semaphore, #tpu.memory_space<semaphore_mem>>) {add = true}
      %dma_wait3A_85 = arith.constant 0 : i32
      %dma_wait3A_86 = arith.constant 54 : i32
      %dma_wait3A_87 = arith.constant 0 : i32
      %dma_wait3A_88 = arith.constant 0 : i32
      %dma_wait3A_89 = tpu.memref_slice %arg9[%dma_wait3A_85, %dma_wait3A_87, %dma_wait3A_88] : memref<2x128x32xf32, #tpu.memory_space<vmem>> -> memref<1x128x32xf32, #tpu.memory_space<vmem>>
      %dma_wait3A_90 = tpu.memref_squeeze %dma_wait3A_89 : memref<1x128x32xf32, #tpu.memory_space<vmem>> -> memref<128x32xf32, #tpu.memory_space<vmem>>
      %dma_wait3A_91 = arith.constant 0 : i32
      %dma_wait3A_92 = tpu.memref_slice %arg8[%dma_wait3A_86, %dma_wait3A_91] : memref<56x128xi32, #tpu.memory_space<vmem>> -> memref<1x128xi32, #tpu.memory_space<vmem>>
      %dma_wait3A_93 = tpu.memref_squeeze %dma_wait3A_92 : memref<1x128xi32, #tpu.memory_space<vmem>> -> memref<128xi32, #tpu.memory_space<vmem>>
      %dma_wait3A_94 = arith.constant 0 : i32
      %dma_wait3A_95 = arith.constant 0 : i32
      %dma_wait3A_96 = tpu.memref_slice %arg10[%dma_wait3A_94, %dma_wait3A_95] : memref<50048x32xf32, #tpu.memory_space<vmem_shared>> -> memref<50048x32xf32, #tpu.memory_space<vmem_shared>>
      tpu.wait_indirect_dma semaphore(%arg13 : memref<!tpu.dma_semaphore, #tpu.memory_space<semaphore_mem>>) src(%dma_wait3A_90 : memref<128x32xf32, #tpu.memory_space<vmem>>) dst(%dma_wait3A_96 : memref<50048x32xf32, #tpu.memory_space<vmem_shared>>)
      %dma_wait3A_97 = arith.constant 55 : i32
      %dma_wait3A_98 = arith.constant 1 : i32
      %dma_wait3A_99 = arith.constant 0 : i32
      %dma_wait3A_100 = arith.constant 0 : i32
      %dma_wait3A_101 = tpu.memref_slice %arg9[%dma_wait3A_98, %dma_wait3A_99, %dma_wait3A_100] : memref<2x128x32xf32, #tpu.memory_space<vmem>> -> memref<1x128x32xf32, #tpu.memory_space<vmem>>
      %dma_wait3A_102 = tpu.memref_squeeze %dma_wait3A_101 : memref<1x128x32xf32, #tpu.memory_space<vmem>> -> memref<128x32xf32, #tpu.memory_space<vmem>>
      %dma_wait3A_103 = arith.constant 0 : i32
      %dma_wait3A_104 = tpu.memref_slice %arg7[%dma_wait3A_97, %dma_wait3A_103] : memref<56x128xi32, #tpu.memory_space<vmem>> -> memref<1x128xi32, #tpu.memory_space<vmem>>
      %dma_wait3A_105 = tpu.memref_squeeze %dma_wait3A_104 : memref<1x128xi32, #tpu.memory_space<vmem>> -> memref<128xi32, #tpu.memory_space<vmem>>
      %dma_wait3A_106 = arith.constant 0 : i32
      %dma_wait3A_107 = arith.constant 0 : i32
      %dma_wait3A_108 = tpu.memref_slice %arg2[%arg0, %dma_wait3A_106, %dma_wait3A_107] : memref<2x50048x32xf32, #tpu.memory_space<hbm>> -> memref<1x50048x32xf32, #tpu.memory_space<hbm>>
      %dma_wait3A_109 = tpu.memref_squeeze %dma_wait3A_108 : memref<1x50048x32xf32, #tpu.memory_space<hbm>> -> memref<50048x32xf32, #tpu.memory_space<hbm>>
      %dma_wait3A_110 = arith.constant 0 : i32
      %dma_wait3A_111 = arith.constant 0 : i32
      %dma_wait3A_112 = tpu.memref_slice %dma_wait3A_109[%dma_wait3A_110, %dma_wait3A_111] : memref<50048x32xf32, #tpu.memory_space<hbm>> -> memref<50048x32xf32, #tpu.memory_space<hbm>>
      tpu.wait_indirect_dma semaphore(%arg12 : memref<!tpu.dma_semaphore, #tpu.memory_space<semaphore_mem>>) src(%dma_wait3A_112 : memref<50048x32xf32, #tpu.memory_space<hbm>>) dst(%dma_wait3A_102 : memref<128x32xf32, #tpu.memory_space<vmem>>)
      %dma_start3A_113 = arith.constant 1 : i32
      %dma_start3A_114 = arith.constant 55 : i32
      %dma_start3A_115 = arith.constant 0 : i32
      %dma_start3A_116 = arith.constant 0 : i32
      %dma_start3A_117 = tpu.memref_slice %arg9[%dma_start3A_113, %dma_start3A_115, %dma_start3A_116] : memref<2x128x32xf32, #tpu.memory_space<vmem>> -> memref<1x128x32xf32, #tpu.memory_space<vmem>>
      %dma_start3A_118 = tpu.memref_squeeze %dma_start3A_117 : memref<1x128x32xf32, #tpu.memory_space<vmem>> -> memref<128x32xf32, #tpu.memory_space<vmem>>
      %dma_start3A_119 = arith.constant 0 : i32
      %dma_start3A_120 = tpu.memref_slice %arg8[%dma_start3A_114, %dma_start3A_119] : memref<56x128xi32, #tpu.memory_space<vmem>> -> memref<1x128xi32, #tpu.memory_space<vmem>>
      %dma_start3A_121 = tpu.memref_squeeze %dma_start3A_120 : memref<1x128xi32, #tpu.memory_space<vmem>> -> memref<128xi32, #tpu.memory_space<vmem>>
      %dma_start3A_122 = arith.constant 0 : i32
      %dma_start3A_123 = arith.constant 0 : i32
      %dma_start3A_124 = tpu.memref_slice %arg10[%dma_start3A_122, %dma_start3A_123] : memref<50048x32xf32, #tpu.memory_space<vmem_shared>> -> memref<50048x32xf32, #tpu.memory_space<vmem_shared>>
      tpu.enqueue_indirect_dma source(%dma_start3A_118 : memref<128x32xf32, #tpu.memory_space<vmem>>) target(%dma_start3A_124 : memref<50048x32xf32, #tpu.memory_space<vmem_shared>>) offsets(%dma_start3A_121 : memref<128xi32, #tpu.memory_space<vmem>>) semaphore(%arg14 : memref<!tpu.dma_semaphore, #tpu.memory_space<semaphore_mem>>) {add = true}
      %dma_wait3A_125 = arith.constant 1 : i32
      %dma_wait3A_126 = arith.constant 55 : i32
      %dma_wait3A_127 = arith.constant 0 : i32
      %dma_wait3A_128 = arith.constant 0 : i32
      %dma_wait3A_129 = tpu.memref_slice %arg9[%dma_wait3A_125, %dma_wait3A_127, %dma_wait3A_128] : memref<2x128x32xf32, #tpu.memory_space<vmem>> -> memref<1x128x32xf32, #tpu.memory_space<vmem>>
      %dma_wait3A_130 = tpu.memref_squeeze %dma_wait3A_129 : memref<1x128x32xf32, #tpu.memory_space<vmem>> -> memref<128x32xf32, #tpu.memory_space<vmem>>
      %dma_wait3A_131 = arith.constant 0 : i32
      %dma_wait3A_132 = tpu.memref_slice %arg8[%dma_wait3A_126, %dma_wait3A_131] : memref<56x128xi32, #tpu.memory_space<vmem>> -> memref<1x128xi32, #tpu.memory_space<vmem>>
      %dma_wait3A_133 = tpu.memref_squeeze %dma_wait3A_132 : memref<1x128xi32, #tpu.memory_space<vmem>> -> memref<128xi32, #tpu.memory_space<vmem>>
      %dma_wait3A_134 = arith.constant 0 : i32
      %dma_wait3A_135 = arith.constant 0 : i32
      %dma_wait3A_136 = tpu.memref_slice %arg10[%dma_wait3A_134, %dma_wait3A_135] : memref<50048x32xf32, #tpu.memory_space<vmem_shared>> -> memref<50048x32xf32, #tpu.memory_space<vmem_shared>>
      tpu.wait_indirect_dma semaphore(%arg14 : memref<!tpu.dma_semaphore, #tpu.memory_space<semaphore_mem>>) src(%dma_wait3A_130 : memref<128x32xf32, #tpu.memory_space<vmem>>) dst(%dma_wait3A_136 : memref<50048x32xf32, #tpu.memory_space<vmem_shared>>)
    }
    %scan3A_7 = arith.constant 7 : i32
    %barrier3A_8 = arith.constant 0 : index
    tpu.barrier barrier_id(%barrier3A_8)
    %mul3A_9 = arith.constant 3128 : i32
    %mul3A_10 = arith.muli %arg1, %mul3A_9 : i32
    %mul3A_11 = arith.constant 3128 : i32
    %mul3A_12 = arith.muli %arg1, %mul3A_11 : i32
    "tpu.region"() ({
      %run_scoped3A = tpu.sem_alloc : memref<!tpu.dma_semaphore, #tpu.memory_space<semaphore_mem>>
      %dma_start3A = arith.constant 0 : i32
      %dma_start3A_13 = arith.constant 0 : i32
      %dma_start3A_14 = tpu.memref_slice %arg6[%arg0, %dma_start3A, %dma_start3A_13] : memref<2x50048x32xf32, #tpu.memory_space<hbm>> -> memref<1x50048x32xf32, #tpu.memory_space<hbm>>
      %dma_start3A_15 = tpu.memref_squeeze %dma_start3A_14 : memref<1x50048x32xf32, #tpu.memory_space<hbm>> -> memref<50048x32xf32, #tpu.memory_space<hbm>>
      %dma_start3A_16 = arith.constant 0 : i32
      %dma_start3A_17 = tpu.memref_slice %dma_start3A_15[%mul3A_12, %dma_start3A_16] : memref<50048x32xf32, #tpu.memory_space<hbm>> -> memref<3128x32xf32, #tpu.memory_space<hbm>>
      %dma_start3A_18 = arith.constant 0 : i32
      %dma_start3A_19 = tpu.memref_slice %arg10[%mul3A_10, %dma_start3A_18] : memref<50048x32xf32, #tpu.memory_space<vmem_shared>> -> memref<3128x32xf32, #tpu.memory_space<vmem_shared>>
      tpu.enqueue_dma source(%dma_start3A_19 : memref<3128x32xf32, #tpu.memory_space<vmem_shared>>) target(%dma_start3A_17 : memref<3128x32xf32, #tpu.memory_space<hbm>>) target_semaphore(%run_scoped3A : memref<!tpu.dma_semaphore, #tpu.memory_space<semaphore_mem>>)
      %dma_wait3A = arith.constant 0 : i32
      %dma_wait3A_20 = arith.constant 0 : i32
      %dma_wait3A_21 = tpu.memref_slice %arg6[%arg0, %dma_wait3A, %dma_wait3A_20] : memref<2x50048x32xf32, #tpu.memory_space<hbm>> -> memref<1x50048x32xf32, #tpu.memory_space<hbm>>
      %dma_wait3A_22 = tpu.memref_squeeze %dma_wait3A_21 : memref<1x50048x32xf32, #tpu.memory_space<hbm>> -> memref<50048x32xf32, #tpu.memory_space<hbm>>
      %dma_wait3A_23 = arith.constant 0 : i32
      %dma_wait3A_24 = tpu.memref_slice %dma_wait3A_22[%mul3A_12, %dma_wait3A_23] : memref<50048x32xf32, #tpu.memory_space<hbm>> -> memref<3128x32xf32, #tpu.memory_space<hbm>>
      %dma_wait3A_25 = arith.constant 0 : i32
      %dma_wait3A_26 = tpu.memref_slice %arg10[%mul3A_10, %dma_wait3A_25] : memref<50048x32xf32, #tpu.memory_space<vmem_shared>> -> memref<3128x32xf32, #tpu.memory_space<vmem_shared>>
      tpu.wait_dma2 semaphore(%run_scoped3A : memref<!tpu.dma_semaphore, #tpu.memory_space<semaphore_mem>>) src(%dma_wait3A_26 : memref<3128x32xf32, #tpu.memory_space<vmem_shared>>) dst(%dma_wait3A_24 : memref<3128x32xf32, #tpu.memory_space<hbm>>)
      tpu.yield
    }) : () -> ()
    return
  }
}

#map = affine_map<(d0, d1) -> (0, 0)>
#map1 = affine_map<(d0, d1) -> (0)>
module attributes {stable_mosaic.version = 14 : i64} {
  func.func @_sc_deg(%arg0: i32, %arg1: i32, %arg2: memref<51200x16xi32, #tpu.memory_space<hbm>>, %arg3: memref<50048xf32, #tpu.memory_space<hbm>>, %arg4: memref<1601536xf32, #tpu.memory_space<hbm>>, %arg5: memref<1600x16xi32, #tpu.memory_space<vmem>>, %arg6: memref<50048xf32, #tpu.memory_space<vmem>>) attributes {dimension_semantics = [#tpu.dimension_semantics<core_parallel>, #tpu.dimension_semantics<subcore_parallel>], iteration_bounds = array<i64: 2, 16>, scalar_prefetch = 0 : i64, scratch_operands = 2 : i64, tpu.core_type = #tpu.core_type<sc_vector_subcore>, window_params = [{transform_indices = #map}, {transform_indices = #map1}, {transform_indices = #map1}]} {
    %mul3A = arith.constant 16 : i32
    %mul3A_0 = arith.muli %arg0, %mul3A : i32
    %add3A = arith.addi %mul3A_0, %arg1 : i32
    "tpu.region"() ({
      %run_scoped3A = tpu.sem_alloc : memref<!tpu.dma_semaphore, #tpu.memory_space<semaphore_mem>>
      tpu.enqueue_dma source(%arg3 : memref<50048xf32, #tpu.memory_space<hbm>>) target(%arg6 : memref<50048xf32, #tpu.memory_space<vmem>>) target_semaphore(%run_scoped3A : memref<!tpu.dma_semaphore, #tpu.memory_space<semaphore_mem>>)
      tpu.wait_dma2 semaphore(%run_scoped3A : memref<!tpu.dma_semaphore, #tpu.memory_space<semaphore_mem>>) src(%arg3 : memref<50048xf32, #tpu.memory_space<hbm>>) dst(%arg6 : memref<50048xf32, #tpu.memory_space<vmem>>)
      tpu.yield
    }) : () -> ()
    %mul3A_1 = arith.constant 1600 : i32
    %mul3A_2 = arith.muli %add3A, %mul3A_1 : i32
    "tpu.region"() ({
      %run_scoped3A = tpu.sem_alloc : memref<!tpu.dma_semaphore, #tpu.memory_space<semaphore_mem>>
      %dma_start3A = arith.constant 0 : i32
      %dma_start3A_11 = tpu.memref_slice %arg2[%mul3A_2, %dma_start3A] : memref<51200x16xi32, #tpu.memory_space<hbm>> -> memref<1600x16xi32, #tpu.memory_space<hbm>>
      %dma_start3A_12 = arith.constant 0 : i32
      %dma_start3A_13 = tpu.memref_slice %arg2[%mul3A_2, %dma_start3A_12] : memref<51200x16xi32, #tpu.memory_space<hbm>> -> memref<1600x16xi32, #tpu.memory_space<hbm>>
      tpu.enqueue_dma source(%dma_start3A_13 : memref<1600x16xi32, #tpu.memory_space<hbm>>) target(%arg5 : memref<1600x16xi32, #tpu.memory_space<vmem>>) target_semaphore(%run_scoped3A : memref<!tpu.dma_semaphore, #tpu.memory_space<semaphore_mem>>)
      %dma_wait3A = arith.constant 0 : i32
      %dma_wait3A_14 = tpu.memref_slice %arg2[%mul3A_2, %dma_wait3A] : memref<51200x16xi32, #tpu.memory_space<hbm>> -> memref<1600x16xi32, #tpu.memory_space<hbm>>
      %dma_wait3A_15 = arith.constant 0 : i32
      %dma_wait3A_16 = tpu.memref_slice %arg2[%mul3A_2, %dma_wait3A_15] : memref<51200x16xi32, #tpu.memory_space<hbm>> -> memref<1600x16xi32, #tpu.memory_space<hbm>>
      tpu.wait_dma2 semaphore(%run_scoped3A : memref<!tpu.dma_semaphore, #tpu.memory_space<semaphore_mem>>) src(%dma_wait3A_16 : memref<1600x16xi32, #tpu.memory_space<hbm>>) dst(%arg5 : memref<1600x16xi32, #tpu.memory_space<vmem>>)
      tpu.yield
    }) : () -> ()
    %broadcast_in_dim3A = arith.constant 1.000000e+00 : f32
    %broadcast_in_dim3A_3 = vector.broadcast %broadcast_in_dim3A : f32 to vector<16xf32>
    %scan3A = arith.constant 0 : i32
    %scan3A_4 = arith.constant 0 : i32
    %scan3A_5 = arith.constant 1600 : i32
    %scan3A_6 = arith.addi %scan3A_4, %scan3A_5 : i32
    %scan3A_7 = arith.constant 1 : i32
    scf.for %scan3A_11 = %scan3A_4 to %scan3A_6 step %scan3A_7  : i32 {
      %get3A = arith.index_cast %scan3A_11 : i32 to index
      %get3A_12 = arith.constant 0 : index
      %get3A_13 = tpu.vector_load %arg5[%get3A, %get3A_12] {strides = array<i32>} : memref<1600x16xi32, #tpu.memory_space<vmem>>, vector<16xi32>,
      tpu.vector_store_idx %arg6[%get3A_13], %broadcast_in_dim3A_3 {add = true} : memref<50048xf32, #tpu.memory_space<vmem>>[vector<16xi32>], vector<16xf32>,
    }
    %scan3A_8 = arith.constant 1600 : i32
    %mul3A_9 = arith.constant 50048 : i32
    %mul3A_10 = arith.muli %add3A, %mul3A_9 : i32
    "tpu.region"() ({
      %run_scoped3A = tpu.sem_alloc : memref<!tpu.dma_semaphore, #tpu.memory_space<semaphore_mem>>
      %dma_start3A = tpu.memref_slice %arg4[%mul3A_10] : memref<1601536xf32, #tpu.memory_space<hbm>> -> memref<50048xf32, #tpu.memory_space<hbm>>
      %dma_start3A_11 = tpu.memref_slice %arg4[%mul3A_10] : memref<1601536xf32, #tpu.memory_space<hbm>> -> memref<50048xf32, #tpu.memory_space<hbm>>
      tpu.enqueue_dma source(%arg6 : memref<50048xf32, #tpu.memory_space<vmem>>) target(%dma_start3A_11 : memref<50048xf32, #tpu.memory_space<hbm>>) target_semaphore(%run_scoped3A : memref<!tpu.dma_semaphore, #tpu.memory_space<semaphore_mem>>)
      %dma_wait3A = tpu.memref_slice %arg4[%mul3A_10] : memref<1601536xf32, #tpu.memory_space<hbm>> -> memref<50048xf32, #tpu.memory_space<hbm>>
      %dma_wait3A_12 = tpu.memref_slice %arg4[%mul3A_10] : memref<1601536xf32, #tpu.memory_space<hbm>> -> memref<50048xf32, #tpu.memory_space<hbm>>
      tpu.wait_dma2 semaphore(%run_scoped3A : memref<!tpu.dma_semaphore, #tpu.memory_space<semaphore_mem>>) src(%arg6 : memref<50048xf32, #tpu.memory_space<vmem>>) dst(%dma_wait3A_12 : memref<50048xf32, #tpu.memory_space<hbm>>)
      tpu.yield
    }) : () -> ()
    return
  }
}

#map = affine_map<(d0, d1) -> (0, 0, 0)>
#map1 = affine_map<(d0, d1) -> (0, 0)>
module attributes {stable_mosaic.version = 14 : i64} {
  func.func @_sc_edge(%arg0: i32, %arg1: i32, %arg2: memref<2x50048x32xf32, #tpu.memory_space<hbm>>, %arg3: memref<6272x128xi32, #tpu.memory_space<hbm>>, %arg4: memref<6272x128xi32, #tpu.memory_space<hbm>>, %arg5: memref<50048x32xf32, #tpu.memory_space<hbm>>, %arg6: memref<2x50048x32xf32, #tpu.memory_space<hbm>>, %arg7: memref<56x128xi32, #tpu.memory_space<vmem>>, %arg8: memref<56x128xi32, #tpu.memory_space<vmem>>, %arg9: memref<2x128x32xf32, #tpu.memory_space<vmem>>, %arg10: memref<50048x32xf32, #tpu.memory_space<vmem_shared>>, %arg11: memref<!tpu.dma_semaphore, #tpu.memory_space<semaphore_mem>>, %arg12: memref<!tpu.dma_semaphore, #tpu.memory_space<semaphore_mem>>, %arg13: memref<!tpu.dma_semaphore, #tpu.memory_space<semaphore_mem>>, %arg14: memref<!tpu.dma_semaphore, #tpu.memory_space<semaphore_mem>>) attributes {dimension_semantics = [#tpu.dimension_semantics<core_parallel>, #tpu.dimension_semantics<subcore_parallel>], iteration_bounds = array<i64: 2, 16>, scalar_prefetch = 0 : i64, scratch_operands = 8 : i64, tpu.core_type = #tpu.core_type<sc_vector_subcore>, window_params = [{transform_indices = #map}, {transform_indices = #map1}, {transform_indices = #map1}, {transform_indices = #map1}, {transform_indices = #map}]} {
    %mul3A = arith.constant 3128 : i32
    %mul3A_0 = arith.muli %arg1, %mul3A : i32
    %mul3A_1 = arith.constant 3128 : i32
    %mul3A_2 = arith.muli %arg1, %mul3A_1 : i32
    "tpu.region"() ({
      %run_scoped3A = tpu.sem_alloc : memref<!tpu.dma_semaphore, #tpu.memory_space<semaphore_mem>>
      %dma_start3A = arith.constant 0 : i32
      %dma_start3A_13 = tpu.memref_slice %arg10[%mul3A_2, %dma_start3A] : memref<50048x32xf32, #tpu.memory_space<vmem_shared>> -> memref<3128x32xf32, #tpu.memory_space<vmem_shared>>
      %dma_start3A_14 = arith.constant 0 : i32
      %dma_start3A_15 = tpu.memref_slice %arg5[%mul3A_0, %dma_start3A_14] : memref<50048x32xf32, #tpu.memory_space<hbm>> -> memref<3128x32xf32, #tpu.memory_space<hbm>>
      tpu.enqueue_dma source(%dma_start3A_15 : memref<3128x32xf32, #tpu.memory_space<hbm>>) target(%dma_start3A_13 : memref<3128x32xf32, #tpu.memory_space<vmem_shared>>) target_semaphore(%run_scoped3A : memref<!tpu.dma_semaphore, #tpu.memory_space<semaphore_mem>>)
      %dma_wait3A = arith.constant 0 : i32
      %dma_wait3A_16 = tpu.memref_slice %arg10[%mul3A_2, %dma_wait3A] : memref<50048x32xf32, #tpu.memory_space<vmem_shared>> -> memref<3128x32xf32, #tpu.memory_space<vmem_shared>>
      %dma_wait3A_17 = arith.constant 0 : i32
      %dma_wait3A_18 = tpu.memref_slice %arg5[%mul3A_0, %dma_wait3A_17] : memref<50048x32xf32, #tpu.memory_space<hbm>> -> memref<3128x32xf32, #tpu.memory_space<hbm>>
      tpu.wait_dma2 semaphore(%run_scoped3A : memref<!tpu.dma_semaphore, #tpu.memory_space<semaphore_mem>>) src(%dma_wait3A_18 : memref<3128x32xf32, #tpu.memory_space<hbm>>) dst(%dma_wait3A_16 : memref<3128x32xf32, #tpu.memory_space<vmem_shared>>)
      tpu.yield
    }) : () -> ()
    %barrier3A = arith.constant 0 : index
    tpu.barrier barrier_id(%barrier3A)
    %scan3A = arith.constant 0 : i32
    %scan3A_3 = arith.constant 0 : i32
    %scan3A_4 = arith.constant 7 : i32
    %scan3A_5 = arith.addi %scan3A_3, %scan3A_4 : i32
    %scan3A_6 = arith.constant 1 : i32
    scf.for %scan3A_13 = %scan3A_3 to %scan3A_5 step %scan3A_6  : i32 {
      %mul3A_14 = arith.constant 56 : i32
      %mul3A_15 = arith.muli %scan3A_13, %mul3A_14 : i32
      %mul3A_16 = arith.constant 392 : i32
      %mul3A_17 = arith.muli %arg1, %mul3A_16 : i32
      %add3A = arith.addi %mul3A_17, %mul3A_15 : i32
      "tpu.region"() ({
        %run_scoped3A = tpu.sem_alloc : memref<!tpu.dma_semaphore, #tpu.memory_space<semaphore_mem>>
        %dma_start3A_137 = arith.constant 0 : i32
        %dma_start3A_138 = tpu.memref_slice %arg3[%add3A, %dma_start3A_137] : memref<6272x128xi32, #tpu.memory_space<hbm>> -> memref<56x128xi32, #tpu.memory_space<hbm>>
        %dma_start3A_139 = arith.constant 0 : i32
        %dma_start3A_140 = tpu.memref_slice %arg3[%add3A, %dma_start3A_139] : memref<6272x128xi32, #tpu.memory_space<hbm>> -> memref<56x128xi32, #tpu.memory_space<hbm>>
        tpu.enqueue_dma source(%dma_start3A_140 : memref<56x128xi32, #tpu.memory_space<hbm>>) target(%arg7 : memref<56x128xi32, #tpu.memory_space<vmem>>) target_semaphore(%run_scoped3A : memref<!tpu.dma_semaphore, #tpu.memory_space<semaphore_mem>>)
        %dma_wait3A_141 = arith.constant 0 : i32
        %dma_wait3A_142 = tpu.memref_slice %arg3[%add3A, %dma_wait3A_141] : memref<6272x128xi32, #tpu.memory_space<hbm>> -> memref<56x128xi32, #tpu.memory_space<hbm>>
        %dma_wait3A_143 = arith.constant 0 : i32
        %dma_wait3A_144 = tpu.memref_slice %arg3[%add3A, %dma_wait3A_143] : memref<6272x128xi32, #tpu.memory_space<hbm>> -> memref<56x128xi32, #tpu.memory_space<hbm>>
        tpu.wait_dma2 semaphore(%run_scoped3A : memref<!tpu.dma_semaphore, #tpu.memory_space<semaphore_mem>>) src(%dma_wait3A_144 : memref<56x128xi32, #tpu.memory_space<hbm>>) dst(%arg7 : memref<56x128xi32, #tpu.memory_space<vmem>>)
        tpu.yield
      }) : () -> ()
      %mul3A_18 = arith.constant 392 : i32
      %mul3A_19 = arith.muli %arg1, %mul3A_18 : i32
      %add3A_20 = arith.addi %mul3A_19, %mul3A_15 : i32
      "tpu.region"() ({
        %run_scoped3A = tpu.sem_alloc : memref<!tpu.dma_semaphore, #tpu.memory_space<semaphore_mem>>
        %dma_start3A_137 = arith.constant 0 : i32
        %dma_start3A_138 = tpu.memref_slice %arg4[%add3A_20, %dma_start3A_137] : memref<6272x128xi32, #tpu.memory_space<hbm>> -> memref<56x128xi32, #tpu.memory_space<hbm>>
        %dma_start3A_139 = arith.constant 0 : i32
        %dma_start3A_140 = tpu.memref_slice %arg4[%add3A_20, %dma_start3A_139] : memref<6272x128xi32, #tpu.memory_space<hbm>> -> memref<56x128xi32, #tpu.memory_space<hbm>>
        tpu.enqueue_dma source(%dma_start3A_140 : memref<56x128xi32, #tpu.memory_space<hbm>>) target(%arg8 : memref<56x128xi32, #tpu.memory_space<vmem>>) target_semaphore(%run_scoped3A : memref<!tpu.dma_semaphore, #tpu.memory_space<semaphore_mem>>)
        %dma_wait3A_141 = arith.constant 0 : i32
        %dma_wait3A_142 = tpu.memref_slice %arg4[%add3A_20, %dma_wait3A_141] : memref<6272x128xi32, #tpu.memory_space<hbm>> -> memref<56x128xi32, #tpu.memory_space<hbm>>
        %dma_wait3A_143 = arith.constant 0 : i32
        %dma_wait3A_144 = tpu.memref_slice %arg4[%add3A_20, %dma_wait3A_143] : memref<6272x128xi32, #tpu.memory_space<hbm>> -> memref<56x128xi32, #tpu.memory_space<hbm>>
        tpu.wait_dma2 semaphore(%run_scoped3A : memref<!tpu.dma_semaphore, #tpu.memory_space<semaphore_mem>>) src(%dma_wait3A_144 : memref<56x128xi32, #tpu.memory_space<hbm>>) dst(%arg8 : memref<56x128xi32, #tpu.memory_space<vmem>>)
        tpu.yield
      }) : () -> ()
      %dma_start3A = arith.constant 0 : i32
      %dma_start3A_21 = arith.constant 0 : i32
      %dma_start3A_22 = arith.constant 0 : i32
      %dma_start3A_23 = arith.constant 0 : i32
      %dma_start3A_24 = tpu.memref_slice %arg9[%dma_start3A_21, %dma_start3A_22, %dma_start3A_23] : memref<2x128x32xf32, #tpu.memory_space<vmem>> -> memref<1x128x32xf32, #tpu.memory_space<vmem>>
      %dma_start3A_25 = tpu.memref_squeeze %dma_start3A_24 : memref<1x128x32xf32, #tpu.memory_space<vmem>> -> memref<128x32xf32, #tpu.memory_space<vmem>>
      %dma_start3A_26 = arith.constant 0 : i32
      %dma_start3A_27 = tpu.memref_slice %arg7[%dma_start3A, %dma_start3A_26] : memref<56x128xi32, #tpu.memory_space<vmem>> -> memref<1x128xi32, #tpu.memory_space<vmem>>
      %dma_start3A_28 = tpu.memref_squeeze %dma_start3A_27 : memref<1x128xi32, #tpu.memory_space<vmem>> -> memref<128xi32, #tpu.memory_space<vmem>>
      %dma_start3A_29 = arith.constant 0 : i32
      %dma_start3A_30 = arith.constant 0 : i32
      %dma_start3A_31 = tpu.memref_slice %arg2[%arg0, %dma_start3A_29, %dma_start3A_30] : memref<2x50048x32xf32, #tpu.memory_space<hbm>> -> memref<1x50048x32xf32, #tpu.memory_space<hbm>>
      %dma_start3A_32 = tpu.memref_squeeze %dma_start3A_31 : memref<1x50048x32xf32, #tpu.memory_space<hbm>> -> memref<50048x32xf32, #tpu.memory_space<hbm>>
      %dma_start3A_33 = arith.constant 0 : i32
      %dma_start3A_34 = arith.constant 0 : i32
      %dma_start3A_35 = tpu.memref_slice %dma_start3A_32[%dma_start3A_33, %dma_start3A_34] : memref<50048x32xf32, #tpu.memory_space<hbm>> -> memref<50048x32xf32, #tpu.memory_space<hbm>>
      tpu.enqueue_indirect_dma source(%dma_start3A_35 : memref<50048x32xf32, #tpu.memory_space<hbm>>) target(%dma_start3A_25 : memref<128x32xf32, #tpu.memory_space<vmem>>) offsets(%dma_start3A_28 : memref<128xi32, #tpu.memory_space<vmem>>) semaphore(%arg11 : memref<!tpu.dma_semaphore, #tpu.memory_space<semaphore_mem>>)
      %dma_start3A_36 = arith.constant 1 : i32
      %dma_start3A_37 = arith.constant 1 : i32
      %dma_start3A_38 = arith.constant 0 : i32
      %dma_start3A_39 = arith.constant 0 : i32
      %dma_start3A_40 = tpu.memref_slice %arg9[%dma_start3A_37, %dma_start3A_38, %dma_start3A_39] : memref<2x128x32xf32, #tpu.memory_space<vmem>> -> memref<1x128x32xf32, #tpu.memory_space<vmem>>
      %dma_start3A_41 = tpu.memref_squeeze %dma_start3A_40 : memref<1x128x32xf32, #tpu.memory_space<vmem>> -> memref<128x32xf32, #tpu.memory_space<vmem>>
      %dma_start3A_42 = arith.constant 0 : i32
      %dma_start3A_43 = tpu.memref_slice %arg7[%dma_start3A_36, %dma_start3A_42] : memref<56x128xi32, #tpu.memory_space<vmem>> -> memref<1x128xi32, #tpu.memory_space<vmem>>
      %dma_start3A_44 = tpu.memref_squeeze %dma_start3A_43 : memref<1x128xi32, #tpu.memory_space<vmem>> -> memref<128xi32, #tpu.memory_space<vmem>>
      %dma_start3A_45 = arith.constant 0 : i32
      %dma_start3A_46 = arith.constant 0 : i32
      %dma_start3A_47 = tpu.memref_slice %arg2[%arg0, %dma_start3A_45, %dma_start3A_46] : memref<2x50048x32xf32, #tpu.memory_space<hbm>> -> memref<1x50048x32xf32, #tpu.memory_space<hbm>>
      %dma_start3A_48 = tpu.memref_squeeze %dma_start3A_47 : memref<1x50048x32xf32, #tpu.memory_space<hbm>> -> memref<50048x32xf32, #tpu.memory_space<hbm>>
      %dma_start3A_49 = arith.constant 0 : i32
      %dma_start3A_50 = arith.constant 0 : i32
      %dma_start3A_51 = tpu.memref_slice %dma_start3A_48[%dma_start3A_49, %dma_start3A_50] : memref<50048x32xf32, #tpu.memory_space<hbm>> -> memref<50048x32xf32, #tpu.memory_space<hbm>>
      tpu.enqueue_indirect_dma source(%dma_start3A_51 : memref<50048x32xf32, #tpu.memory_space<hbm>>) target(%dma_start3A_41 : memref<128x32xf32, #tpu.memory_space<vmem>>) offsets(%dma_start3A_44 : memref<128xi32, #tpu.memory_space<vmem>>) semaphore(%arg12 : memref<!tpu.dma_semaphore, #tpu.memory_space<semaphore_mem>>)
      %scan3A_52 = arith.constant 0 : i32
      %scan3A_53 = arith.constant 0 : i32
      %scan3A_54 = arith.constant 27 : i32
      %scan3A_55 = arith.addi %scan3A_53, %scan3A_54 : i32
      %scan3A_56 = arith.constant 1 : i32
      scf.for %scan3A_137 = %scan3A_53 to %scan3A_55 step %scan3A_56  : i32 {
        %mul3A_138 = arith.constant 2 : i32
        %mul3A_139 = arith.muli %mul3A_138, %scan3A_137 : i32
        %add3A_140 = arith.constant 0 : i32
        %add3A_141 = arith.addi %mul3A_139, %add3A_140 : i32
        %dma_wait3A_142 = arith.constant 0 : i32
        %dma_wait3A_143 = arith.constant 0 : i32
        %dma_wait3A_144 = arith.constant 0 : i32
        %dma_wait3A_145 = tpu.memref_slice %arg9[%dma_wait3A_142, %dma_wait3A_143, %dma_wait3A_144] : memref<2x128x32xf32, #tpu.memory_space<vmem>> -> memref<1x128x32xf32, #tpu.memory_space<vmem>>
        %dma_wait3A_146 = tpu.memref_squeeze %dma_wait3A_145 : memref<1x128x32xf32, #tpu.memory_space<vmem>> -> memref<128x32xf32, #tpu.memory_space<vmem>>
        %dma_wait3A_147 = arith.constant 0 : i32
        %dma_wait3A_148 = tpu.memref_slice %arg7[%add3A_141, %dma_wait3A_147] : memref<56x128xi32, #tpu.memory_space<vmem>> -> memref<1x128xi32, #tpu.memory_space<vmem>>
        %dma_wait3A_149 = tpu.memref_squeeze %dma_wait3A_148 : memref<1x128xi32, #tpu.memory_space<vmem>> -> memref<128xi32, #tpu.memory_space<vmem>>
        %dma_wait3A_150 = arith.constant 0 : i32
        %dma_wait3A_151 = arith.constant 0 : i32
        %dma_wait3A_152 = tpu.memref_slice %arg2[%arg0, %dma_wait3A_150, %dma_wait3A_151] : memref<2x50048x32xf32, #tpu.memory_space<hbm>> -> memref<1x50048x32xf32, #tpu.memory_space<hbm>>
        %dma_wait3A_153 = tpu.memref_squeeze %dma_wait3A_152 : memref<1x50048x32xf32, #tpu.memory_space<hbm>> -> memref<50048x32xf32, #tpu.memory_space<hbm>>
        %dma_wait3A_154 = arith.constant 0 : i32
        %dma_wait3A_155 = arith.constant 0 : i32
        %dma_wait3A_156 = tpu.memref_slice %dma_wait3A_153[%dma_wait3A_154, %dma_wait3A_155] : memref<50048x32xf32, #tpu.memory_space<hbm>> -> memref<50048x32xf32, #tpu.memory_space<hbm>>
        tpu.wait_indirect_dma semaphore(%arg11 : memref<!tpu.dma_semaphore, #tpu.memory_space<semaphore_mem>>) src(%dma_wait3A_156 : memref<50048x32xf32, #tpu.memory_space<hbm>>) dst(%dma_wait3A_146 : memref<128x32xf32, #tpu.memory_space<vmem>>)
        %dma_start3A_157 = arith.constant 0 : i32
        %dma_start3A_158 = arith.constant 0 : i32
        %dma_start3A_159 = arith.constant 0 : i32
        %dma_start3A_160 = tpu.memref_slice %arg9[%dma_start3A_157, %dma_start3A_158, %dma_start3A_159] : memref<2x128x32xf32, #tpu.memory_space<vmem>> -> memref<1x128x32xf32, #tpu.memory_space<vmem>>
        %dma_start3A_161 = tpu.memref_squeeze %dma_start3A_160 : memref<1x128x32xf32, #tpu.memory_space<vmem>> -> memref<128x32xf32, #tpu.memory_space<vmem>>
        %dma_start3A_162 = arith.constant 0 : i32
        %dma_start3A_163 = tpu.memref_slice %arg8[%add3A_141, %dma_start3A_162] : memref<56x128xi32, #tpu.memory_space<vmem>> -> memref<1x128xi32, #tpu.memory_space<vmem>>
        %dma_start3A_164 = tpu.memref_squeeze %dma_start3A_163 : memref<1x128xi32, #tpu.memory_space<vmem>> -> memref<128xi32, #tpu.memory_space<vmem>>
        %dma_start3A_165 = arith.constant 0 : i32
        %dma_start3A_166 = arith.constant 0 : i32
        %dma_start3A_167 = tpu.memref_slice %arg10[%dma_start3A_165, %dma_start3A_166] : memref<50048x32xf32, #tpu.memory_space<vmem_shared>> -> memref<50048x32xf32, #tpu.memory_space<vmem_shared>>
        tpu.enqueue_indirect_dma source(%dma_start3A_161 : memref<128x32xf32, #tpu.memory_space<vmem>>) target(%dma_start3A_167 : memref<50048x32xf32, #tpu.memory_space<vmem_shared>>) offsets(%dma_start3A_164 : memref<128xi32, #tpu.memory_space<vmem>>) semaphore(%arg13 : memref<!tpu.dma_semaphore, #tpu.memory_space<semaphore_mem>>) {add = true}
        %dma_wait3A_168 = arith.constant 0 : i32
        %dma_wait3A_169 = arith.constant 0 : i32
        %dma_wait3A_170 = arith.constant 0 : i32
        %dma_wait3A_171 = tpu.memref_slice %arg9[%dma_wait3A_168, %dma_wait3A_169, %dma_wait3A_170] : memref<2x128x32xf32, #tpu.memory_space<vmem>> -> memref<1x128x32xf32, #tpu.memory_space<vmem>>
        %dma_wait3A_172 = tpu.memref_squeeze %dma_wait3A_171 : memref<1x128x32xf32, #tpu.memory_space<vmem>> -> memref<128x32xf32, #tpu.memory_space<vmem>>
        %dma_wait3A_173 = arith.constant 0 : i32
        %dma_wait3A_174 = tpu.memref_slice %arg8[%add3A_141, %dma_wait3A_173] : memref<56x128xi32, #tpu.memory_space<vmem>> -> memref<1x128xi32, #tpu.memory_space<vmem>>
        %dma_wait3A_175 = tpu.memref_squeeze %dma_wait3A_174 : memref<1x128xi32, #tpu.memory_space<vmem>> -> memref<128xi32, #tpu.memory_space<vmem>>
        %dma_wait3A_176 = arith.constant 0 : i32
        %dma_wait3A_177 = arith.constant 0 : i32
        %dma_wait3A_178 = tpu.memref_slice %arg10[%dma_wait3A_176, %dma_wait3A_177] : memref<50048x32xf32, #tpu.memory_space<vmem_shared>> -> memref<50048x32xf32, #tpu.memory_space<vmem_shared>>
        tpu.wait_indirect_dma semaphore(%arg13 : memref<!tpu.dma_semaphore, #tpu.memory_space<semaphore_mem>>) src(%dma_wait3A_172 : memref<128x32xf32, #tpu.memory_space<vmem>>) dst(%dma_wait3A_178 : memref<50048x32xf32, #tpu.memory_space<vmem_shared>>)
        %add3A_179 = arith.constant 2 : i32
        %add3A_180 = arith.addi %add3A_141, %add3A_179 : i32
        %dma_start3A_181 = arith.constant 0 : i32
        %dma_start3A_182 = arith.constant 0 : i32
        %dma_start3A_183 = arith.constant 0 : i32
        %dma_start3A_184 = tpu.memref_slice %arg9[%dma_start3A_181, %dma_start3A_182, %dma_start3A_183] : memref<2x128x32xf32, #tpu.memory_space<vmem>> -> memref<1x128x32xf32, #tpu.memory_space<vmem>>
        %dma_start3A_185 = tpu.memref_squeeze %dma_start3A_184 : memref<1x128x32xf32, #tpu.memory_space<vmem>> -> memref<128x32xf32, #tpu.memory_space<vmem>>
        %dma_start3A_186 = arith.constant 0 : i32
        %dma_start3A_187 = tpu.memref_slice %arg7[%add3A_180, %dma_start3A_186] : memref<56x128xi32, #tpu.memory_space<vmem>> -> memref<1x128xi32, #tpu.memory_space<vmem>>
        %dma_start3A_188 = tpu.memref_squeeze %dma_start3A_187 : memref<1x128xi32, #tpu.memory_space<vmem>> -> memref<128xi32, #tpu.memory_space<vmem>>
        %dma_start3A_189 = arith.constant 0 : i32
        %dma_start3A_190 = arith.constant 0 : i32
        %dma_start3A_191 = tpu.memref_slice %arg2[%arg0, %dma_start3A_189, %dma_start3A_190] : memref<2x50048x32xf32, #tpu.memory_space<hbm>> -> memref<1x50048x32xf32, #tpu.memory_space<hbm>>
        %dma_start3A_192 = tpu.memref_squeeze %dma_start3A_191 : memref<1x50048x32xf32, #tpu.memory_space<hbm>> -> memref<50048x32xf32, #tpu.memory_space<hbm>>
        %dma_start3A_193 = arith.constant 0 : i32
        %dma_start3A_194 = arith.constant 0 : i32
        %dma_start3A_195 = tpu.memref_slice %dma_start3A_192[%dma_start3A_193, %dma_start3A_194] : memref<50048x32xf32, #tpu.memory_space<hbm>> -> memref<50048x32xf32, #tpu.memory_space<hbm>>
        tpu.enqueue_indirect_dma source(%dma_start3A_195 : memref<50048x32xf32, #tpu.memory_space<hbm>>) target(%dma_start3A_185 : memref<128x32xf32, #tpu.memory_space<vmem>>) offsets(%dma_start3A_188 : memref<128xi32, #tpu.memory_space<vmem>>) semaphore(%arg11 : memref<!tpu.dma_semaphore, #tpu.memory_space<semaphore_mem>>)
        %mul3A_196 = arith.constant 2 : i32
        %mul3A_197 = arith.muli %mul3A_196, %scan3A_137 : i32
        %add3A_198 = arith.constant 1 : i32
        %add3A_199 = arith.addi %mul3A_197, %add3A_198 : i32
        %dma_wait3A_200 = arith.constant 1 : i32
        %dma_wait3A_201 = arith.constant 0 : i32
        %dma_wait3A_202 = arith.constant 0 : i32
        %dma_wait3A_203 = tpu.memref_slice %arg9[%dma_wait3A_200, %dma_wait3A_201, %dma_wait3A_202] : memref<2x128x32xf32, #tpu.memory_space<vmem>> -> memref<1x128x32xf32, #tpu.memory_space<vmem>>
        %dma_wait3A_204 = tpu.memref_squeeze %dma_wait3A_203 : memref<1x128x32xf32, #tpu.memory_space<vmem>> -> memref<128x32xf32, #tpu.memory_space<vmem>>
        %dma_wait3A_205 = arith.constant 0 : i32
        %dma_wait3A_206 = tpu.memref_slice %arg7[%add3A_199, %dma_wait3A_205] : memref<56x128xi32, #tpu.memory_space<vmem>> -> memref<1x128xi32, #tpu.memory_space<vmem>>
        %dma_wait3A_207 = tpu.memref_squeeze %dma_wait3A_206 : memref<1x128xi32, #tpu.memory_space<vmem>> -> memref<128xi32, #tpu.memory_space<vmem>>
        %dma_wait3A_208 = arith.constant 0 : i32
        %dma_wait3A_209 = arith.constant 0 : i32
        %dma_wait3A_210 = tpu.memref_slice %arg2[%arg0, %dma_wait3A_208, %dma_wait3A_209] : memref<2x50048x32xf32, #tpu.memory_space<hbm>> -> memref<1x50048x32xf32, #tpu.memory_space<hbm>>
        %dma_wait3A_211 = tpu.memref_squeeze %dma_wait3A_210 : memref<1x50048x32xf32, #tpu.memory_space<hbm>> -> memref<50048x32xf32, #tpu.memory_space<hbm>>
        %dma_wait3A_212 = arith.constant 0 : i32
        %dma_wait3A_213 = arith.constant 0 : i32
        %dma_wait3A_214 = tpu.memref_slice %dma_wait3A_211[%dma_wait3A_212, %dma_wait3A_213] : memref<50048x32xf32, #tpu.memory_space<hbm>> -> memref<50048x32xf32, #tpu.memory_space<hbm>>
        tpu.wait_indirect_dma semaphore(%arg12 : memref<!tpu.dma_semaphore, #tpu.memory_space<semaphore_mem>>) src(%dma_wait3A_214 : memref<50048x32xf32, #tpu.memory_space<hbm>>) dst(%dma_wait3A_204 : memref<128x32xf32, #tpu.memory_space<vmem>>)
        %dma_start3A_215 = arith.constant 1 : i32
        %dma_start3A_216 = arith.constant 0 : i32
        %dma_start3A_217 = arith.constant 0 : i32
        %dma_start3A_218 = tpu.memref_slice %arg9[%dma_start3A_215, %dma_start3A_216, %dma_start3A_217] : memref<2x128x32xf32, #tpu.memory_space<vmem>> -> memref<1x128x32xf32, #tpu.memory_space<vmem>>
        %dma_start3A_219 = tpu.memref_squeeze %dma_start3A_218 : memref<1x128x32xf32, #tpu.memory_space<vmem>> -> memref<128x32xf32, #tpu.memory_space<vmem>>
        %dma_start3A_220 = arith.constant 0 : i32
        %dma_start3A_221 = tpu.memref_slice %arg8[%add3A_199, %dma_start3A_220] : memref<56x128xi32, #tpu.memory_space<vmem>> -> memref<1x128xi32, #tpu.memory_space<vmem>>
        %dma_start3A_222 = tpu.memref_squeeze %dma_start3A_221 : memref<1x128xi32, #tpu.memory_space<vmem>> -> memref<128xi32, #tpu.memory_space<vmem>>
        %dma_start3A_223 = arith.constant 0 : i32
        %dma_start3A_224 = arith.constant 0 : i32
        %dma_start3A_225 = tpu.memref_slice %arg10[%dma_start3A_223, %dma_start3A_224] : memref<50048x32xf32, #tpu.memory_space<vmem_shared>> -> memref<50048x32xf32, #tpu.memory_space<vmem_shared>>
        tpu.enqueue_indirect_dma source(%dma_start3A_219 : memref<128x32xf32, #tpu.memory_space<vmem>>) target(%dma_start3A_225 : memref<50048x32xf32, #tpu.memory_space<vmem_shared>>) offsets(%dma_start3A_222 : memref<128xi32, #tpu.memory_space<vmem>>) semaphore(%arg14 : memref<!tpu.dma_semaphore, #tpu.memory_space<semaphore_mem>>) {add = true}
        %dma_wait3A_226 = arith.constant 1 : i32
        %dma_wait3A_227 = arith.constant 0 : i32
        %dma_wait3A_228 = arith.constant 0 : i32
        %dma_wait3A_229 = tpu.memref_slice %arg9[%dma_wait3A_226, %dma_wait3A_227, %dma_wait3A_228] : memref<2x128x32xf32, #tpu.memory_space<vmem>> -> memref<1x128x32xf32, #tpu.memory_space<vmem>>
        %dma_wait3A_230 = tpu.memref_squeeze %dma_wait3A_229 : memref<1x128x32xf32, #tpu.memory_space<vmem>> -> memref<128x32xf32, #tpu.memory_space<vmem>>
        %dma_wait3A_231 = arith.constant 0 : i32
        %dma_wait3A_232 = tpu.memref_slice %arg8[%add3A_199, %dma_wait3A_231] : memref<56x128xi32, #tpu.memory_space<vmem>> -> memref<1x128xi32, #tpu.memory_space<vmem>>
        %dma_wait3A_233 = tpu.memref_squeeze %dma_wait3A_232 : memref<1x128xi32, #tpu.memory_space<vmem>> -> memref<128xi32, #tpu.memory_space<vmem>>
        %dma_wait3A_234 = arith.constant 0 : i32
        %dma_wait3A_235 = arith.constant 0 : i32
        %dma_wait3A_236 = tpu.memref_slice %arg10[%dma_wait3A_234, %dma_wait3A_235] : memref<50048x32xf32, #tpu.memory_space<vmem_shared>> -> memref<50048x32xf32, #tpu.memory_space<vmem_shared>>
        tpu.wait_indirect_dma semaphore(%arg14 : memref<!tpu.dma_semaphore, #tpu.memory_space<semaphore_mem>>) src(%dma_wait3A_230 : memref<128x32xf32, #tpu.memory_space<vmem>>) dst(%dma_wait3A_236 : memref<50048x32xf32, #tpu.memory_space<vmem_shared>>)
        %add3A_237 = arith.constant 2 : i32
        %add3A_238 = arith.addi %add3A_199, %add3A_237 : i32
        %dma_start3A_239 = arith.constant 1 : i32
        %dma_start3A_240 = arith.constant 0 : i32
        %dma_start3A_241 = arith.constant 0 : i32
        %dma_start3A_242 = tpu.memref_slice %arg9[%dma_start3A_239, %dma_start3A_240, %dma_start3A_241] : memref<2x128x32xf32, #tpu.memory_space<vmem>> -> memref<1x128x32xf32, #tpu.memory_space<vmem>>
        %dma_start3A_243 = tpu.memref_squeeze %dma_start3A_242 : memref<1x128x32xf32, #tpu.memory_space<vmem>> -> memref<128x32xf32, #tpu.memory_space<vmem>>
        %dma_start3A_244 = arith.constant 0 : i32
        %dma_start3A_245 = tpu.memref_slice %arg7[%add3A_238, %dma_start3A_244] : memref<56x128xi32, #tpu.memory_space<vmem>> -> memref<1x128xi32, #tpu.memory_space<vmem>>
        %dma_start3A_246 = tpu.memref_squeeze %dma_start3A_245 : memref<1x128xi32, #tpu.memory_space<vmem>> -> memref<128xi32, #tpu.memory_space<vmem>>
        %dma_start3A_247 = arith.constant 0 : i32
        %dma_start3A_248 = arith.constant 0 : i32
        %dma_start3A_249 = tpu.memref_slice %arg2[%arg0, %dma_start3A_247, %dma_start3A_248] : memref<2x50048x32xf32, #tpu.memory_space<hbm>> -> memref<1x50048x32xf32, #tpu.memory_space<hbm>>
        %dma_start3A_250 = tpu.memref_squeeze %dma_start3A_249 : memref<1x50048x32xf32, #tpu.memory_space<hbm>> -> memref<50048x32xf32, #tpu.memory_space<hbm>>
        %dma_start3A_251 = arith.constant 0 : i32
        %dma_start3A_252 = arith.constant 0 : i32
        %dma_start3A_253 = tpu.memref_slice %dma_start3A_250[%dma_start3A_251, %dma_start3A_252] : memref<50048x32xf32, #tpu.memory_space<hbm>> -> memref<50048x32xf32, #tpu.memory_space<hbm>>
        tpu.enqueue_indirect_dma source(%dma_start3A_253 : memref<50048x32xf32, #tpu.memory_space<hbm>>) target(%dma_start3A_243 : memref<128x32xf32, #tpu.memory_space<vmem>>) offsets(%dma_start3A_246 : memref<128xi32, #tpu.memory_space<vmem>>) semaphore(%arg12 : memref<!tpu.dma_semaphore, #tpu.memory_space<semaphore_mem>>)
      }
      %scan3A_57 = arith.constant 27 : i32
      %dma_wait3A = arith.constant 54 : i32
      %dma_wait3A_58 = arith.constant 0 : i32
      %dma_wait3A_59 = arith.constant 0 : i32
      %dma_wait3A_60 = arith.constant 0 : i32
      %dma_wait3A_61 = tpu.memref_slice %arg9[%dma_wait3A_58, %dma_wait3A_59, %dma_wait3A_60] : memref<2x128x32xf32, #tpu.memory_space<vmem>> -> memref<1x128x32xf32, #tpu.memory_space<vmem>>
      %dma_wait3A_62 = tpu.memref_squeeze %dma_wait3A_61 : memref<1x128x32xf32, #tpu.memory_space<vmem>> -> memref<128x32xf32, #tpu.memory_space<vmem>>
      %dma_wait3A_63 = arith.constant 0 : i32
      %dma_wait3A_64 = tpu.memref_slice %arg7[%dma_wait3A, %dma_wait3A_63] : memref<56x128xi32, #tpu.memory_space<vmem>> -> memref<1x128xi32, #tpu.memory_space<vmem>>
      %dma_wait3A_65 = tpu.memref_squeeze %dma_wait3A_64 : memref<1x128xi32, #tpu.memory_space<vmem>> -> memref<128xi32, #tpu.memory_space<vmem>>
      %dma_wait3A_66 = arith.constant 0 : i32
      %dma_wait3A_67 = arith.constant 0 : i32
      %dma_wait3A_68 = tpu.memref_slice %arg2[%arg0, %dma_wait3A_66, %dma_wait3A_67] : memref<2x50048x32xf32, #tpu.memory_space<hbm>> -> memref<1x50048x32xf32, #tpu.memory_space<hbm>>
      %dma_wait3A_69 = tpu.memref_squeeze %dma_wait3A_68 : memref<1x50048x32xf32, #tpu.memory_space<hbm>> -> memref<50048x32xf32, #tpu.memory_space<hbm>>
      %dma_wait3A_70 = arith.constant 0 : i32
      %dma_wait3A_71 = arith.constant 0 : i32
      %dma_wait3A_72 = tpu.memref_slice %dma_wait3A_69[%dma_wait3A_70, %dma_wait3A_71] : memref<50048x32xf32, #tpu.memory_space<hbm>> -> memref<50048x32xf32, #tpu.memory_space<hbm>>
      tpu.wait_indirect_dma semaphore(%arg11 : memref<!tpu.dma_semaphore, #tpu.memory_space<semaphore_mem>>) src(%dma_wait3A_72 : memref<50048x32xf32, #tpu.memory_space<hbm>>) dst(%dma_wait3A_62 : memref<128x32xf32, #tpu.memory_space<vmem>>)
      %dma_start3A_73 = arith.constant 0 : i32
      %dma_start3A_74 = arith.constant 54 : i32
      %dma_start3A_75 = arith.constant 0 : i32
      %dma_start3A_76 = arith.constant 0 : i32
      %dma_start3A_77 = tpu.memref_slice %arg9[%dma_start3A_73, %dma_start3A_75, %dma_start3A_76] : memref<2x128x32xf32, #tpu.memory_space<vmem>> -> memref<1x128x32xf32, #tpu.memory_space<vmem>>
      %dma_start3A_78 = tpu.memref_squeeze %dma_start3A_77 : memref<1x128x32xf32, #tpu.memory_space<vmem>> -> memref<128x32xf32, #tpu.memory_space<vmem>>
      %dma_start3A_79 = arith.constant 0 : i32
      %dma_start3A_80 = tpu.memref_slice %arg8[%dma_start3A_74, %dma_start3A_79] : memref<56x128xi32, #tpu.memory_space<vmem>> -> memref<1x128xi32, #tpu.memory_space<vmem>>
      %dma_start3A_81 = tpu.memref_squeeze %dma_start3A_80 : memref<1x128xi32, #tpu.memory_space<vmem>> -> memref<128xi32, #tpu.memory_space<vmem>>
      %dma_start3A_82 = arith.constant 0 : i32
      %dma_start3A_83 = arith.constant 0 : i32
      %dma_start3A_84 = tpu.memref_slice %arg10[%dma_start3A_82, %dma_start3A_83] : memref<50048x32xf32, #tpu.memory_space<vmem_shared>> -> memref<50048x32xf32, #tpu.memory_space<vmem_shared>>
      tpu.enqueue_indirect_dma source(%dma_start3A_78 : memref<128x32xf32, #tpu.memory_space<vmem>>) target(%dma_start3A_84 : memref<50048x32xf32, #tpu.memory_space<vmem_shared>>) offsets(%dma_start3A_81 : memref<128xi32, #tpu.memory_space<vmem>>) semaphore(%arg13 : memref<!tpu.dma_semaphore, #tpu.memory_space<semaphore_mem>>) {add = true}
      %dma_wait3A_85 = arith.constant 0 : i32
      %dma_wait3A_86 = arith.constant 54 : i32
      %dma_wait3A_87 = arith.constant 0 : i32
      %dma_wait3A_88 = arith.constant 0 : i32
      %dma_wait3A_89 = tpu.memref_slice %arg9[%dma_wait3A_85, %dma_wait3A_87, %dma_wait3A_88] : memref<2x128x32xf32, #tpu.memory_space<vmem>> -> memref<1x128x32xf32, #tpu.memory_space<vmem>>
      %dma_wait3A_90 = tpu.memref_squeeze %dma_wait3A_89 : memref<1x128x32xf32, #tpu.memory_space<vmem>> -> memref<128x32xf32, #tpu.memory_space<vmem>>
      %dma_wait3A_91 = arith.constant 0 : i32
      %dma_wait3A_92 = tpu.memref_slice %arg8[%dma_wait3A_86, %dma_wait3A_91] : memref<56x128xi32, #tpu.memory_space<vmem>> -> memref<1x128xi32, #tpu.memory_space<vmem>>
      %dma_wait3A_93 = tpu.memref_squeeze %dma_wait3A_92 : memref<1x128xi32, #tpu.memory_space<vmem>> -> memref<128xi32, #tpu.memory_space<vmem>>
      %dma_wait3A_94 = arith.constant 0 : i32
      %dma_wait3A_95 = arith.constant 0 : i32
      %dma_wait3A_96 = tpu.memref_slice %arg10[%dma_wait3A_94, %dma_wait3A_95] : memref<50048x32xf32, #tpu.memory_space<vmem_shared>> -> memref<50048x32xf32, #tpu.memory_space<vmem_shared>>
      tpu.wait_indirect_dma semaphore(%arg13 : memref<!tpu.dma_semaphore, #tpu.memory_space<semaphore_mem>>) src(%dma_wait3A_90 : memref<128x32xf32, #tpu.memory_space<vmem>>) dst(%dma_wait3A_96 : memref<50048x32xf32, #tpu.memory_space<vmem_shared>>)
      %dma_wait3A_97 = arith.constant 55 : i32
      %dma_wait3A_98 = arith.constant 1 : i32
      %dma_wait3A_99 = arith.constant 0 : i32
      %dma_wait3A_100 = arith.constant 0 : i32
      %dma_wait3A_101 = tpu.memref_slice %arg9[%dma_wait3A_98, %dma_wait3A_99, %dma_wait3A_100] : memref<2x128x32xf32, #tpu.memory_space<vmem>> -> memref<1x128x32xf32, #tpu.memory_space<vmem>>
      %dma_wait3A_102 = tpu.memref_squeeze %dma_wait3A_101 : memref<1x128x32xf32, #tpu.memory_space<vmem>> -> memref<128x32xf32, #tpu.memory_space<vmem>>
      %dma_wait3A_103 = arith.constant 0 : i32
      %dma_wait3A_104 = tpu.memref_slice %arg7[%dma_wait3A_97, %dma_wait3A_103] : memref<56x128xi32, #tpu.memory_space<vmem>> -> memref<1x128xi32, #tpu.memory_space<vmem>>
      %dma_wait3A_105 = tpu.memref_squeeze %dma_wait3A_104 : memref<1x128xi32, #tpu.memory_space<vmem>> -> memref<128xi32, #tpu.memory_space<vmem>>
      %dma_wait3A_106 = arith.constant 0 : i32
      %dma_wait3A_107 = arith.constant 0 : i32
      %dma_wait3A_108 = tpu.memref_slice %arg2[%arg0, %dma_wait3A_106, %dma_wait3A_107] : memref<2x50048x32xf32, #tpu.memory_space<hbm>> -> memref<1x50048x32xf32, #tpu.memory_space<hbm>>
      %dma_wait3A_109 = tpu.memref_squeeze %dma_wait3A_108 : memref<1x50048x32xf32, #tpu.memory_space<hbm>> -> memref<50048x32xf32, #tpu.memory_space<hbm>>
      %dma_wait3A_110 = arith.constant 0 : i32
      %dma_wait3A_111 = arith.constant 0 : i32
      %dma_wait3A_112 = tpu.memref_slice %dma_wait3A_109[%dma_wait3A_110, %dma_wait3A_111] : memref<50048x32xf32, #tpu.memory_space<hbm>> -> memref<50048x32xf32, #tpu.memory_space<hbm>>
      tpu.wait_indirect_dma semaphore(%arg12 : memref<!tpu.dma_semaphore, #tpu.memory_space<semaphore_mem>>) src(%dma_wait3A_112 : memref<50048x32xf32, #tpu.memory_space<hbm>>) dst(%dma_wait3A_102 : memref<128x32xf32, #tpu.memory_space<vmem>>)
      %dma_start3A_113 = arith.constant 1 : i32
      %dma_start3A_114 = arith.constant 55 : i32
      %dma_start3A_115 = arith.constant 0 : i32
      %dma_start3A_116 = arith.constant 0 : i32
      %dma_start3A_117 = tpu.memref_slice %arg9[%dma_start3A_113, %dma_start3A_115, %dma_start3A_116] : memref<2x128x32xf32, #tpu.memory_space<vmem>> -> memref<1x128x32xf32, #tpu.memory_space<vmem>>
      %dma_start3A_118 = tpu.memref_squeeze %dma_start3A_117 : memref<1x128x32xf32, #tpu.memory_space<vmem>> -> memref<128x32xf32, #tpu.memory_space<vmem>>
      %dma_start3A_119 = arith.constant 0 : i32
      %dma_start3A_120 = tpu.memref_slice %arg8[%dma_start3A_114, %dma_start3A_119] : memref<56x128xi32, #tpu.memory_space<vmem>> -> memref<1x128xi32, #tpu.memory_space<vmem>>
      %dma_start3A_121 = tpu.memref_squeeze %dma_start3A_120 : memref<1x128xi32, #tpu.memory_space<vmem>> -> memref<128xi32, #tpu.memory_space<vmem>>
      %dma_start3A_122 = arith.constant 0 : i32
      %dma_start3A_123 = arith.constant 0 : i32
      %dma_start3A_124 = tpu.memref_slice %arg10[%dma_start3A_122, %dma_start3A_123] : memref<50048x32xf32, #tpu.memory_space<vmem_shared>> -> memref<50048x32xf32, #tpu.memory_space<vmem_shared>>
      tpu.enqueue_indirect_dma source(%dma_start3A_118 : memref<128x32xf32, #tpu.memory_space<vmem>>) target(%dma_start3A_124 : memref<50048x32xf32, #tpu.memory_space<vmem_shared>>) offsets(%dma_start3A_121 : memref<128xi32, #tpu.memory_space<vmem>>) semaphore(%arg14 : memref<!tpu.dma_semaphore, #tpu.memory_space<semaphore_mem>>) {add = true}
      %dma_wait3A_125 = arith.constant 1 : i32
      %dma_wait3A_126 = arith.constant 55 : i32
      %dma_wait3A_127 = arith.constant 0 : i32
      %dma_wait3A_128 = arith.constant 0 : i32
      %dma_wait3A_129 = tpu.memref_slice %arg9[%dma_wait3A_125, %dma_wait3A_127, %dma_wait3A_128] : memref<2x128x32xf32, #tpu.memory_space<vmem>> -> memref<1x128x32xf32, #tpu.memory_space<vmem>>
      %dma_wait3A_130 = tpu.memref_squeeze %dma_wait3A_129 : memref<1x128x32xf32, #tpu.memory_space<vmem>> -> memref<128x32xf32, #tpu.memory_space<vmem>>
      %dma_wait3A_131 = arith.constant 0 : i32
      %dma_wait3A_132 = tpu.memref_slice %arg8[%dma_wait3A_126, %dma_wait3A_131] : memref<56x128xi32, #tpu.memory_space<vmem>> -> memref<1x128xi32, #tpu.memory_space<vmem>>
      %dma_wait3A_133 = tpu.memref_squeeze %dma_wait3A_132 : memref<1x128xi32, #tpu.memory_space<vmem>> -> memref<128xi32, #tpu.memory_space<vmem>>
      %dma_wait3A_134 = arith.constant 0 : i32
      %dma_wait3A_135 = arith.constant 0 : i32
      %dma_wait3A_136 = tpu.memref_slice %arg10[%dma_wait3A_134, %dma_wait3A_135] : memref<50048x32xf32, #tpu.memory_space<vmem_shared>> -> memref<50048x32xf32, #tpu.memory_space<vmem_shared>>
      tpu.wait_indirect_dma semaphore(%arg14 : memref<!tpu.dma_semaphore, #tpu.memory_space<semaphore_mem>>) src(%dma_wait3A_130 : memref<128x32xf32, #tpu.memory_space<vmem>>) dst(%dma_wait3A_136 : memref<50048x32xf32, #tpu.memory_space<vmem_shared>>)
    }
    %scan3A_7 = arith.constant 7 : i32
    %barrier3A_8 = arith.constant 0 : index
    tpu.barrier barrier_id(%barrier3A_8)
    %mul3A_9 = arith.constant 3128 : i32
    %mul3A_10 = arith.muli %arg1, %mul3A_9 : i32
    %mul3A_11 = arith.constant 3128 : i32
    %mul3A_12 = arith.muli %arg1, %mul3A_11 : i32
    "tpu.region"() ({
      %run_scoped3A = tpu.sem_alloc : memref<!tpu.dma_semaphore, #tpu.memory_space<semaphore_mem>>
      %dma_start3A = arith.constant 0 : i32
      %dma_start3A_13 = arith.constant 0 : i32
      %dma_start3A_14 = tpu.memref_slice %arg6[%arg0, %dma_start3A, %dma_start3A_13] : memref<2x50048x32xf32, #tpu.memory_space<hbm>> -> memref<1x50048x32xf32, #tpu.memory_space<hbm>>
      %dma_start3A_15 = tpu.memref_squeeze %dma_start3A_14 : memref<1x50048x32xf32, #tpu.memory_space<hbm>> -> memref<50048x32xf32, #tpu.memory_space<hbm>>
      %dma_start3A_16 = arith.constant 0 : i32
      %dma_start3A_17 = tpu.memref_slice %dma_start3A_15[%mul3A_12, %dma_start3A_16] : memref<50048x32xf32, #tpu.memory_space<hbm>> -> memref<3128x32xf32, #tpu.memory_space<hbm>>
      %dma_start3A_18 = arith.constant 0 : i32
      %dma_start3A_19 = tpu.memref_slice %arg10[%mul3A_10, %dma_start3A_18] : memref<50048x32xf32, #tpu.memory_space<vmem_shared>> -> memref<3128x32xf32, #tpu.memory_space<vmem_shared>>
      tpu.enqueue_dma source(%dma_start3A_19 : memref<3128x32xf32, #tpu.memory_space<vmem_shared>>) target(%dma_start3A_17 : memref<3128x32xf32, #tpu.memory_space<hbm>>) target_semaphore(%run_scoped3A : memref<!tpu.dma_semaphore, #tpu.memory_space<semaphore_mem>>)
      %dma_wait3A = arith.constant 0 : i32
      %dma_wait3A_20 = arith.constant 0 : i32
      %dma_wait3A_21 = tpu.memref_slice %arg6[%arg0, %dma_wait3A, %dma_wait3A_20] : memref<2x50048x32xf32, #tpu.memory_space<hbm>> -> memref<1x50048x32xf32, #tpu.memory_space<hbm>>
      %dma_wait3A_22 = tpu.memref_squeeze %dma_wait3A_21 : memref<1x50048x32xf32, #tpu.memory_space<hbm>> -> memref<50048x32xf32, #tpu.memory_space<hbm>>
      %dma_wait3A_23 = arith.constant 0 : i32
      %dma_wait3A_24 = tpu.memref_slice %dma_wait3A_22[%mul3A_12, %dma_wait3A_23] : memref<50048x32xf32, #tpu.memory_space<hbm>> -> memref<3128x32xf32, #tpu.memory_space<hbm>>
      %dma_wait3A_25 = arith.constant 0 : i32
      %dma_wait3A_26 = tpu.memref_slice %arg10[%mul3A_10, %dma_wait3A_25] : memref<50048x32xf32, #tpu.memory_space<vmem_shared>> -> memref<3128x32xf32, #tpu.memory_space<vmem_shared>>
      tpu.wait_dma2 semaphore(%run_scoped3A : memref<!tpu.dma_semaphore, #tpu.memory_space<semaphore_mem>>) src(%dma_wait3A_26 : memref<3128x32xf32, #tpu.memory_space<vmem_shared>>) dst(%dma_wait3A_24 : memref<3128x32xf32, #tpu.memory_space<hbm>>)
      tpu.yield
    }) : () -> ()
    return
  }
}

#map = affine_map<(d0, d1) -> (0, 0, 0)>
#map1 = affine_map<(d0, d1) -> (0, 0)>
module attributes {stable_mosaic.version = 14 : i64} {
  func.func @_sc_edge(%arg0: i32, %arg1: i32, %arg2: memref<2x50048x32xf32, #tpu.memory_space<hbm>>, %arg3: memref<6272x128xi32, #tpu.memory_space<hbm>>, %arg4: memref<6272x128xi32, #tpu.memory_space<hbm>>, %arg5: memref<50048x32xf32, #tpu.memory_space<hbm>>, %arg6: memref<2x50048x32xf32, #tpu.memory_space<hbm>>, %arg7: memref<56x128xi32, #tpu.memory_space<vmem>>, %arg8: memref<56x128xi32, #tpu.memory_space<vmem>>, %arg9: memref<2x128x32xf32, #tpu.memory_space<vmem>>, %arg10: memref<50048x32xf32, #tpu.memory_space<vmem_shared>>, %arg11: memref<!tpu.dma_semaphore, #tpu.memory_space<semaphore_mem>>, %arg12: memref<!tpu.dma_semaphore, #tpu.memory_space<semaphore_mem>>, %arg13: memref<!tpu.dma_semaphore, #tpu.memory_space<semaphore_mem>>, %arg14: memref<!tpu.dma_semaphore, #tpu.memory_space<semaphore_mem>>) attributes {dimension_semantics = [#tpu.dimension_semantics<core_parallel>, #tpu.dimension_semantics<subcore_parallel>], iteration_bounds = array<i64: 2, 16>, scalar_prefetch = 0 : i64, scratch_operands = 8 : i64, tpu.core_type = #tpu.core_type<sc_vector_subcore>, window_params = [{transform_indices = #map}, {transform_indices = #map1}, {transform_indices = #map1}, {transform_indices = #map1}, {transform_indices = #map}]} {
    %mul3A = arith.constant 3128 : i32
    %mul3A_0 = arith.muli %arg1, %mul3A : i32
    %mul3A_1 = arith.constant 3128 : i32
    %mul3A_2 = arith.muli %arg1, %mul3A_1 : i32
    "tpu.region"() ({
      %run_scoped3A = tpu.sem_alloc : memref<!tpu.dma_semaphore, #tpu.memory_space<semaphore_mem>>
      %dma_start3A = arith.constant 0 : i32
      %dma_start3A_13 = tpu.memref_slice %arg10[%mul3A_2, %dma_start3A] : memref<50048x32xf32, #tpu.memory_space<vmem_shared>> -> memref<3128x32xf32, #tpu.memory_space<vmem_shared>>
      %dma_start3A_14 = arith.constant 0 : i32
      %dma_start3A_15 = tpu.memref_slice %arg5[%mul3A_0, %dma_start3A_14] : memref<50048x32xf32, #tpu.memory_space<hbm>> -> memref<3128x32xf32, #tpu.memory_space<hbm>>
      tpu.enqueue_dma source(%dma_start3A_15 : memref<3128x32xf32, #tpu.memory_space<hbm>>) target(%dma_start3A_13 : memref<3128x32xf32, #tpu.memory_space<vmem_shared>>) target_semaphore(%run_scoped3A : memref<!tpu.dma_semaphore, #tpu.memory_space<semaphore_mem>>)
      %dma_wait3A = arith.constant 0 : i32
      %dma_wait3A_16 = tpu.memref_slice %arg10[%mul3A_2, %dma_wait3A] : memref<50048x32xf32, #tpu.memory_space<vmem_shared>> -> memref<3128x32xf32, #tpu.memory_space<vmem_shared>>
      %dma_wait3A_17 = arith.constant 0 : i32
      %dma_wait3A_18 = tpu.memref_slice %arg5[%mul3A_0, %dma_wait3A_17] : memref<50048x32xf32, #tpu.memory_space<hbm>> -> memref<3128x32xf32, #tpu.memory_space<hbm>>
      tpu.wait_dma2 semaphore(%run_scoped3A : memref<!tpu.dma_semaphore, #tpu.memory_space<semaphore_mem>>) src(%dma_wait3A_18 : memref<3128x32xf32, #tpu.memory_space<hbm>>) dst(%dma_wait3A_16 : memref<3128x32xf32, #tpu.memory_space<vmem_shared>>)
      tpu.yield
    }) : () -> ()
    %barrier3A = arith.constant 0 : index
    tpu.barrier barrier_id(%barrier3A)
    %scan3A = arith.constant 0 : i32
    %scan3A_3 = arith.constant 0 : i32
    %scan3A_4 = arith.constant 7 : i32
    %scan3A_5 = arith.addi %scan3A_3, %scan3A_4 : i32
    %scan3A_6 = arith.constant 1 : i32
    scf.for %scan3A_13 = %scan3A_3 to %scan3A_5 step %scan3A_6  : i32 {
      %mul3A_14 = arith.constant 56 : i32
      %mul3A_15 = arith.muli %scan3A_13, %mul3A_14 : i32
      %mul3A_16 = arith.constant 392 : i32
      %mul3A_17 = arith.muli %arg1, %mul3A_16 : i32
      %add3A = arith.addi %mul3A_17, %mul3A_15 : i32
      "tpu.region"() ({
        %run_scoped3A = tpu.sem_alloc : memref<!tpu.dma_semaphore, #tpu.memory_space<semaphore_mem>>
        %dma_start3A_137 = arith.constant 0 : i32
        %dma_start3A_138 = tpu.memref_slice %arg3[%add3A, %dma_start3A_137] : memref<6272x128xi32, #tpu.memory_space<hbm>> -> memref<56x128xi32, #tpu.memory_space<hbm>>
        %dma_start3A_139 = arith.constant 0 : i32
        %dma_start3A_140 = tpu.memref_slice %arg3[%add3A, %dma_start3A_139] : memref<6272x128xi32, #tpu.memory_space<hbm>> -> memref<56x128xi32, #tpu.memory_space<hbm>>
        tpu.enqueue_dma source(%dma_start3A_140 : memref<56x128xi32, #tpu.memory_space<hbm>>) target(%arg7 : memref<56x128xi32, #tpu.memory_space<vmem>>) target_semaphore(%run_scoped3A : memref<!tpu.dma_semaphore, #tpu.memory_space<semaphore_mem>>)
        %dma_wait3A_141 = arith.constant 0 : i32
        %dma_wait3A_142 = tpu.memref_slice %arg3[%add3A, %dma_wait3A_141] : memref<6272x128xi32, #tpu.memory_space<hbm>> -> memref<56x128xi32, #tpu.memory_space<hbm>>
        %dma_wait3A_143 = arith.constant 0 : i32
        %dma_wait3A_144 = tpu.memref_slice %arg3[%add3A, %dma_wait3A_143] : memref<6272x128xi32, #tpu.memory_space<hbm>> -> memref<56x128xi32, #tpu.memory_space<hbm>>
        tpu.wait_dma2 semaphore(%run_scoped3A : memref<!tpu.dma_semaphore, #tpu.memory_space<semaphore_mem>>) src(%dma_wait3A_144 : memref<56x128xi32, #tpu.memory_space<hbm>>) dst(%arg7 : memref<56x128xi32, #tpu.memory_space<vmem>>)
        tpu.yield
      }) : () -> ()
      %mul3A_18 = arith.constant 392 : i32
      %mul3A_19 = arith.muli %arg1, %mul3A_18 : i32
      %add3A_20 = arith.addi %mul3A_19, %mul3A_15 : i32
      "tpu.region"() ({
        %run_scoped3A = tpu.sem_alloc : memref<!tpu.dma_semaphore, #tpu.memory_space<semaphore_mem>>
        %dma_start3A_137 = arith.constant 0 : i32
        %dma_start3A_138 = tpu.memref_slice %arg4[%add3A_20, %dma_start3A_137] : memref<6272x128xi32, #tpu.memory_space<hbm>> -> memref<56x128xi32, #tpu.memory_space<hbm>>
        %dma_start3A_139 = arith.constant 0 : i32
        %dma_start3A_140 = tpu.memref_slice %arg4[%add3A_20, %dma_start3A_139] : memref<6272x128xi32, #tpu.memory_space<hbm>> -> memref<56x128xi32, #tpu.memory_space<hbm>>
        tpu.enqueue_dma source(%dma_start3A_140 : memref<56x128xi32, #tpu.memory_space<hbm>>) target(%arg8 : memref<56x128xi32, #tpu.memory_space<vmem>>) target_semaphore(%run_scoped3A : memref<!tpu.dma_semaphore, #tpu.memory_space<semaphore_mem>>)
        %dma_wait3A_141 = arith.constant 0 : i32
        %dma_wait3A_142 = tpu.memref_slice %arg4[%add3A_20, %dma_wait3A_141] : memref<6272x128xi32, #tpu.memory_space<hbm>> -> memref<56x128xi32, #tpu.memory_space<hbm>>
        %dma_wait3A_143 = arith.constant 0 : i32
        %dma_wait3A_144 = tpu.memref_slice %arg4[%add3A_20, %dma_wait3A_143] : memref<6272x128xi32, #tpu.memory_space<hbm>> -> memref<56x128xi32, #tpu.memory_space<hbm>>
        tpu.wait_dma2 semaphore(%run_scoped3A : memref<!tpu.dma_semaphore, #tpu.memory_space<semaphore_mem>>) src(%dma_wait3A_144 : memref<56x128xi32, #tpu.memory_space<hbm>>) dst(%arg8 : memref<56x128xi32, #tpu.memory_space<vmem>>)
        tpu.yield
      }) : () -> ()
      %dma_start3A = arith.constant 0 : i32
      %dma_start3A_21 = arith.constant 0 : i32
      %dma_start3A_22 = arith.constant 0 : i32
      %dma_start3A_23 = arith.constant 0 : i32
      %dma_start3A_24 = tpu.memref_slice %arg9[%dma_start3A_21, %dma_start3A_22, %dma_start3A_23] : memref<2x128x32xf32, #tpu.memory_space<vmem>> -> memref<1x128x32xf32, #tpu.memory_space<vmem>>
      %dma_start3A_25 = tpu.memref_squeeze %dma_start3A_24 : memref<1x128x32xf32, #tpu.memory_space<vmem>> -> memref<128x32xf32, #tpu.memory_space<vmem>>
      %dma_start3A_26 = arith.constant 0 : i32
      %dma_start3A_27 = tpu.memref_slice %arg7[%dma_start3A, %dma_start3A_26] : memref<56x128xi32, #tpu.memory_space<vmem>> -> memref<1x128xi32, #tpu.memory_space<vmem>>
      %dma_start3A_28 = tpu.memref_squeeze %dma_start3A_27 : memref<1x128xi32, #tpu.memory_space<vmem>> -> memref<128xi32, #tpu.memory_space<vmem>>
      %dma_start3A_29 = arith.constant 0 : i32
      %dma_start3A_30 = arith.constant 0 : i32
      %dma_start3A_31 = tpu.memref_slice %arg2[%arg0, %dma_start3A_29, %dma_start3A_30] : memref<2x50048x32xf32, #tpu.memory_space<hbm>> -> memref<1x50048x32xf32, #tpu.memory_space<hbm>>
      %dma_start3A_32 = tpu.memref_squeeze %dma_start3A_31 : memref<1x50048x32xf32, #tpu.memory_space<hbm>> -> memref<50048x32xf32, #tpu.memory_space<hbm>>
      %dma_start3A_33 = arith.constant 0 : i32
      %dma_start3A_34 = arith.constant 0 : i32
      %dma_start3A_35 = tpu.memref_slice %dma_start3A_32[%dma_start3A_33, %dma_start3A_34] : memref<50048x32xf32, #tpu.memory_space<hbm>> -> memref<50048x32xf32, #tpu.memory_space<hbm>>
      tpu.enqueue_indirect_dma source(%dma_start3A_35 : memref<50048x32xf32, #tpu.memory_space<hbm>>) target(%dma_start3A_25 : memref<128x32xf32, #tpu.memory_space<vmem>>) offsets(%dma_start3A_28 : memref<128xi32, #tpu.memory_space<vmem>>) semaphore(%arg11 : memref<!tpu.dma_semaphore, #tpu.memory_space<semaphore_mem>>)
      %dma_start3A_36 = arith.constant 1 : i32
      %dma_start3A_37 = arith.constant 1 : i32
      %dma_start3A_38 = arith.constant 0 : i32
      %dma_start3A_39 = arith.constant 0 : i32
      %dma_start3A_40 = tpu.memref_slice %arg9[%dma_start3A_37, %dma_start3A_38, %dma_start3A_39] : memref<2x128x32xf32, #tpu.memory_space<vmem>> -> memref<1x128x32xf32, #tpu.memory_space<vmem>>
      %dma_start3A_41 = tpu.memref_squeeze %dma_start3A_40 : memref<1x128x32xf32, #tpu.memory_space<vmem>> -> memref<128x32xf32, #tpu.memory_space<vmem>>
      %dma_start3A_42 = arith.constant 0 : i32
      %dma_start3A_43 = tpu.memref_slice %arg7[%dma_start3A_36, %dma_start3A_42] : memref<56x128xi32, #tpu.memory_space<vmem>> -> memref<1x128xi32, #tpu.memory_space<vmem>>
      %dma_start3A_44 = tpu.memref_squeeze %dma_start3A_43 : memref<1x128xi32, #tpu.memory_space<vmem>> -> memref<128xi32, #tpu.memory_space<vmem>>
      %dma_start3A_45 = arith.constant 0 : i32
      %dma_start3A_46 = arith.constant 0 : i32
      %dma_start3A_47 = tpu.memref_slice %arg2[%arg0, %dma_start3A_45, %dma_start3A_46] : memref<2x50048x32xf32, #tpu.memory_space<hbm>> -> memref<1x50048x32xf32, #tpu.memory_space<hbm>>
      %dma_start3A_48 = tpu.memref_squeeze %dma_start3A_47 : memref<1x50048x32xf32, #tpu.memory_space<hbm>> -> memref<50048x32xf32, #tpu.memory_space<hbm>>
      %dma_start3A_49 = arith.constant 0 : i32
      %dma_start3A_50 = arith.constant 0 : i32
      %dma_start3A_51 = tpu.memref_slice %dma_start3A_48[%dma_start3A_49, %dma_start3A_50] : memref<50048x32xf32, #tpu.memory_space<hbm>> -> memref<50048x32xf32, #tpu.memory_space<hbm>>
      tpu.enqueue_indirect_dma source(%dma_start3A_51 : memref<50048x32xf32, #tpu.memory_space<hbm>>) target(%dma_start3A_41 : memref<128x32xf32, #tpu.memory_space<vmem>>) offsets(%dma_start3A_44 : memref<128xi32, #tpu.memory_space<vmem>>) semaphore(%arg12 : memref<!tpu.dma_semaphore, #tpu.memory_space<semaphore_mem>>)
      %scan3A_52 = arith.constant 0 : i32
      %scan3A_53 = arith.constant 0 : i32
      %scan3A_54 = arith.constant 27 : i32
      %scan3A_55 = arith.addi %scan3A_53, %scan3A_54 : i32
      %scan3A_56 = arith.constant 1 : i32
      scf.for %scan3A_137 = %scan3A_53 to %scan3A_55 step %scan3A_56  : i32 {
        %mul3A_138 = arith.constant 2 : i32
        %mul3A_139 = arith.muli %mul3A_138, %scan3A_137 : i32
        %add3A_140 = arith.constant 0 : i32
        %add3A_141 = arith.addi %mul3A_139, %add3A_140 : i32
        %dma_wait3A_142 = arith.constant 0 : i32
        %dma_wait3A_143 = arith.constant 0 : i32
        %dma_wait3A_144 = arith.constant 0 : i32
        %dma_wait3A_145 = tpu.memref_slice %arg9[%dma_wait3A_142, %dma_wait3A_143, %dma_wait3A_144] : memref<2x128x32xf32, #tpu.memory_space<vmem>> -> memref<1x128x32xf32, #tpu.memory_space<vmem>>
        %dma_wait3A_146 = tpu.memref_squeeze %dma_wait3A_145 : memref<1x128x32xf32, #tpu.memory_space<vmem>> -> memref<128x32xf32, #tpu.memory_space<vmem>>
        %dma_wait3A_147 = arith.constant 0 : i32
        %dma_wait3A_148 = tpu.memref_slice %arg7[%add3A_141, %dma_wait3A_147] : memref<56x128xi32, #tpu.memory_space<vmem>> -> memref<1x128xi32, #tpu.memory_space<vmem>>
        %dma_wait3A_149 = tpu.memref_squeeze %dma_wait3A_148 : memref<1x128xi32, #tpu.memory_space<vmem>> -> memref<128xi32, #tpu.memory_space<vmem>>
        %dma_wait3A_150 = arith.constant 0 : i32
        %dma_wait3A_151 = arith.constant 0 : i32
        %dma_wait3A_152 = tpu.memref_slice %arg2[%arg0, %dma_wait3A_150, %dma_wait3A_151] : memref<2x50048x32xf32, #tpu.memory_space<hbm>> -> memref<1x50048x32xf32, #tpu.memory_space<hbm>>
        %dma_wait3A_153 = tpu.memref_squeeze %dma_wait3A_152 : memref<1x50048x32xf32, #tpu.memory_space<hbm>> -> memref<50048x32xf32, #tpu.memory_space<hbm>>
        %dma_wait3A_154 = arith.constant 0 : i32
        %dma_wait3A_155 = arith.constant 0 : i32
        %dma_wait3A_156 = tpu.memref_slice %dma_wait3A_153[%dma_wait3A_154, %dma_wait3A_155] : memref<50048x32xf32, #tpu.memory_space<hbm>> -> memref<50048x32xf32, #tpu.memory_space<hbm>>
        tpu.wait_indirect_dma semaphore(%arg11 : memref<!tpu.dma_semaphore, #tpu.memory_space<semaphore_mem>>) src(%dma_wait3A_156 : memref<50048x32xf32, #tpu.memory_space<hbm>>) dst(%dma_wait3A_146 : memref<128x32xf32, #tpu.memory_space<vmem>>)
        %dma_start3A_157 = arith.constant 0 : i32
        %dma_start3A_158 = arith.constant 0 : i32
        %dma_start3A_159 = arith.constant 0 : i32
        %dma_start3A_160 = tpu.memref_slice %arg9[%dma_start3A_157, %dma_start3A_158, %dma_start3A_159] : memref<2x128x32xf32, #tpu.memory_space<vmem>> -> memref<1x128x32xf32, #tpu.memory_space<vmem>>
        %dma_start3A_161 = tpu.memref_squeeze %dma_start3A_160 : memref<1x128x32xf32, #tpu.memory_space<vmem>> -> memref<128x32xf32, #tpu.memory_space<vmem>>
        %dma_start3A_162 = arith.constant 0 : i32
        %dma_start3A_163 = tpu.memref_slice %arg8[%add3A_141, %dma_start3A_162] : memref<56x128xi32, #tpu.memory_space<vmem>> -> memref<1x128xi32, #tpu.memory_space<vmem>>
        %dma_start3A_164 = tpu.memref_squeeze %dma_start3A_163 : memref<1x128xi32, #tpu.memory_space<vmem>> -> memref<128xi32, #tpu.memory_space<vmem>>
        %dma_start3A_165 = arith.constant 0 : i32
        %dma_start3A_166 = arith.constant 0 : i32
        %dma_start3A_167 = tpu.memref_slice %arg10[%dma_start3A_165, %dma_start3A_166] : memref<50048x32xf32, #tpu.memory_space<vmem_shared>> -> memref<50048x32xf32, #tpu.memory_space<vmem_shared>>
        tpu.enqueue_indirect_dma source(%dma_start3A_161 : memref<128x32xf32, #tpu.memory_space<vmem>>) target(%dma_start3A_167 : memref<50048x32xf32, #tpu.memory_space<vmem_shared>>) offsets(%dma_start3A_164 : memref<128xi32, #tpu.memory_space<vmem>>) semaphore(%arg13 : memref<!tpu.dma_semaphore, #tpu.memory_space<semaphore_mem>>) {add = true}
        %dma_wait3A_168 = arith.constant 0 : i32
        %dma_wait3A_169 = arith.constant 0 : i32
        %dma_wait3A_170 = arith.constant 0 : i32
        %dma_wait3A_171 = tpu.memref_slice %arg9[%dma_wait3A_168, %dma_wait3A_169, %dma_wait3A_170] : memref<2x128x32xf32, #tpu.memory_space<vmem>> -> memref<1x128x32xf32, #tpu.memory_space<vmem>>
        %dma_wait3A_172 = tpu.memref_squeeze %dma_wait3A_171 : memref<1x128x32xf32, #tpu.memory_space<vmem>> -> memref<128x32xf32, #tpu.memory_space<vmem>>
        %dma_wait3A_173 = arith.constant 0 : i32
        %dma_wait3A_174 = tpu.memref_slice %arg8[%add3A_141, %dma_wait3A_173] : memref<56x128xi32, #tpu.memory_space<vmem>> -> memref<1x128xi32, #tpu.memory_space<vmem>>
        %dma_wait3A_175 = tpu.memref_squeeze %dma_wait3A_174 : memref<1x128xi32, #tpu.memory_space<vmem>> -> memref<128xi32, #tpu.memory_space<vmem>>
        %dma_wait3A_176 = arith.constant 0 : i32
        %dma_wait3A_177 = arith.constant 0 : i32
        %dma_wait3A_178 = tpu.memref_slice %arg10[%dma_wait3A_176, %dma_wait3A_177] : memref<50048x32xf32, #tpu.memory_space<vmem_shared>> -> memref<50048x32xf32, #tpu.memory_space<vmem_shared>>
        tpu.wait_indirect_dma semaphore(%arg13 : memref<!tpu.dma_semaphore, #tpu.memory_space<semaphore_mem>>) src(%dma_wait3A_172 : memref<128x32xf32, #tpu.memory_space<vmem>>) dst(%dma_wait3A_178 : memref<50048x32xf32, #tpu.memory_space<vmem_shared>>)
        %add3A_179 = arith.constant 2 : i32
        %add3A_180 = arith.addi %add3A_141, %add3A_179 : i32
        %dma_start3A_181 = arith.constant 0 : i32
        %dma_start3A_182 = arith.constant 0 : i32
        %dma_start3A_183 = arith.constant 0 : i32
        %dma_start3A_184 = tpu.memref_slice %arg9[%dma_start3A_181, %dma_start3A_182, %dma_start3A_183] : memref<2x128x32xf32, #tpu.memory_space<vmem>> -> memref<1x128x32xf32, #tpu.memory_space<vmem>>
        %dma_start3A_185 = tpu.memref_squeeze %dma_start3A_184 : memref<1x128x32xf32, #tpu.memory_space<vmem>> -> memref<128x32xf32, #tpu.memory_space<vmem>>
        %dma_start3A_186 = arith.constant 0 : i32
        %dma_start3A_187 = tpu.memref_slice %arg7[%add3A_180, %dma_start3A_186] : memref<56x128xi32, #tpu.memory_space<vmem>> -> memref<1x128xi32, #tpu.memory_space<vmem>>
        %dma_start3A_188 = tpu.memref_squeeze %dma_start3A_187 : memref<1x128xi32, #tpu.memory_space<vmem>> -> memref<128xi32, #tpu.memory_space<vmem>>
        %dma_start3A_189 = arith.constant 0 : i32
        %dma_start3A_190 = arith.constant 0 : i32
        %dma_start3A_191 = tpu.memref_slice %arg2[%arg0, %dma_start3A_189, %dma_start3A_190] : memref<2x50048x32xf32, #tpu.memory_space<hbm>> -> memref<1x50048x32xf32, #tpu.memory_space<hbm>>
        %dma_start3A_192 = tpu.memref_squeeze %dma_start3A_191 : memref<1x50048x32xf32, #tpu.memory_space<hbm>> -> memref<50048x32xf32, #tpu.memory_space<hbm>>
        %dma_start3A_193 = arith.constant 0 : i32
        %dma_start3A_194 = arith.constant 0 : i32
        %dma_start3A_195 = tpu.memref_slice %dma_start3A_192[%dma_start3A_193, %dma_start3A_194] : memref<50048x32xf32, #tpu.memory_space<hbm>> -> memref<50048x32xf32, #tpu.memory_space<hbm>>
        tpu.enqueue_indirect_dma source(%dma_start3A_195 : memref<50048x32xf32, #tpu.memory_space<hbm>>) target(%dma_start3A_185 : memref<128x32xf32, #tpu.memory_space<vmem>>) offsets(%dma_start3A_188 : memref<128xi32, #tpu.memory_space<vmem>>) semaphore(%arg11 : memref<!tpu.dma_semaphore, #tpu.memory_space<semaphore_mem>>)
        %mul3A_196 = arith.constant 2 : i32
        %mul3A_197 = arith.muli %mul3A_196, %scan3A_137 : i32
        %add3A_198 = arith.constant 1 : i32
        %add3A_199 = arith.addi %mul3A_197, %add3A_198 : i32
        %dma_wait3A_200 = arith.constant 1 : i32
        %dma_wait3A_201 = arith.constant 0 : i32
        %dma_wait3A_202 = arith.constant 0 : i32
        %dma_wait3A_203 = tpu.memref_slice %arg9[%dma_wait3A_200, %dma_wait3A_201, %dma_wait3A_202] : memref<2x128x32xf32, #tpu.memory_space<vmem>> -> memref<1x128x32xf32, #tpu.memory_space<vmem>>
        %dma_wait3A_204 = tpu.memref_squeeze %dma_wait3A_203 : memref<1x128x32xf32, #tpu.memory_space<vmem>> -> memref<128x32xf32, #tpu.memory_space<vmem>>
        %dma_wait3A_205 = arith.constant 0 : i32
        %dma_wait3A_206 = tpu.memref_slice %arg7[%add3A_199, %dma_wait3A_205] : memref<56x128xi32, #tpu.memory_space<vmem>> -> memref<1x128xi32, #tpu.memory_space<vmem>>
        %dma_wait3A_207 = tpu.memref_squeeze %dma_wait3A_206 : memref<1x128xi32, #tpu.memory_space<vmem>> -> memref<128xi32, #tpu.memory_space<vmem>>
        %dma_wait3A_208 = arith.constant 0 : i32
        %dma_wait3A_209 = arith.constant 0 : i32
        %dma_wait3A_210 = tpu.memref_slice %arg2[%arg0, %dma_wait3A_208, %dma_wait3A_209] : memref<2x50048x32xf32, #tpu.memory_space<hbm>> -> memref<1x50048x32xf32, #tpu.memory_space<hbm>>
        %dma_wait3A_211 = tpu.memref_squeeze %dma_wait3A_210 : memref<1x50048x32xf32, #tpu.memory_space<hbm>> -> memref<50048x32xf32, #tpu.memory_space<hbm>>
        %dma_wait3A_212 = arith.constant 0 : i32
        %dma_wait3A_213 = arith.constant 0 : i32
        %dma_wait3A_214 = tpu.memref_slice %dma_wait3A_211[%dma_wait3A_212, %dma_wait3A_213] : memref<50048x32xf32, #tpu.memory_space<hbm>> -> memref<50048x32xf32, #tpu.memory_space<hbm>>
        tpu.wait_indirect_dma semaphore(%arg12 : memref<!tpu.dma_semaphore, #tpu.memory_space<semaphore_mem>>) src(%dma_wait3A_214 : memref<50048x32xf32, #tpu.memory_space<hbm>>) dst(%dma_wait3A_204 : memref<128x32xf32, #tpu.memory_space<vmem>>)
        %dma_start3A_215 = arith.constant 1 : i32
        %dma_start3A_216 = arith.constant 0 : i32
        %dma_start3A_217 = arith.constant 0 : i32
        %dma_start3A_218 = tpu.memref_slice %arg9[%dma_start3A_215, %dma_start3A_216, %dma_start3A_217] : memref<2x128x32xf32, #tpu.memory_space<vmem>> -> memref<1x128x32xf32, #tpu.memory_space<vmem>>
        %dma_start3A_219 = tpu.memref_squeeze %dma_start3A_218 : memref<1x128x32xf32, #tpu.memory_space<vmem>> -> memref<128x32xf32, #tpu.memory_space<vmem>>
        %dma_start3A_220 = arith.constant 0 : i32
        %dma_start3A_221 = tpu.memref_slice %arg8[%add3A_199, %dma_start3A_220] : memref<56x128xi32, #tpu.memory_space<vmem>> -> memref<1x128xi32, #tpu.memory_space<vmem>>
        %dma_start3A_222 = tpu.memref_squeeze %dma_start3A_221 : memref<1x128xi32, #tpu.memory_space<vmem>> -> memref<128xi32, #tpu.memory_space<vmem>>
        %dma_start3A_223 = arith.constant 0 : i32
        %dma_start3A_224 = arith.constant 0 : i32
        %dma_start3A_225 = tpu.memref_slice %arg10[%dma_start3A_223, %dma_start3A_224] : memref<50048x32xf32, #tpu.memory_space<vmem_shared>> -> memref<50048x32xf32, #tpu.memory_space<vmem_shared>>
        tpu.enqueue_indirect_dma source(%dma_start3A_219 : memref<128x32xf32, #tpu.memory_space<vmem>>) target(%dma_start3A_225 : memref<50048x32xf32, #tpu.memory_space<vmem_shared>>) offsets(%dma_start3A_222 : memref<128xi32, #tpu.memory_space<vmem>>) semaphore(%arg14 : memref<!tpu.dma_semaphore, #tpu.memory_space<semaphore_mem>>) {add = true}
        %dma_wait3A_226 = arith.constant 1 : i32
        %dma_wait3A_227 = arith.constant 0 : i32
        %dma_wait3A_228 = arith.constant 0 : i32
        %dma_wait3A_229 = tpu.memref_slice %arg9[%dma_wait3A_226, %dma_wait3A_227, %dma_wait3A_228] : memref<2x128x32xf32, #tpu.memory_space<vmem>> -> memref<1x128x32xf32, #tpu.memory_space<vmem>>
        %dma_wait3A_230 = tpu.memref_squeeze %dma_wait3A_229 : memref<1x128x32xf32, #tpu.memory_space<vmem>> -> memref<128x32xf32, #tpu.memory_space<vmem>>
        %dma_wait3A_231 = arith.constant 0 : i32
        %dma_wait3A_232 = tpu.memref_slice %arg8[%add3A_199, %dma_wait3A_231] : memref<56x128xi32, #tpu.memory_space<vmem>> -> memref<1x128xi32, #tpu.memory_space<vmem>>
        %dma_wait3A_233 = tpu.memref_squeeze %dma_wait3A_232 : memref<1x128xi32, #tpu.memory_space<vmem>> -> memref<128xi32, #tpu.memory_space<vmem>>
        %dma_wait3A_234 = arith.constant 0 : i32
        %dma_wait3A_235 = arith.constant 0 : i32
        %dma_wait3A_236 = tpu.memref_slice %arg10[%dma_wait3A_234, %dma_wait3A_235] : memref<50048x32xf32, #tpu.memory_space<vmem_shared>> -> memref<50048x32xf32, #tpu.memory_space<vmem_shared>>
        tpu.wait_indirect_dma semaphore(%arg14 : memref<!tpu.dma_semaphore, #tpu.memory_space<semaphore_mem>>) src(%dma_wait3A_230 : memref<128x32xf32, #tpu.memory_space<vmem>>) dst(%dma_wait3A_236 : memref<50048x32xf32, #tpu.memory_space<vmem_shared>>)
        %add3A_237 = arith.constant 2 : i32
        %add3A_238 = arith.addi %add3A_199, %add3A_237 : i32
        %dma_start3A_239 = arith.constant 1 : i32
        %dma_start3A_240 = arith.constant 0 : i32
        %dma_start3A_241 = arith.constant 0 : i32
        %dma_start3A_242 = tpu.memref_slice %arg9[%dma_start3A_239, %dma_start3A_240, %dma_start3A_241] : memref<2x128x32xf32, #tpu.memory_space<vmem>> -> memref<1x128x32xf32, #tpu.memory_space<vmem>>
        %dma_start3A_243 = tpu.memref_squeeze %dma_start3A_242 : memref<1x128x32xf32, #tpu.memory_space<vmem>> -> memref<128x32xf32, #tpu.memory_space<vmem>>
        %dma_start3A_244 = arith.constant 0 : i32
        %dma_start3A_245 = tpu.memref_slice %arg7[%add3A_238, %dma_start3A_244] : memref<56x128xi32, #tpu.memory_space<vmem>> -> memref<1x128xi32, #tpu.memory_space<vmem>>
        %dma_start3A_246 = tpu.memref_squeeze %dma_start3A_245 : memref<1x128xi32, #tpu.memory_space<vmem>> -> memref<128xi32, #tpu.memory_space<vmem>>
        %dma_start3A_247 = arith.constant 0 : i32
        %dma_start3A_248 = arith.constant 0 : i32
        %dma_start3A_249 = tpu.memref_slice %arg2[%arg0, %dma_start3A_247, %dma_start3A_248] : memref<2x50048x32xf32, #tpu.memory_space<hbm>> -> memref<1x50048x32xf32, #tpu.memory_space<hbm>>
        %dma_start3A_250 = tpu.memref_squeeze %dma_start3A_249 : memref<1x50048x32xf32, #tpu.memory_space<hbm>> -> memref<50048x32xf32, #tpu.memory_space<hbm>>
        %dma_start3A_251 = arith.constant 0 : i32
        %dma_start3A_252 = arith.constant 0 : i32
        %dma_start3A_253 = tpu.memref_slice %dma_start3A_250[%dma_start3A_251, %dma_start3A_252] : memref<50048x32xf32, #tpu.memory_space<hbm>> -> memref<50048x32xf32, #tpu.memory_space<hbm>>
        tpu.enqueue_indirect_dma source(%dma_start3A_253 : memref<50048x32xf32, #tpu.memory_space<hbm>>) target(%dma_start3A_243 : memref<128x32xf32, #tpu.memory_space<vmem>>) offsets(%dma_start3A_246 : memref<128xi32, #tpu.memory_space<vmem>>) semaphore(%arg12 : memref<!tpu.dma_semaphore, #tpu.memory_space<semaphore_mem>>)
      }
      %scan3A_57 = arith.constant 27 : i32
      %dma_wait3A = arith.constant 54 : i32
      %dma_wait3A_58 = arith.constant 0 : i32
      %dma_wait3A_59 = arith.constant 0 : i32
      %dma_wait3A_60 = arith.constant 0 : i32
      %dma_wait3A_61 = tpu.memref_slice %arg9[%dma_wait3A_58, %dma_wait3A_59, %dma_wait3A_60] : memref<2x128x32xf32, #tpu.memory_space<vmem>> -> memref<1x128x32xf32, #tpu.memory_space<vmem>>
      %dma_wait3A_62 = tpu.memref_squeeze %dma_wait3A_61 : memref<1x128x32xf32, #tpu.memory_space<vmem>> -> memref<128x32xf32, #tpu.memory_space<vmem>>
      %dma_wait3A_63 = arith.constant 0 : i32
      %dma_wait3A_64 = tpu.memref_slice %arg7[%dma_wait3A, %dma_wait3A_63] : memref<56x128xi32, #tpu.memory_space<vmem>> -> memref<1x128xi32, #tpu.memory_space<vmem>>
      %dma_wait3A_65 = tpu.memref_squeeze %dma_wait3A_64 : memref<1x128xi32, #tpu.memory_space<vmem>> -> memref<128xi32, #tpu.memory_space<vmem>>
      %dma_wait3A_66 = arith.constant 0 : i32
      %dma_wait3A_67 = arith.constant 0 : i32
      %dma_wait3A_68 = tpu.memref_slice %arg2[%arg0, %dma_wait3A_66, %dma_wait3A_67] : memref<2x50048x32xf32, #tpu.memory_space<hbm>> -> memref<1x50048x32xf32, #tpu.memory_space<hbm>>
      %dma_wait3A_69 = tpu.memref_squeeze %dma_wait3A_68 : memref<1x50048x32xf32, #tpu.memory_space<hbm>> -> memref<50048x32xf32, #tpu.memory_space<hbm>>
      %dma_wait3A_70 = arith.constant 0 : i32
      %dma_wait3A_71 = arith.constant 0 : i32
      %dma_wait3A_72 = tpu.memref_slice %dma_wait3A_69[%dma_wait3A_70, %dma_wait3A_71] : memref<50048x32xf32, #tpu.memory_space<hbm>> -> memref<50048x32xf32, #tpu.memory_space<hbm>>
      tpu.wait_indirect_dma semaphore(%arg11 : memref<!tpu.dma_semaphore, #tpu.memory_space<semaphore_mem>>) src(%dma_wait3A_72 : memref<50048x32xf32, #tpu.memory_space<hbm>>) dst(%dma_wait3A_62 : memref<128x32xf32, #tpu.memory_space<vmem>>)
      %dma_start3A_73 = arith.constant 0 : i32
      %dma_start3A_74 = arith.constant 54 : i32
      %dma_start3A_75 = arith.constant 0 : i32
      %dma_start3A_76 = arith.constant 0 : i32
      %dma_start3A_77 = tpu.memref_slice %arg9[%dma_start3A_73, %dma_start3A_75, %dma_start3A_76] : memref<2x128x32xf32, #tpu.memory_space<vmem>> -> memref<1x128x32xf32, #tpu.memory_space<vmem>>
      %dma_start3A_78 = tpu.memref_squeeze %dma_start3A_77 : memref<1x128x32xf32, #tpu.memory_space<vmem>> -> memref<128x32xf32, #tpu.memory_space<vmem>>
      %dma_start3A_79 = arith.constant 0 : i32
      %dma_start3A_80 = tpu.memref_slice %arg8[%dma_start3A_74, %dma_start3A_79] : memref<56x128xi32, #tpu.memory_space<vmem>> -> memref<1x128xi32, #tpu.memory_space<vmem>>
      %dma_start3A_81 = tpu.memref_squeeze %dma_start3A_80 : memref<1x128xi32, #tpu.memory_space<vmem>> -> memref<128xi32, #tpu.memory_space<vmem>>
      %dma_start3A_82 = arith.constant 0 : i32
      %dma_start3A_83 = arith.constant 0 : i32
      %dma_start3A_84 = tpu.memref_slice %arg10[%dma_start3A_82, %dma_start3A_83] : memref<50048x32xf32, #tpu.memory_space<vmem_shared>> -> memref<50048x32xf32, #tpu.memory_space<vmem_shared>>
      tpu.enqueue_indirect_dma source(%dma_start3A_78 : memref<128x32xf32, #tpu.memory_space<vmem>>) target(%dma_start3A_84 : memref<50048x32xf32, #tpu.memory_space<vmem_shared>>) offsets(%dma_start3A_81 : memref<128xi32, #tpu.memory_space<vmem>>) semaphore(%arg13 : memref<!tpu.dma_semaphore, #tpu.memory_space<semaphore_mem>>) {add = true}
      %dma_wait3A_85 = arith.constant 0 : i32
      %dma_wait3A_86 = arith.constant 54 : i32
      %dma_wait3A_87 = arith.constant 0 : i32
      %dma_wait3A_88 = arith.constant 0 : i32
      %dma_wait3A_89 = tpu.memref_slice %arg9[%dma_wait3A_85, %dma_wait3A_87, %dma_wait3A_88] : memref<2x128x32xf32, #tpu.memory_space<vmem>> -> memref<1x128x32xf32, #tpu.memory_space<vmem>>
      %dma_wait3A_90 = tpu.memref_squeeze %dma_wait3A_89 : memref<1x128x32xf32, #tpu.memory_space<vmem>> -> memref<128x32xf32, #tpu.memory_space<vmem>>
      %dma_wait3A_91 = arith.constant 0 : i32
      %dma_wait3A_92 = tpu.memref_slice %arg8[%dma_wait3A_86, %dma_wait3A_91] : memref<56x128xi32, #tpu.memory_space<vmem>> -> memref<1x128xi32, #tpu.memory_space<vmem>>
      %dma_wait3A_93 = tpu.memref_squeeze %dma_wait3A_92 : memref<1x128xi32, #tpu.memory_space<vmem>> -> memref<128xi32, #tpu.memory_space<vmem>>
      %dma_wait3A_94 = arith.constant 0 : i32
      %dma_wait3A_95 = arith.constant 0 : i32
      %dma_wait3A_96 = tpu.memref_slice %arg10[%dma_wait3A_94, %dma_wait3A_95] : memref<50048x32xf32, #tpu.memory_space<vmem_shared>> -> memref<50048x32xf32, #tpu.memory_space<vmem_shared>>
      tpu.wait_indirect_dma semaphore(%arg13 : memref<!tpu.dma_semaphore, #tpu.memory_space<semaphore_mem>>) src(%dma_wait3A_90 : memref<128x32xf32, #tpu.memory_space<vmem>>) dst(%dma_wait3A_96 : memref<50048x32xf32, #tpu.memory_space<vmem_shared>>)
      %dma_wait3A_97 = arith.constant 55 : i32
      %dma_wait3A_98 = arith.constant 1 : i32
      %dma_wait3A_99 = arith.constant 0 : i32
      %dma_wait3A_100 = arith.constant 0 : i32
      %dma_wait3A_101 = tpu.memref_slice %arg9[%dma_wait3A_98, %dma_wait3A_99, %dma_wait3A_100] : memref<2x128x32xf32, #tpu.memory_space<vmem>> -> memref<1x128x32xf32, #tpu.memory_space<vmem>>
      %dma_wait3A_102 = tpu.memref_squeeze %dma_wait3A_101 : memref<1x128x32xf32, #tpu.memory_space<vmem>> -> memref<128x32xf32, #tpu.memory_space<vmem>>
      %dma_wait3A_103 = arith.constant 0 : i32
      %dma_wait3A_104 = tpu.memref_slice %arg7[%dma_wait3A_97, %dma_wait3A_103] : memref<56x128xi32, #tpu.memory_space<vmem>> -> memref<1x128xi32, #tpu.memory_space<vmem>>
      %dma_wait3A_105 = tpu.memref_squeeze %dma_wait3A_104 : memref<1x128xi32, #tpu.memory_space<vmem>> -> memref<128xi32, #tpu.memory_space<vmem>>
      %dma_wait3A_106 = arith.constant 0 : i32
      %dma_wait3A_107 = arith.constant 0 : i32
      %dma_wait3A_108 = tpu.memref_slice %arg2[%arg0, %dma_wait3A_106, %dma_wait3A_107] : memref<2x50048x32xf32, #tpu.memory_space<hbm>> -> memref<1x50048x32xf32, #tpu.memory_space<hbm>>
      %dma_wait3A_109 = tpu.memref_squeeze %dma_wait3A_108 : memref<1x50048x32xf32, #tpu.memory_space<hbm>> -> memref<50048x32xf32, #tpu.memory_space<hbm>>
      %dma_wait3A_110 = arith.constant 0 : i32
      %dma_wait3A_111 = arith.constant 0 : i32
      %dma_wait3A_112 = tpu.memref_slice %dma_wait3A_109[%dma_wait3A_110, %dma_wait3A_111] : memref<50048x32xf32, #tpu.memory_space<hbm>> -> memref<50048x32xf32, #tpu.memory_space<hbm>>
      tpu.wait_indirect_dma semaphore(%arg12 : memref<!tpu.dma_semaphore, #tpu.memory_space<semaphore_mem>>) src(%dma_wait3A_112 : memref<50048x32xf32, #tpu.memory_space<hbm>>) dst(%dma_wait3A_102 : memref<128x32xf32, #tpu.memory_space<vmem>>)
      %dma_start3A_113 = arith.constant 1 : i32
      %dma_start3A_114 = arith.constant 55 : i32
      %dma_start3A_115 = arith.constant 0 : i32
      %dma_start3A_116 = arith.constant 0 : i32
      %dma_start3A_117 = tpu.memref_slice %arg9[%dma_start3A_113, %dma_start3A_115, %dma_start3A_116] : memref<2x128x32xf32, #tpu.memory_space<vmem>> -> memref<1x128x32xf32, #tpu.memory_space<vmem>>
      %dma_start3A_118 = tpu.memref_squeeze %dma_start3A_117 : memref<1x128x32xf32, #tpu.memory_space<vmem>> -> memref<128x32xf32, #tpu.memory_space<vmem>>
      %dma_start3A_119 = arith.constant 0 : i32
      %dma_start3A_120 = tpu.memref_slice %arg8[%dma_start3A_114, %dma_start3A_119] : memref<56x128xi32, #tpu.memory_space<vmem>> -> memref<1x128xi32, #tpu.memory_space<vmem>>
      %dma_start3A_121 = tpu.memref_squeeze %dma_start3A_120 : memref<1x128xi32, #tpu.memory_space<vmem>> -> memref<128xi32, #tpu.memory_space<vmem>>
      %dma_start3A_122 = arith.constant 0 : i32
      %dma_start3A_123 = arith.constant 0 : i32
      %dma_start3A_124 = tpu.memref_slice %arg10[%dma_start3A_122, %dma_start3A_123] : memref<50048x32xf32, #tpu.memory_space<vmem_shared>> -> memref<50048x32xf32, #tpu.memory_space<vmem_shared>>
      tpu.enqueue_indirect_dma source(%dma_start3A_118 : memref<128x32xf32, #tpu.memory_space<vmem>>) target(%dma_start3A_124 : memref<50048x32xf32, #tpu.memory_space<vmem_shared>>) offsets(%dma_start3A_121 : memref<128xi32, #tpu.memory_space<vmem>>) semaphore(%arg14 : memref<!tpu.dma_semaphore, #tpu.memory_space<semaphore_mem>>) {add = true}
      %dma_wait3A_125 = arith.constant 1 : i32
      %dma_wait3A_126 = arith.constant 55 : i32
      %dma_wait3A_127 = arith.constant 0 : i32
      %dma_wait3A_128 = arith.constant 0 : i32
      %dma_wait3A_129 = tpu.memref_slice %arg9[%dma_wait3A_125, %dma_wait3A_127, %dma_wait3A_128] : memref<2x128x32xf32, #tpu.memory_space<vmem>> -> memref<1x128x32xf32, #tpu.memory_space<vmem>>
      %dma_wait3A_130 = tpu.memref_squeeze %dma_wait3A_129 : memref<1x128x32xf32, #tpu.memory_space<vmem>> -> memref<128x32xf32, #tpu.memory_space<vmem>>
      %dma_wait3A_131 = arith.constant 0 : i32
      %dma_wait3A_132 = tpu.memref_slice %arg8[%dma_wait3A_126, %dma_wait3A_131] : memref<56x128xi32, #tpu.memory_space<vmem>> -> memref<1x128xi32, #tpu.memory_space<vmem>>
      %dma_wait3A_133 = tpu.memref_squeeze %dma_wait3A_132 : memref<1x128xi32, #tpu.memory_space<vmem>> -> memref<128xi32, #tpu.memory_space<vmem>>
      %dma_wait3A_134 = arith.constant 0 : i32
      %dma_wait3A_135 = arith.constant 0 : i32
      %dma_wait3A_136 = tpu.memref_slice %arg10[%dma_wait3A_134, %dma_wait3A_135] : memref<50048x32xf32, #tpu.memory_space<vmem_shared>> -> memref<50048x32xf32, #tpu.memory_space<vmem_shared>>
      tpu.wait_indirect_dma semaphore(%arg14 : memref<!tpu.dma_semaphore, #tpu.memory_space<semaphore_mem>>) src(%dma_wait3A_130 : memref<128x32xf32, #tpu.memory_space<vmem>>) dst(%dma_wait3A_136 : memref<50048x32xf32, #tpu.memory_space<vmem_shared>>)
    }
    %scan3A_7 = arith.constant 7 : i32
    %barrier3A_8 = arith.constant 0 : index
    tpu.barrier barrier_id(%barrier3A_8)
    %mul3A_9 = arith.constant 3128 : i32
    %mul3A_10 = arith.muli %arg1, %mul3A_9 : i32
    %mul3A_11 = arith.constant 3128 : i32
    %mul3A_12 = arith.muli %arg1, %mul3A_11 : i32
    "tpu.region"() ({
      %run_scoped3A = tpu.sem_alloc : memref<!tpu.dma_semaphore, #tpu.memory_space<semaphore_mem>>
      %dma_start3A = arith.constant 0 : i32
      %dma_start3A_13 = arith.constant 0 : i32
      %dma_start3A_14 = tpu.memref_slice %arg6[%arg0, %dma_start3A, %dma_start3A_13] : memref<2x50048x32xf32, #tpu.memory_space<hbm>> -> memref<1x50048x32xf32, #tpu.memory_space<hbm>>
      %dma_start3A_15 = tpu.memref_squeeze %dma_start3A_14 : memref<1x50048x32xf32, #tpu.memory_space<hbm>> -> memref<50048x32xf32, #tpu.memory_space<hbm>>
      %dma_start3A_16 = arith.constant 0 : i32
      %dma_start3A_17 = tpu.memref_slice %dma_start3A_15[%mul3A_12, %dma_start3A_16] : memref<50048x32xf32, #tpu.memory_space<hbm>> -> memref<3128x32xf32, #tpu.memory_space<hbm>>
      %dma_start3A_18 = arith.constant 0 : i32
      %dma_start3A_19 = tpu.memref_slice %arg10[%mul3A_10, %dma_start3A_18] : memref<50048x32xf32, #tpu.memory_space<vmem_shared>> -> memref<3128x32xf32, #tpu.memory_space<vmem_shared>>
      tpu.enqueue_dma source(%dma_start3A_19 : memref<3128x32xf32, #tpu.memory_space<vmem_shared>>) target(%dma_start3A_17 : memref<3128x32xf32, #tpu.memory_space<hbm>>) target_semaphore(%run_scoped3A : memref<!tpu.dma_semaphore, #tpu.memory_space<semaphore_mem>>)
      %dma_wait3A = arith.constant 0 : i32
      %dma_wait3A_20 = arith.constant 0 : i32
      %dma_wait3A_21 = tpu.memref_slice %arg6[%arg0, %dma_wait3A, %dma_wait3A_20] : memref<2x50048x32xf32, #tpu.memory_space<hbm>> -> memref<1x50048x32xf32, #tpu.memory_space<hbm>>
      %dma_wait3A_22 = tpu.memref_squeeze %dma_wait3A_21 : memref<1x50048x32xf32, #tpu.memory_space<hbm>> -> memref<50048x32xf32, #tpu.memory_space<hbm>>
      %dma_wait3A_23 = arith.constant 0 : i32
      %dma_wait3A_24 = tpu.memref_slice %dma_wait3A_22[%mul3A_12, %dma_wait3A_23] : memref<50048x32xf32, #tpu.memory_space<hbm>> -> memref<3128x32xf32, #tpu.memory_space<hbm>>
      %dma_wait3A_25 = arith.constant 0 : i32
      %dma_wait3A_26 = tpu.memref_slice %arg10[%mul3A_10, %dma_wait3A_25] : memref<50048x32xf32, #tpu.memory_space<vmem_shared>> -> memref<3128x32xf32, #tpu.memory_space<vmem_shared>>
      tpu.wait_dma2 semaphore(%run_scoped3A : memref<!tpu.dma_semaphore, #tpu.memory_space<semaphore_mem>>) src(%dma_wait3A_26 : memref<3128x32xf32, #tpu.memory_space<vmem_shared>>) dst(%dma_wait3A_24 : memref<3128x32xf32, #tpu.memory_space<hbm>>)
      tpu.yield
    }) : () -> ()
    return
  }
}

#map = affine_map<(d0, d1) -> (0, 0, 0)>
#map1 = affine_map<(d0, d1) -> (0, 0)>
module attributes {stable_mosaic.version = 14 : i64} {
  func.func @_sc_edge(%arg0: i32, %arg1: i32, %arg2: memref<2x50048x32xf32, #tpu.memory_space<hbm>>, %arg3: memref<6272x128xi32, #tpu.memory_space<hbm>>, %arg4: memref<6272x128xi32, #tpu.memory_space<hbm>>, %arg5: memref<50048x32xf32, #tpu.memory_space<hbm>>, %arg6: memref<2x50048x32xf32, #tpu.memory_space<hbm>>, %arg7: memref<56x128xi32, #tpu.memory_space<vmem>>, %arg8: memref<56x128xi32, #tpu.memory_space<vmem>>, %arg9: memref<2x128x32xf32, #tpu.memory_space<vmem>>, %arg10: memref<50048x32xf32, #tpu.memory_space<vmem_shared>>, %arg11: memref<!tpu.dma_semaphore, #tpu.memory_space<semaphore_mem>>, %arg12: memref<!tpu.dma_semaphore, #tpu.memory_space<semaphore_mem>>, %arg13: memref<!tpu.dma_semaphore, #tpu.memory_space<semaphore_mem>>, %arg14: memref<!tpu.dma_semaphore, #tpu.memory_space<semaphore_mem>>) attributes {dimension_semantics = [#tpu.dimension_semantics<core_parallel>, #tpu.dimension_semantics<subcore_parallel>], iteration_bounds = array<i64: 2, 16>, scalar_prefetch = 0 : i64, scratch_operands = 8 : i64, tpu.core_type = #tpu.core_type<sc_vector_subcore>, window_params = [{transform_indices = #map}, {transform_indices = #map1}, {transform_indices = #map1}, {transform_indices = #map1}, {transform_indices = #map}]} {
    %mul3A = arith.constant 3128 : i32
    %mul3A_0 = arith.muli %arg1, %mul3A : i32
    %mul3A_1 = arith.constant 3128 : i32
    %mul3A_2 = arith.muli %arg1, %mul3A_1 : i32
    "tpu.region"() ({
      %run_scoped3A = tpu.sem_alloc : memref<!tpu.dma_semaphore, #tpu.memory_space<semaphore_mem>>
      %dma_start3A = arith.constant 0 : i32
      %dma_start3A_13 = tpu.memref_slice %arg10[%mul3A_2, %dma_start3A] : memref<50048x32xf32, #tpu.memory_space<vmem_shared>> -> memref<3128x32xf32, #tpu.memory_space<vmem_shared>>
      %dma_start3A_14 = arith.constant 0 : i32
      %dma_start3A_15 = tpu.memref_slice %arg5[%mul3A_0, %dma_start3A_14] : memref<50048x32xf32, #tpu.memory_space<hbm>> -> memref<3128x32xf32, #tpu.memory_space<hbm>>
      tpu.enqueue_dma source(%dma_start3A_15 : memref<3128x32xf32, #tpu.memory_space<hbm>>) target(%dma_start3A_13 : memref<3128x32xf32, #tpu.memory_space<vmem_shared>>) target_semaphore(%run_scoped3A : memref<!tpu.dma_semaphore, #tpu.memory_space<semaphore_mem>>)
      %dma_wait3A = arith.constant 0 : i32
      %dma_wait3A_16 = tpu.memref_slice %arg10[%mul3A_2, %dma_wait3A] : memref<50048x32xf32, #tpu.memory_space<vmem_shared>> -> memref<3128x32xf32, #tpu.memory_space<vmem_shared>>
      %dma_wait3A_17 = arith.constant 0 : i32
      %dma_wait3A_18 = tpu.memref_slice %arg5[%mul3A_0, %dma_wait3A_17] : memref<50048x32xf32, #tpu.memory_space<hbm>> -> memref<3128x32xf32, #tpu.memory_space<hbm>>
      tpu.wait_dma2 semaphore(%run_scoped3A : memref<!tpu.dma_semaphore, #tpu.memory_space<semaphore_mem>>) src(%dma_wait3A_18 : memref<3128x32xf32, #tpu.memory_space<hbm>>) dst(%dma_wait3A_16 : memref<3128x32xf32, #tpu.memory_space<vmem_shared>>)
      tpu.yield
    }) : () -> ()
    %barrier3A = arith.constant 0 : index
    tpu.barrier barrier_id(%barrier3A)
    %scan3A = arith.constant 0 : i32
    %scan3A_3 = arith.constant 0 : i32
    %scan3A_4 = arith.constant 7 : i32
    %scan3A_5 = arith.addi %scan3A_3, %scan3A_4 : i32
    %scan3A_6 = arith.constant 1 : i32
    scf.for %scan3A_13 = %scan3A_3 to %scan3A_5 step %scan3A_6  : i32 {
      %mul3A_14 = arith.constant 56 : i32
      %mul3A_15 = arith.muli %scan3A_13, %mul3A_14 : i32
      %mul3A_16 = arith.constant 392 : i32
      %mul3A_17 = arith.muli %arg1, %mul3A_16 : i32
      %add3A = arith.addi %mul3A_17, %mul3A_15 : i32
      "tpu.region"() ({
        %run_scoped3A = tpu.sem_alloc : memref<!tpu.dma_semaphore, #tpu.memory_space<semaphore_mem>>
        %dma_start3A_137 = arith.constant 0 : i32
        %dma_start3A_138 = tpu.memref_slice %arg3[%add3A, %dma_start3A_137] : memref<6272x128xi32, #tpu.memory_space<hbm>> -> memref<56x128xi32, #tpu.memory_space<hbm>>
        %dma_start3A_139 = arith.constant 0 : i32
        %dma_start3A_140 = tpu.memref_slice %arg3[%add3A, %dma_start3A_139] : memref<6272x128xi32, #tpu.memory_space<hbm>> -> memref<56x128xi32, #tpu.memory_space<hbm>>
        tpu.enqueue_dma source(%dma_start3A_140 : memref<56x128xi32, #tpu.memory_space<hbm>>) target(%arg7 : memref<56x128xi32, #tpu.memory_space<vmem>>) target_semaphore(%run_scoped3A : memref<!tpu.dma_semaphore, #tpu.memory_space<semaphore_mem>>)
        %dma_wait3A_141 = arith.constant 0 : i32
        %dma_wait3A_142 = tpu.memref_slice %arg3[%add3A, %dma_wait3A_141] : memref<6272x128xi32, #tpu.memory_space<hbm>> -> memref<56x128xi32, #tpu.memory_space<hbm>>
        %dma_wait3A_143 = arith.constant 0 : i32
        %dma_wait3A_144 = tpu.memref_slice %arg3[%add3A, %dma_wait3A_143] : memref<6272x128xi32, #tpu.memory_space<hbm>> -> memref<56x128xi32, #tpu.memory_space<hbm>>
        tpu.wait_dma2 semaphore(%run_scoped3A : memref<!tpu.dma_semaphore, #tpu.memory_space<semaphore_mem>>) src(%dma_wait3A_144 : memref<56x128xi32, #tpu.memory_space<hbm>>) dst(%arg7 : memref<56x128xi32, #tpu.memory_space<vmem>>)
        tpu.yield
      }) : () -> ()
      %mul3A_18 = arith.constant 392 : i32
      %mul3A_19 = arith.muli %arg1, %mul3A_18 : i32
      %add3A_20 = arith.addi %mul3A_19, %mul3A_15 : i32
      "tpu.region"() ({
        %run_scoped3A = tpu.sem_alloc : memref<!tpu.dma_semaphore, #tpu.memory_space<semaphore_mem>>
        %dma_start3A_137 = arith.constant 0 : i32
        %dma_start3A_138 = tpu.memref_slice %arg4[%add3A_20, %dma_start3A_137] : memref<6272x128xi32, #tpu.memory_space<hbm>> -> memref<56x128xi32, #tpu.memory_space<hbm>>
        %dma_start3A_139 = arith.constant 0 : i32
        %dma_start3A_140 = tpu.memref_slice %arg4[%add3A_20, %dma_start3A_139] : memref<6272x128xi32, #tpu.memory_space<hbm>> -> memref<56x128xi32, #tpu.memory_space<hbm>>
        tpu.enqueue_dma source(%dma_start3A_140 : memref<56x128xi32, #tpu.memory_space<hbm>>) target(%arg8 : memref<56x128xi32, #tpu.memory_space<vmem>>) target_semaphore(%run_scoped3A : memref<!tpu.dma_semaphore, #tpu.memory_space<semaphore_mem>>)
        %dma_wait3A_141 = arith.constant 0 : i32
        %dma_wait3A_142 = tpu.memref_slice %arg4[%add3A_20, %dma_wait3A_141] : memref<6272x128xi32, #tpu.memory_space<hbm>> -> memref<56x128xi32, #tpu.memory_space<hbm>>
        %dma_wait3A_143 = arith.constant 0 : i32
        %dma_wait3A_144 = tpu.memref_slice %arg4[%add3A_20, %dma_wait3A_143] : memref<6272x128xi32, #tpu.memory_space<hbm>> -> memref<56x128xi32, #tpu.memory_space<hbm>>
        tpu.wait_dma2 semaphore(%run_scoped3A : memref<!tpu.dma_semaphore, #tpu.memory_space<semaphore_mem>>) src(%dma_wait3A_144 : memref<56x128xi32, #tpu.memory_space<hbm>>) dst(%arg8 : memref<56x128xi32, #tpu.memory_space<vmem>>)
        tpu.yield
      }) : () -> ()
      %dma_start3A = arith.constant 0 : i32
      %dma_start3A_21 = arith.constant 0 : i32
      %dma_start3A_22 = arith.constant 0 : i32
      %dma_start3A_23 = arith.constant 0 : i32
      %dma_start3A_24 = tpu.memref_slice %arg9[%dma_start3A_21, %dma_start3A_22, %dma_start3A_23] : memref<2x128x32xf32, #tpu.memory_space<vmem>> -> memref<1x128x32xf32, #tpu.memory_space<vmem>>
      %dma_start3A_25 = tpu.memref_squeeze %dma_start3A_24 : memref<1x128x32xf32, #tpu.memory_space<vmem>> -> memref<128x32xf32, #tpu.memory_space<vmem>>
      %dma_start3A_26 = arith.constant 0 : i32
      %dma_start3A_27 = tpu.memref_slice %arg7[%dma_start3A, %dma_start3A_26] : memref<56x128xi32, #tpu.memory_space<vmem>> -> memref<1x128xi32, #tpu.memory_space<vmem>>
      %dma_start3A_28 = tpu.memref_squeeze %dma_start3A_27 : memref<1x128xi32, #tpu.memory_space<vmem>> -> memref<128xi32, #tpu.memory_space<vmem>>
      %dma_start3A_29 = arith.constant 0 : i32
      %dma_start3A_30 = arith.constant 0 : i32
      %dma_start3A_31 = tpu.memref_slice %arg2[%arg0, %dma_start3A_29, %dma_start3A_30] : memref<2x50048x32xf32, #tpu.memory_space<hbm>> -> memref<1x50048x32xf32, #tpu.memory_space<hbm>>
      %dma_start3A_32 = tpu.memref_squeeze %dma_start3A_31 : memref<1x50048x32xf32, #tpu.memory_space<hbm>> -> memref<50048x32xf32, #tpu.memory_space<hbm>>
      %dma_start3A_33 = arith.constant 0 : i32
      %dma_start3A_34 = arith.constant 0 : i32
      %dma_start3A_35 = tpu.memref_slice %dma_start3A_32[%dma_start3A_33, %dma_start3A_34] : memref<50048x32xf32, #tpu.memory_space<hbm>> -> memref<50048x32xf32, #tpu.memory_space<hbm>>
      tpu.enqueue_indirect_dma source(%dma_start3A_35 : memref<50048x32xf32, #tpu.memory_space<hbm>>) target(%dma_start3A_25 : memref<128x32xf32, #tpu.memory_space<vmem>>) offsets(%dma_start3A_28 : memref<128xi32, #tpu.memory_space<vmem>>) semaphore(%arg11 : memref<!tpu.dma_semaphore, #tpu.memory_space<semaphore_mem>>)
      %dma_start3A_36 = arith.constant 1 : i32
      %dma_start3A_37 = arith.constant 1 : i32
      %dma_start3A_38 = arith.constant 0 : i32
      %dma_start3A_39 = arith.constant 0 : i32
      %dma_start3A_40 = tpu.memref_slice %arg9[%dma_start3A_37, %dma_start3A_38, %dma_start3A_39] : memref<2x128x32xf32, #tpu.memory_space<vmem>> -> memref<1x128x32xf32, #tpu.memory_space<vmem>>
      %dma_start3A_41 = tpu.memref_squeeze %dma_start3A_40 : memref<1x128x32xf32, #tpu.memory_space<vmem>> -> memref<128x32xf32, #tpu.memory_space<vmem>>
      %dma_start3A_42 = arith.constant 0 : i32
      %dma_start3A_43 = tpu.memref_slice %arg7[%dma_start3A_36, %dma_start3A_42] : memref<56x128xi32, #tpu.memory_space<vmem>> -> memref<1x128xi32, #tpu.memory_space<vmem>>
      %dma_start3A_44 = tpu.memref_squeeze %dma_start3A_43 : memref<1x128xi32, #tpu.memory_space<vmem>> -> memref<128xi32, #tpu.memory_space<vmem>>
      %dma_start3A_45 = arith.constant 0 : i32
      %dma_start3A_46 = arith.constant 0 : i32
      %dma_start3A_47 = tpu.memref_slice %arg2[%arg0, %dma_start3A_45, %dma_start3A_46] : memref<2x50048x32xf32, #tpu.memory_space<hbm>> -> memref<1x50048x32xf32, #tpu.memory_space<hbm>>
      %dma_start3A_48 = tpu.memref_squeeze %dma_start3A_47 : memref<1x50048x32xf32, #tpu.memory_space<hbm>> -> memref<50048x32xf32, #tpu.memory_space<hbm>>
      %dma_start3A_49 = arith.constant 0 : i32
      %dma_start3A_50 = arith.constant 0 : i32
      %dma_start3A_51 = tpu.memref_slice %dma_start3A_48[%dma_start3A_49, %dma_start3A_50] : memref<50048x32xf32, #tpu.memory_space<hbm>> -> memref<50048x32xf32, #tpu.memory_space<hbm>>
      tpu.enqueue_indirect_dma source(%dma_start3A_51 : memref<50048x32xf32, #tpu.memory_space<hbm>>) target(%dma_start3A_41 : memref<128x32xf32, #tpu.memory_space<vmem>>) offsets(%dma_start3A_44 : memref<128xi32, #tpu.memory_space<vmem>>) semaphore(%arg12 : memref<!tpu.dma_semaphore, #tpu.memory_space<semaphore_mem>>)
      %scan3A_52 = arith.constant 0 : i32
      %scan3A_53 = arith.constant 0 : i32
      %scan3A_54 = arith.constant 27 : i32
      %scan3A_55 = arith.addi %scan3A_53, %scan3A_54 : i32
      %scan3A_56 = arith.constant 1 : i32
      scf.for %scan3A_137 = %scan3A_53 to %scan3A_55 step %scan3A_56  : i32 {
        %mul3A_138 = arith.constant 2 : i32
        %mul3A_139 = arith.muli %mul3A_138, %scan3A_137 : i32
        %add3A_140 = arith.constant 0 : i32
        %add3A_141 = arith.addi %mul3A_139, %add3A_140 : i32
        %dma_wait3A_142 = arith.constant 0 : i32
        %dma_wait3A_143 = arith.constant 0 : i32
        %dma_wait3A_144 = arith.constant 0 : i32
        %dma_wait3A_145 = tpu.memref_slice %arg9[%dma_wait3A_142, %dma_wait3A_143, %dma_wait3A_144] : memref<2x128x32xf32, #tpu.memory_space<vmem>> -> memref<1x128x32xf32, #tpu.memory_space<vmem>>
        %dma_wait3A_146 = tpu.memref_squeeze %dma_wait3A_145 : memref<1x128x32xf32, #tpu.memory_space<vmem>> -> memref<128x32xf32, #tpu.memory_space<vmem>>
        %dma_wait3A_147 = arith.constant 0 : i32
        %dma_wait3A_148 = tpu.memref_slice %arg7[%add3A_141, %dma_wait3A_147] : memref<56x128xi32, #tpu.memory_space<vmem>> -> memref<1x128xi32, #tpu.memory_space<vmem>>
        %dma_wait3A_149 = tpu.memref_squeeze %dma_wait3A_148 : memref<1x128xi32, #tpu.memory_space<vmem>> -> memref<128xi32, #tpu.memory_space<vmem>>
        %dma_wait3A_150 = arith.constant 0 : i32
        %dma_wait3A_151 = arith.constant 0 : i32
        %dma_wait3A_152 = tpu.memref_slice %arg2[%arg0, %dma_wait3A_150, %dma_wait3A_151] : memref<2x50048x32xf32, #tpu.memory_space<hbm>> -> memref<1x50048x32xf32, #tpu.memory_space<hbm>>
        %dma_wait3A_153 = tpu.memref_squeeze %dma_wait3A_152 : memref<1x50048x32xf32, #tpu.memory_space<hbm>> -> memref<50048x32xf32, #tpu.memory_space<hbm>>
        %dma_wait3A_154 = arith.constant 0 : i32
        %dma_wait3A_155 = arith.constant 0 : i32
        %dma_wait3A_156 = tpu.memref_slice %dma_wait3A_153[%dma_wait3A_154, %dma_wait3A_155] : memref<50048x32xf32, #tpu.memory_space<hbm>> -> memref<50048x32xf32, #tpu.memory_space<hbm>>
        tpu.wait_indirect_dma semaphore(%arg11 : memref<!tpu.dma_semaphore, #tpu.memory_space<semaphore_mem>>) src(%dma_wait3A_156 : memref<50048x32xf32, #tpu.memory_space<hbm>>) dst(%dma_wait3A_146 : memref<128x32xf32, #tpu.memory_space<vmem>>)
        %dma_start3A_157 = arith.constant 0 : i32
        %dma_start3A_158 = arith.constant 0 : i32
        %dma_start3A_159 = arith.constant 0 : i32
        %dma_start3A_160 = tpu.memref_slice %arg9[%dma_start3A_157, %dma_start3A_158, %dma_start3A_159] : memref<2x128x32xf32, #tpu.memory_space<vmem>> -> memref<1x128x32xf32, #tpu.memory_space<vmem>>
        %dma_start3A_161 = tpu.memref_squeeze %dma_start3A_160 : memref<1x128x32xf32, #tpu.memory_space<vmem>> -> memref<128x32xf32, #tpu.memory_space<vmem>>
        %dma_start3A_162 = arith.constant 0 : i32
        %dma_start3A_163 = tpu.memref_slice %arg8[%add3A_141, %dma_start3A_162] : memref<56x128xi32, #tpu.memory_space<vmem>> -> memref<1x128xi32, #tpu.memory_space<vmem>>
        %dma_start3A_164 = tpu.memref_squeeze %dma_start3A_163 : memref<1x128xi32, #tpu.memory_space<vmem>> -> memref<128xi32, #tpu.memory_space<vmem>>
        %dma_start3A_165 = arith.constant 0 : i32
        %dma_start3A_166 = arith.constant 0 : i32
        %dma_start3A_167 = tpu.memref_slice %arg10[%dma_start3A_165, %dma_start3A_166] : memref<50048x32xf32, #tpu.memory_space<vmem_shared>> -> memref<50048x32xf32, #tpu.memory_space<vmem_shared>>
        tpu.enqueue_indirect_dma source(%dma_start3A_161 : memref<128x32xf32, #tpu.memory_space<vmem>>) target(%dma_start3A_167 : memref<50048x32xf32, #tpu.memory_space<vmem_shared>>) offsets(%dma_start3A_164 : memref<128xi32, #tpu.memory_space<vmem>>) semaphore(%arg13 : memref<!tpu.dma_semaphore, #tpu.memory_space<semaphore_mem>>) {add = true}
        %dma_wait3A_168 = arith.constant 0 : i32
        %dma_wait3A_169 = arith.constant 0 : i32
        %dma_wait3A_170 = arith.constant 0 : i32
        %dma_wait3A_171 = tpu.memref_slice %arg9[%dma_wait3A_168, %dma_wait3A_169, %dma_wait3A_170] : memref<2x128x32xf32, #tpu.memory_space<vmem>> -> memref<1x128x32xf32, #tpu.memory_space<vmem>>
        %dma_wait3A_172 = tpu.memref_squeeze %dma_wait3A_171 : memref<1x128x32xf32, #tpu.memory_space<vmem>> -> memref<128x32xf32, #tpu.memory_space<vmem>>
        %dma_wait3A_173 = arith.constant 0 : i32
        %dma_wait3A_174 = tpu.memref_slice %arg8[%add3A_141, %dma_wait3A_173] : memref<56x128xi32, #tpu.memory_space<vmem>> -> memref<1x128xi32, #tpu.memory_space<vmem>>
        %dma_wait3A_175 = tpu.memref_squeeze %dma_wait3A_174 : memref<1x128xi32, #tpu.memory_space<vmem>> -> memref<128xi32, #tpu.memory_space<vmem>>
        %dma_wait3A_176 = arith.constant 0 : i32
        %dma_wait3A_177 = arith.constant 0 : i32
        %dma_wait3A_178 = tpu.memref_slice %arg10[%dma_wait3A_176, %dma_wait3A_177] : memref<50048x32xf32, #tpu.memory_space<vmem_shared>> -> memref<50048x32xf32, #tpu.memory_space<vmem_shared>>
        tpu.wait_indirect_dma semaphore(%arg13 : memref<!tpu.dma_semaphore, #tpu.memory_space<semaphore_mem>>) src(%dma_wait3A_172 : memref<128x32xf32, #tpu.memory_space<vmem>>) dst(%dma_wait3A_178 : memref<50048x32xf32, #tpu.memory_space<vmem_shared>>)
        %add3A_179 = arith.constant 2 : i32
        %add3A_180 = arith.addi %add3A_141, %add3A_179 : i32
        %dma_start3A_181 = arith.constant 0 : i32
        %dma_start3A_182 = arith.constant 0 : i32
        %dma_start3A_183 = arith.constant 0 : i32
        %dma_start3A_184 = tpu.memref_slice %arg9[%dma_start3A_181, %dma_start3A_182, %dma_start3A_183] : memref<2x128x32xf32, #tpu.memory_space<vmem>> -> memref<1x128x32xf32, #tpu.memory_space<vmem>>
        %dma_start3A_185 = tpu.memref_squeeze %dma_start3A_184 : memref<1x128x32xf32, #tpu.memory_space<vmem>> -> memref<128x32xf32, #tpu.memory_space<vmem>>
        %dma_start3A_186 = arith.constant 0 : i32
        %dma_start3A_187 = tpu.memref_slice %arg7[%add3A_180, %dma_start3A_186] : memref<56x128xi32, #tpu.memory_space<vmem>> -> memref<1x128xi32, #tpu.memory_space<vmem>>
        %dma_start3A_188 = tpu.memref_squeeze %dma_start3A_187 : memref<1x128xi32, #tpu.memory_space<vmem>> -> memref<128xi32, #tpu.memory_space<vmem>>
        %dma_start3A_189 = arith.constant 0 : i32
        %dma_start3A_190 = arith.constant 0 : i32
        %dma_start3A_191 = tpu.memref_slice %arg2[%arg0, %dma_start3A_189, %dma_start3A_190] : memref<2x50048x32xf32, #tpu.memory_space<hbm>> -> memref<1x50048x32xf32, #tpu.memory_space<hbm>>
        %dma_start3A_192 = tpu.memref_squeeze %dma_start3A_191 : memref<1x50048x32xf32, #tpu.memory_space<hbm>> -> memref<50048x32xf32, #tpu.memory_space<hbm>>
        %dma_start3A_193 = arith.constant 0 : i32
        %dma_start3A_194 = arith.constant 0 : i32
        %dma_start3A_195 = tpu.memref_slice %dma_start3A_192[%dma_start3A_193, %dma_start3A_194] : memref<50048x32xf32, #tpu.memory_space<hbm>> -> memref<50048x32xf32, #tpu.memory_space<hbm>>
        tpu.enqueue_indirect_dma source(%dma_start3A_195 : memref<50048x32xf32, #tpu.memory_space<hbm>>) target(%dma_start3A_185 : memref<128x32xf32, #tpu.memory_space<vmem>>) offsets(%dma_start3A_188 : memref<128xi32, #tpu.memory_space<vmem>>) semaphore(%arg11 : memref<!tpu.dma_semaphore, #tpu.memory_space<semaphore_mem>>)
        %mul3A_196 = arith.constant 2 : i32
        %mul3A_197 = arith.muli %mul3A_196, %scan3A_137 : i32
        %add3A_198 = arith.constant 1 : i32
        %add3A_199 = arith.addi %mul3A_197, %add3A_198 : i32
        %dma_wait3A_200 = arith.constant 1 : i32
        %dma_wait3A_201 = arith.constant 0 : i32
        %dma_wait3A_202 = arith.constant 0 : i32
        %dma_wait3A_203 = tpu.memref_slice %arg9[%dma_wait3A_200, %dma_wait3A_201, %dma_wait3A_202] : memref<2x128x32xf32, #tpu.memory_space<vmem>> -> memref<1x128x32xf32, #tpu.memory_space<vmem>>
        %dma_wait3A_204 = tpu.memref_squeeze %dma_wait3A_203 : memref<1x128x32xf32, #tpu.memory_space<vmem>> -> memref<128x32xf32, #tpu.memory_space<vmem>>
        %dma_wait3A_205 = arith.constant 0 : i32
        %dma_wait3A_206 = tpu.memref_slice %arg7[%add3A_199, %dma_wait3A_205] : memref<56x128xi32, #tpu.memory_space<vmem>> -> memref<1x128xi32, #tpu.memory_space<vmem>>
        %dma_wait3A_207 = tpu.memref_squeeze %dma_wait3A_206 : memref<1x128xi32, #tpu.memory_space<vmem>> -> memref<128xi32, #tpu.memory_space<vmem>>
        %dma_wait3A_208 = arith.constant 0 : i32
        %dma_wait3A_209 = arith.constant 0 : i32
        %dma_wait3A_210 = tpu.memref_slice %arg2[%arg0, %dma_wait3A_208, %dma_wait3A_209] : memref<2x50048x32xf32, #tpu.memory_space<hbm>> -> memref<1x50048x32xf32, #tpu.memory_space<hbm>>
        %dma_wait3A_211 = tpu.memref_squeeze %dma_wait3A_210 : memref<1x50048x32xf32, #tpu.memory_space<hbm>> -> memref<50048x32xf32, #tpu.memory_space<hbm>>
        %dma_wait3A_212 = arith.constant 0 : i32
        %dma_wait3A_213 = arith.constant 0 : i32
        %dma_wait3A_214 = tpu.memref_slice %dma_wait3A_211[%dma_wait3A_212, %dma_wait3A_213] : memref<50048x32xf32, #tpu.memory_space<hbm>> -> memref<50048x32xf32, #tpu.memory_space<hbm>>
        tpu.wait_indirect_dma semaphore(%arg12 : memref<!tpu.dma_semaphore, #tpu.memory_space<semaphore_mem>>) src(%dma_wait3A_214 : memref<50048x32xf32, #tpu.memory_space<hbm>>) dst(%dma_wait3A_204 : memref<128x32xf32, #tpu.memory_space<vmem>>)
        %dma_start3A_215 = arith.constant 1 : i32
        %dma_start3A_216 = arith.constant 0 : i32
        %dma_start3A_217 = arith.constant 0 : i32
        %dma_start3A_218 = tpu.memref_slice %arg9[%dma_start3A_215, %dma_start3A_216, %dma_start3A_217] : memref<2x128x32xf32, #tpu.memory_space<vmem>> -> memref<1x128x32xf32, #tpu.memory_space<vmem>>
        %dma_start3A_219 = tpu.memref_squeeze %dma_start3A_218 : memref<1x128x32xf32, #tpu.memory_space<vmem>> -> memref<128x32xf32, #tpu.memory_space<vmem>>
        %dma_start3A_220 = arith.constant 0 : i32
        %dma_start3A_221 = tpu.memref_slice %arg8[%add3A_199, %dma_start3A_220] : memref<56x128xi32, #tpu.memory_space<vmem>> -> memref<1x128xi32, #tpu.memory_space<vmem>>
        %dma_start3A_222 = tpu.memref_squeeze %dma_start3A_221 : memref<1x128xi32, #tpu.memory_space<vmem>> -> memref<128xi32, #tpu.memory_space<vmem>>
        %dma_start3A_223 = arith.constant 0 : i32
        %dma_start3A_224 = arith.constant 0 : i32
        %dma_start3A_225 = tpu.memref_slice %arg10[%dma_start3A_223, %dma_start3A_224] : memref<50048x32xf32, #tpu.memory_space<vmem_shared>> -> memref<50048x32xf32, #tpu.memory_space<vmem_shared>>
        tpu.enqueue_indirect_dma source(%dma_start3A_219 : memref<128x32xf32, #tpu.memory_space<vmem>>) target(%dma_start3A_225 : memref<50048x32xf32, #tpu.memory_space<vmem_shared>>) offsets(%dma_start3A_222 : memref<128xi32, #tpu.memory_space<vmem>>) semaphore(%arg14 : memref<!tpu.dma_semaphore, #tpu.memory_space<semaphore_mem>>) {add = true}
        %dma_wait3A_226 = arith.constant 1 : i32
        %dma_wait3A_227 = arith.constant 0 : i32
        %dma_wait3A_228 = arith.constant 0 : i32
        %dma_wait3A_229 = tpu.memref_slice %arg9[%dma_wait3A_226, %dma_wait3A_227, %dma_wait3A_228] : memref<2x128x32xf32, #tpu.memory_space<vmem>> -> memref<1x128x32xf32, #tpu.memory_space<vmem>>
        %dma_wait3A_230 = tpu.memref_squeeze %dma_wait3A_229 : memref<1x128x32xf32, #tpu.memory_space<vmem>> -> memref<128x32xf32, #tpu.memory_space<vmem>>
        %dma_wait3A_231 = arith.constant 0 : i32
        %dma_wait3A_232 = tpu.memref_slice %arg8[%add3A_199, %dma_wait3A_231] : memref<56x128xi32, #tpu.memory_space<vmem>> -> memref<1x128xi32, #tpu.memory_space<vmem>>
        %dma_wait3A_233 = tpu.memref_squeeze %dma_wait3A_232 : memref<1x128xi32, #tpu.memory_space<vmem>> -> memref<128xi32, #tpu.memory_space<vmem>>
        %dma_wait3A_234 = arith.constant 0 : i32
        %dma_wait3A_235 = arith.constant 0 : i32
        %dma_wait3A_236 = tpu.memref_slice %arg10[%dma_wait3A_234, %dma_wait3A_235] : memref<50048x32xf32, #tpu.memory_space<vmem_shared>> -> memref<50048x32xf32, #tpu.memory_space<vmem_shared>>
        tpu.wait_indirect_dma semaphore(%arg14 : memref<!tpu.dma_semaphore, #tpu.memory_space<semaphore_mem>>) src(%dma_wait3A_230 : memref<128x32xf32, #tpu.memory_space<vmem>>) dst(%dma_wait3A_236 : memref<50048x32xf32, #tpu.memory_space<vmem_shared>>)
        %add3A_237 = arith.constant 2 : i32
        %add3A_238 = arith.addi %add3A_199, %add3A_237 : i32
        %dma_start3A_239 = arith.constant 1 : i32
        %dma_start3A_240 = arith.constant 0 : i32
        %dma_start3A_241 = arith.constant 0 : i32
        %dma_start3A_242 = tpu.memref_slice %arg9[%dma_start3A_239, %dma_start3A_240, %dma_start3A_241] : memref<2x128x32xf32, #tpu.memory_space<vmem>> -> memref<1x128x32xf32, #tpu.memory_space<vmem>>
        %dma_start3A_243 = tpu.memref_squeeze %dma_start3A_242 : memref<1x128x32xf32, #tpu.memory_space<vmem>> -> memref<128x32xf32, #tpu.memory_space<vmem>>
        %dma_start3A_244 = arith.constant 0 : i32
        %dma_start3A_245 = tpu.memref_slice %arg7[%add3A_238, %dma_start3A_244] : memref<56x128xi32, #tpu.memory_space<vmem>> -> memref<1x128xi32, #tpu.memory_space<vmem>>
        %dma_start3A_246 = tpu.memref_squeeze %dma_start3A_245 : memref<1x128xi32, #tpu.memory_space<vmem>> -> memref<128xi32, #tpu.memory_space<vmem>>
        %dma_start3A_247 = arith.constant 0 : i32
        %dma_start3A_248 = arith.constant 0 : i32
        %dma_start3A_249 = tpu.memref_slice %arg2[%arg0, %dma_start3A_247, %dma_start3A_248] : memref<2x50048x32xf32, #tpu.memory_space<hbm>> -> memref<1x50048x32xf32, #tpu.memory_space<hbm>>
        %dma_start3A_250 = tpu.memref_squeeze %dma_start3A_249 : memref<1x50048x32xf32, #tpu.memory_space<hbm>> -> memref<50048x32xf32, #tpu.memory_space<hbm>>
        %dma_start3A_251 = arith.constant 0 : i32
        %dma_start3A_252 = arith.constant 0 : i32
        %dma_start3A_253 = tpu.memref_slice %dma_start3A_250[%dma_start3A_251, %dma_start3A_252] : memref<50048x32xf32, #tpu.memory_space<hbm>> -> memref<50048x32xf32, #tpu.memory_space<hbm>>
        tpu.enqueue_indirect_dma source(%dma_start3A_253 : memref<50048x32xf32, #tpu.memory_space<hbm>>) target(%dma_start3A_243 : memref<128x32xf32, #tpu.memory_space<vmem>>) offsets(%dma_start3A_246 : memref<128xi32, #tpu.memory_space<vmem>>) semaphore(%arg12 : memref<!tpu.dma_semaphore, #tpu.memory_space<semaphore_mem>>)
      }
      %scan3A_57 = arith.constant 27 : i32
      %dma_wait3A = arith.constant 54 : i32
      %dma_wait3A_58 = arith.constant 0 : i32
      %dma_wait3A_59 = arith.constant 0 : i32
      %dma_wait3A_60 = arith.constant 0 : i32
      %dma_wait3A_61 = tpu.memref_slice %arg9[%dma_wait3A_58, %dma_wait3A_59, %dma_wait3A_60] : memref<2x128x32xf32, #tpu.memory_space<vmem>> -> memref<1x128x32xf32, #tpu.memory_space<vmem>>
      %dma_wait3A_62 = tpu.memref_squeeze %dma_wait3A_61 : memref<1x128x32xf32, #tpu.memory_space<vmem>> -> memref<128x32xf32, #tpu.memory_space<vmem>>
      %dma_wait3A_63 = arith.constant 0 : i32
      %dma_wait3A_64 = tpu.memref_slice %arg7[%dma_wait3A, %dma_wait3A_63] : memref<56x128xi32, #tpu.memory_space<vmem>> -> memref<1x128xi32, #tpu.memory_space<vmem>>
      %dma_wait3A_65 = tpu.memref_squeeze %dma_wait3A_64 : memref<1x128xi32, #tpu.memory_space<vmem>> -> memref<128xi32, #tpu.memory_space<vmem>>
      %dma_wait3A_66 = arith.constant 0 : i32
      %dma_wait3A_67 = arith.constant 0 : i32
      %dma_wait3A_68 = tpu.memref_slice %arg2[%arg0, %dma_wait3A_66, %dma_wait3A_67] : memref<2x50048x32xf32, #tpu.memory_space<hbm>> -> memref<1x50048x32xf32, #tpu.memory_space<hbm>>
      %dma_wait3A_69 = tpu.memref_squeeze %dma_wait3A_68 : memref<1x50048x32xf32, #tpu.memory_space<hbm>> -> memref<50048x32xf32, #tpu.memory_space<hbm>>
      %dma_wait3A_70 = arith.constant 0 : i32
      %dma_wait3A_71 = arith.constant 0 : i32
      %dma_wait3A_72 = tpu.memref_slice %dma_wait3A_69[%dma_wait3A_70, %dma_wait3A_71] : memref<50048x32xf32, #tpu.memory_space<hbm>> -> memref<50048x32xf32, #tpu.memory_space<hbm>>
      tpu.wait_indirect_dma semaphore(%arg11 : memref<!tpu.dma_semaphore, #tpu.memory_space<semaphore_mem>>) src(%dma_wait3A_72 : memref<50048x32xf32, #tpu.memory_space<hbm>>) dst(%dma_wait3A_62 : memref<128x32xf32, #tpu.memory_space<vmem>>)
      %dma_start3A_73 = arith.constant 0 : i32
      %dma_start3A_74 = arith.constant 54 : i32
      %dma_start3A_75 = arith.constant 0 : i32
      %dma_start3A_76 = arith.constant 0 : i32
      %dma_start3A_77 = tpu.memref_slice %arg9[%dma_start3A_73, %dma_start3A_75, %dma_start3A_76] : memref<2x128x32xf32, #tpu.memory_space<vmem>> -> memref<1x128x32xf32, #tpu.memory_space<vmem>>
      %dma_start3A_78 = tpu.memref_squeeze %dma_start3A_77 : memref<1x128x32xf32, #tpu.memory_space<vmem>> -> memref<128x32xf32, #tpu.memory_space<vmem>>
      %dma_start3A_79 = arith.constant 0 : i32
      %dma_start3A_80 = tpu.memref_slice %arg8[%dma_start3A_74, %dma_start3A_79] : memref<56x128xi32, #tpu.memory_space<vmem>> -> memref<1x128xi32, #tpu.memory_space<vmem>>
      %dma_start3A_81 = tpu.memref_squeeze %dma_start3A_80 : memref<1x128xi32, #tpu.memory_space<vmem>> -> memref<128xi32, #tpu.memory_space<vmem>>
      %dma_start3A_82 = arith.constant 0 : i32
      %dma_start3A_83 = arith.constant 0 : i32
      %dma_start3A_84 = tpu.memref_slice %arg10[%dma_start3A_82, %dma_start3A_83] : memref<50048x32xf32, #tpu.memory_space<vmem_shared>> -> memref<50048x32xf32, #tpu.memory_space<vmem_shared>>
      tpu.enqueue_indirect_dma source(%dma_start3A_78 : memref<128x32xf32, #tpu.memory_space<vmem>>) target(%dma_start3A_84 : memref<50048x32xf32, #tpu.memory_space<vmem_shared>>) offsets(%dma_start3A_81 : memref<128xi32, #tpu.memory_space<vmem>>) semaphore(%arg13 : memref<!tpu.dma_semaphore, #tpu.memory_space<semaphore_mem>>) {add = true}
      %dma_wait3A_85 = arith.constant 0 : i32
      %dma_wait3A_86 = arith.constant 54 : i32
      %dma_wait3A_87 = arith.constant 0 : i32
      %dma_wait3A_88 = arith.constant 0 : i32
      %dma_wait3A_89 = tpu.memref_slice %arg9[%dma_wait3A_85, %dma_wait3A_87, %dma_wait3A_88] : memref<2x128x32xf32, #tpu.memory_space<vmem>> -> memref<1x128x32xf32, #tpu.memory_space<vmem>>
      %dma_wait3A_90 = tpu.memref_squeeze %dma_wait3A_89 : memref<1x128x32xf32, #tpu.memory_space<vmem>> -> memref<128x32xf32, #tpu.memory_space<vmem>>
      %dma_wait3A_91 = arith.constant 0 : i32
      %dma_wait3A_92 = tpu.memref_slice %arg8[%dma_wait3A_86, %dma_wait3A_91] : memref<56x128xi32, #tpu.memory_space<vmem>> -> memref<1x128xi32, #tpu.memory_space<vmem>>
      %dma_wait3A_93 = tpu.memref_squeeze %dma_wait3A_92 : memref<1x128xi32, #tpu.memory_space<vmem>> -> memref<128xi32, #tpu.memory_space<vmem>>
      %dma_wait3A_94 = arith.constant 0 : i32
      %dma_wait3A_95 = arith.constant 0 : i32
      %dma_wait3A_96 = tpu.memref_slice %arg10[%dma_wait3A_94, %dma_wait3A_95] : memref<50048x32xf32, #tpu.memory_space<vmem_shared>> -> memref<50048x32xf32, #tpu.memory_space<vmem_shared>>
      tpu.wait_indirect_dma semaphore(%arg13 : memref<!tpu.dma_semaphore, #tpu.memory_space<semaphore_mem>>) src(%dma_wait3A_90 : memref<128x32xf32, #tpu.memory_space<vmem>>) dst(%dma_wait3A_96 : memref<50048x32xf32, #tpu.memory_space<vmem_shared>>)
      %dma_wait3A_97 = arith.constant 55 : i32
      %dma_wait3A_98 = arith.constant 1 : i32
      %dma_wait3A_99 = arith.constant 0 : i32
      %dma_wait3A_100 = arith.constant 0 : i32
      %dma_wait3A_101 = tpu.memref_slice %arg9[%dma_wait3A_98, %dma_wait3A_99, %dma_wait3A_100] : memref<2x128x32xf32, #tpu.memory_space<vmem>> -> memref<1x128x32xf32, #tpu.memory_space<vmem>>
      %dma_wait3A_102 = tpu.memref_squeeze %dma_wait3A_101 : memref<1x128x32xf32, #tpu.memory_space<vmem>> -> memref<128x32xf32, #tpu.memory_space<vmem>>
      %dma_wait3A_103 = arith.constant 0 : i32
      %dma_wait3A_104 = tpu.memref_slice %arg7[%dma_wait3A_97, %dma_wait3A_103] : memref<56x128xi32, #tpu.memory_space<vmem>> -> memref<1x128xi32, #tpu.memory_space<vmem>>
      %dma_wait3A_105 = tpu.memref_squeeze %dma_wait3A_104 : memref<1x128xi32, #tpu.memory_space<vmem>> -> memref<128xi32, #tpu.memory_space<vmem>>
      %dma_wait3A_106 = arith.constant 0 : i32
      %dma_wait3A_107 = arith.constant 0 : i32
      %dma_wait3A_108 = tpu.memref_slice %arg2[%arg0, %dma_wait3A_106, %dma_wait3A_107] : memref<2x50048x32xf32, #tpu.memory_space<hbm>> -> memref<1x50048x32xf32, #tpu.memory_space<hbm>>
      %dma_wait3A_109 = tpu.memref_squeeze %dma_wait3A_108 : memref<1x50048x32xf32, #tpu.memory_space<hbm>> -> memref<50048x32xf32, #tpu.memory_space<hbm>>
      %dma_wait3A_110 = arith.constant 0 : i32
      %dma_wait3A_111 = arith.constant 0 : i32
      %dma_wait3A_112 = tpu.memref_slice %dma_wait3A_109[%dma_wait3A_110, %dma_wait3A_111] : memref<50048x32xf32, #tpu.memory_space<hbm>> -> memref<50048x32xf32, #tpu.memory_space<hbm>>
      tpu.wait_indirect_dma semaphore(%arg12 : memref<!tpu.dma_semaphore, #tpu.memory_space<semaphore_mem>>) src(%dma_wait3A_112 : memref<50048x32xf32, #tpu.memory_space<hbm>>) dst(%dma_wait3A_102 : memref<128x32xf32, #tpu.memory_space<vmem>>)
      %dma_start3A_113 = arith.constant 1 : i32
      %dma_start3A_114 = arith.constant 55 : i32
      %dma_start3A_115 = arith.constant 0 : i32
      %dma_start3A_116 = arith.constant 0 : i32
      %dma_start3A_117 = tpu.memref_slice %arg9[%dma_start3A_113, %dma_start3A_115, %dma_start3A_116] : memref<2x128x32xf32, #tpu.memory_space<vmem>> -> memref<1x128x32xf32, #tpu.memory_space<vmem>>
      %dma_start3A_118 = tpu.memref_squeeze %dma_start3A_117 : memref<1x128x32xf32, #tpu.memory_space<vmem>> -> memref<128x32xf32, #tpu.memory_space<vmem>>
      %dma_start3A_119 = arith.constant 0 : i32
      %dma_start3A_120 = tpu.memref_slice %arg8[%dma_start3A_114, %dma_start3A_119] : memref<56x128xi32, #tpu.memory_space<vmem>> -> memref<1x128xi32, #tpu.memory_space<vmem>>
      %dma_start3A_121 = tpu.memref_squeeze %dma_start3A_120 : memref<1x128xi32, #tpu.memory_space<vmem>> -> memref<128xi32, #tpu.memory_space<vmem>>
      %dma_start3A_122 = arith.constant 0 : i32
      %dma_start3A_123 = arith.constant 0 : i32
      %dma_start3A_124 = tpu.memref_slice %arg10[%dma_start3A_122, %dma_start3A_123] : memref<50048x32xf32, #tpu.memory_space<vmem_shared>> -> memref<50048x32xf32, #tpu.memory_space<vmem_shared>>
      tpu.enqueue_indirect_dma source(%dma_start3A_118 : memref<128x32xf32, #tpu.memory_space<vmem>>) target(%dma_start3A_124 : memref<50048x32xf32, #tpu.memory_space<vmem_shared>>) offsets(%dma_start3A_121 : memref<128xi32, #tpu.memory_space<vmem>>) semaphore(%arg14 : memref<!tpu.dma_semaphore, #tpu.memory_space<semaphore_mem>>) {add = true}
      %dma_wait3A_125 = arith.constant 1 : i32
      %dma_wait3A_126 = arith.constant 55 : i32
      %dma_wait3A_127 = arith.constant 0 : i32
      %dma_wait3A_128 = arith.constant 0 : i32
      %dma_wait3A_129 = tpu.memref_slice %arg9[%dma_wait3A_125, %dma_wait3A_127, %dma_wait3A_128] : memref<2x128x32xf32, #tpu.memory_space<vmem>> -> memref<1x128x32xf32, #tpu.memory_space<vmem>>
      %dma_wait3A_130 = tpu.memref_squeeze %dma_wait3A_129 : memref<1x128x32xf32, #tpu.memory_space<vmem>> -> memref<128x32xf32, #tpu.memory_space<vmem>>
      %dma_wait3A_131 = arith.constant 0 : i32
      %dma_wait3A_132 = tpu.memref_slice %arg8[%dma_wait3A_126, %dma_wait3A_131] : memref<56x128xi32, #tpu.memory_space<vmem>> -> memref<1x128xi32, #tpu.memory_space<vmem>>
      %dma_wait3A_133 = tpu.memref_squeeze %dma_wait3A_132 : memref<1x128xi32, #tpu.memory_space<vmem>> -> memref<128xi32, #tpu.memory_space<vmem>>
      %dma_wait3A_134 = arith.constant 0 : i32
      %dma_wait3A_135 = arith.constant 0 : i32
      %dma_wait3A_136 = tpu.memref_slice %arg10[%dma_wait3A_134, %dma_wait3A_135] : memref<50048x32xf32, #tpu.memory_space<vmem_shared>> -> memref<50048x32xf32, #tpu.memory_space<vmem_shared>>
      tpu.wait_indirect_dma semaphore(%arg14 : memref<!tpu.dma_semaphore, #tpu.memory_space<semaphore_mem>>) src(%dma_wait3A_130 : memref<128x32xf32, #tpu.memory_space<vmem>>) dst(%dma_wait3A_136 : memref<50048x32xf32, #tpu.memory_space<vmem_shared>>)
    }
    %scan3A_7 = arith.constant 7 : i32
    %barrier3A_8 = arith.constant 0 : index
    tpu.barrier barrier_id(%barrier3A_8)
    %mul3A_9 = arith.constant 3128 : i32
    %mul3A_10 = arith.muli %arg1, %mul3A_9 : i32
    %mul3A_11 = arith.constant 3128 : i32
    %mul3A_12 = arith.muli %arg1, %mul3A_11 : i32
    "tpu.region"() ({
      %run_scoped3A = tpu.sem_alloc : memref<!tpu.dma_semaphore, #tpu.memory_space<semaphore_mem>>
      %dma_start3A = arith.constant 0 : i32
      %dma_start3A_13 = arith.constant 0 : i32
      %dma_start3A_14 = tpu.memref_slice %arg6[%arg0, %dma_start3A, %dma_start3A_13] : memref<2x50048x32xf32, #tpu.memory_space<hbm>> -> memref<1x50048x32xf32, #tpu.memory_space<hbm>>
      %dma_start3A_15 = tpu.memref_squeeze %dma_start3A_14 : memref<1x50048x32xf32, #tpu.memory_space<hbm>> -> memref<50048x32xf32, #tpu.memory_space<hbm>>
      %dma_start3A_16 = arith.constant 0 : i32
      %dma_start3A_17 = tpu.memref_slice %dma_start3A_15[%mul3A_12, %dma_start3A_16] : memref<50048x32xf32, #tpu.memory_space<hbm>> -> memref<3128x32xf32, #tpu.memory_space<hbm>>
      %dma_start3A_18 = arith.constant 0 : i32
      %dma_start3A_19 = tpu.memref_slice %arg10[%mul3A_10, %dma_start3A_18] : memref<50048x32xf32, #tpu.memory_space<vmem_shared>> -> memref<3128x32xf32, #tpu.memory_space<vmem_shared>>
      tpu.enqueue_dma source(%dma_start3A_19 : memref<3128x32xf32, #tpu.memory_space<vmem_shared>>) target(%dma_start3A_17 : memref<3128x32xf32, #tpu.memory_space<hbm>>) target_semaphore(%run_scoped3A : memref<!tpu.dma_semaphore, #tpu.memory_space<semaphore_mem>>)
      %dma_wait3A = arith.constant 0 : i32
      %dma_wait3A_20 = arith.constant 0 : i32
      %dma_wait3A_21 = tpu.memref_slice %arg6[%arg0, %dma_wait3A, %dma_wait3A_20] : memref<2x50048x32xf32, #tpu.memory_space<hbm>> -> memref<1x50048x32xf32, #tpu.memory_space<hbm>>
      %dma_wait3A_22 = tpu.memref_squeeze %dma_wait3A_21 : memref<1x50048x32xf32, #tpu.memory_space<hbm>> -> memref<50048x32xf32, #tpu.memory_space<hbm>>
      %dma_wait3A_23 = arith.constant 0 : i32
      %dma_wait3A_24 = tpu.memref_slice %dma_wait3A_22[%mul3A_12, %dma_wait3A_23] : memref<50048x32xf32, #tpu.memory_space<hbm>> -> memref<3128x32xf32, #tpu.memory_space<hbm>>
      %dma_wait3A_25 = arith.constant 0 : i32
      %dma_wait3A_26 = tpu.memref_slice %arg10[%mul3A_10, %dma_wait3A_25] : memref<50048x32xf32, #tpu.memory_space<vmem_shared>> -> memref<3128x32xf32, #tpu.memory_space<vmem_shared>>
      tpu.wait_dma2 semaphore(%run_scoped3A : memref<!tpu.dma_semaphore, #tpu.memory_space<semaphore_mem>>) src(%dma_wait3A_26 : memref<3128x32xf32, #tpu.memory_space<vmem_shared>>) dst(%dma_wait3A_24 : memref<3128x32xf32, #tpu.memory_space<hbm>>)
      tpu.yield
    }) : () -> ()
    return
  }
}

module attributes {stable_mosaic.version = 14 : i64} {
  func.func @body(%arg0: i32, %arg1: memref<32x1024xf32, #tpu.memory_space<vmem>>, %arg2: memref<256x12xf32, #tpu.memory_space<vmem>>, %arg3: memref<2x12x128xf32, #tpu.memory_space<vmem>>, %arg4: memref<256x1024xf32, #tpu.memory_space<vmem>>, %arg5: memref<1024x128xf32, #tpu.memory_space<vmem>>, %arg6: memref<256x128xf32, #tpu.memory_space<vmem>>, %arg7: memref<2x256x128xf32, #tpu.memory_space<vmem>>) attributes {dimension_semantics = [#tpu.dimension_semantics<arbitrary>], iteration_bounds = array<i64: 49>, scalar_prefetch = 0 : i64, scratch_operands = 0 : i64, tpu.core_type = #tpu.core_type<tc>, window_params = [{transform_indices = @transform_0, window_bounds = array<i64: 32, 1024>}, {transform_indices = @transform_1, window_bounds = array<i64: 256, 12>}, {pipeline_mode = #tpu.pipeline_mode<synchronous>, transform_indices = @transform_2, window_bounds = array<i64: 2, 12, 128>}, {pipeline_mode = #tpu.pipeline_mode<synchronous>, transform_indices = @transform_3, window_bounds = array<i64: 256, 1024>}, {pipeline_mode = #tpu.pipeline_mode<synchronous>, transform_indices = @transform_4, window_bounds = array<i64: 1024, 128>}, {transform_indices = @transform_5, window_bounds = array<i64: 256, 128>}, {transform_indices = @transform_6, window_bounds = array<i64: 2, 256, 128>}]} {
    %get3A = arith.constant 0 : index
    %get3A_0 = arith.constant 0 : index
    %get3A_1 = vector.load %arg1[%get3A, %get3A_0] : memref<32x1024xf32, #tpu.memory_space<vmem>>, vector<32x1024xf32>
    %reduce_sum3A = arith.constant dense<0.000000e+00> : vector<1024xf32>
    %reduce_sum3A_2 = vector.multi_reduction <add>, %get3A_1, %reduce_sum3A [0] : vector<32x1024xf32> to vector<1024xf32>
    %add3A = arith.constant 1.000000e+00 : f32
    %add3A_3 = vector.broadcast %add3A : f32 to vector<1024xf32>
    %add3A_4 = arith.addf %reduce_sum3A_2, %add3A_3 : vector<1024xf32>
    %rsqrt3A = math.rsqrt %add3A_4 : vector<1024xf32>
    %get3A_5 = arith.constant 0 : index
    %get3A_6 = arith.constant 0 : index
    %get3A_7 = vector.load %arg4[%get3A_5, %get3A_6] : memref<256x1024xf32, #tpu.memory_space<vmem>>, vector<256x1024xf32>
    %broadcast_in_dim3A = vector.shape_cast %rsqrt3A : vector<1024xf32> to vector<1x1024xf32>
    %mul3A = vector.broadcast %broadcast_in_dim3A : vector<1x1024xf32> to vector<256x1024xf32>
    %mul3A_8 = arith.mulf %get3A_7, %mul3A : vector<256x1024xf32>
    %get3A_9 = arith.constant 0 : index
    %get3A_10 = arith.constant 0 : index
    %get3A_11 = vector.load %arg5[%get3A_9, %get3A_10] : memref<1024x128xf32, #tpu.memory_space<vmem>>, vector<1024x128xf32>
    %dot_general3A = arith.constant dense<0.000000e+00> : vector<256x128xf32>
    %dot_general3A_12 = tpu.matmul %mul3A_8, %get3A_11, %dot_general3A {dimension_numbers = #tpu.dot_dimension_numbers<[1], [0], [0], [1], [0, 0, 1, 1], [], []>, transpose_lhs_hint = false} : vector<256x1024xf32>, vector<1024x128xf32>, vector<256x128xf32> -> vector<256x128xf32>
    %swap3A = arith.constant 0 : index
    %swap3A_13 = arith.constant 0 : index
    %swap3A_14 = vector.load %arg6[%swap3A, %swap3A_13] : memref<256x128xf32, #tpu.memory_space<vmem>>, vector<256x128xf32>
    tpu.vector_store %arg6[%swap3A, %swap3A_13], %dot_general3A_12 {strides = array<i32>} : memref<256x128xf32, #tpu.memory_space<vmem>>, vector<256x128xf32>,
    %get3A_15 = arith.constant 0 : index
    %get3A_16 = arith.constant 0 : index
    %get3A_17 = vector.load %arg2[%get3A_15, %get3A_16] : memref<256x12xf32, #tpu.memory_space<vmem>>, vector<256x12xf32>
    %get3A_18 = arith.constant 0 : index
    %get3A_19 = arith.constant 0 : index
    %get3A_20 = arith.constant 0 : index
    %get3A_21 = vector.load %arg3[%get3A_18, %get3A_19, %get3A_20] : memref<2x12x128xf32, #tpu.memory_space<vmem>>, vector<1x12x128xf32>
    %get3A_22 = vector.shape_cast %get3A_21 : vector<1x12x128xf32> to vector<12x128xf32>
    %dot_general3A_23 = arith.constant dense<0.000000e+00> : vector<256x128xf32>
    %dot_general3A_24 = tpu.matmul %get3A_17, %get3A_22, %dot_general3A_23 {dimension_numbers = #tpu.dot_dimension_numbers<[1], [0], [0], [1], [0, 0, 1, 1], [], []>, transpose_lhs_hint = false} : vector<256x12xf32>, vector<12x128xf32>, vector<256x128xf32> -> vector<256x128xf32>
    %mul3A_25 = arith.mulf %dot_general3A_12, %dot_general3A_24 : vector<256x128xf32>
    %swap3A_26 = arith.constant 0 : index
    %swap3A_27 = arith.constant 0 : index
    %swap3A_28 = arith.constant 0 : index
    %swap3A_29 = vector.load %arg7[%swap3A_26, %swap3A_27, %swap3A_28] : memref<2x256x128xf32, #tpu.memory_space<vmem>>, vector<1x256x128xf32>
    %swap3A_30 = vector.shape_cast %swap3A_29 : vector<1x256x128xf32> to vector<256x128xf32>
    %swap3A_31 = vector.shape_cast %mul3A_25 : vector<256x128xf32> to vector<1x256x128xf32>
    tpu.vector_store %arg7[%swap3A_26, %swap3A_27, %swap3A_28], %swap3A_31 {strides = array<i32>} : memref<2x256x128xf32, #tpu.memory_space<vmem>>, vector<1x256x128xf32>,
    %get3A_32 = arith.constant 1 : index
    %get3A_33 = arith.constant 0 : index
    %get3A_34 = arith.constant 0 : index
    %get3A_35 = vector.load %arg3[%get3A_32, %get3A_33, %get3A_34] : memref<2x12x128xf32, #tpu.memory_space<vmem>>, vector<1x12x128xf32>
    %get3A_36 = vector.shape_cast %get3A_35 : vector<1x12x128xf32> to vector<12x128xf32>
    %dot_general3A_37 = arith.constant dense<0.000000e+00> : vector<256x128xf32>
    %dot_general3A_38 = tpu.matmul %get3A_17, %get3A_36, %dot_general3A_37 {dimension_numbers = #tpu.dot_dimension_numbers<[1], [0], [0], [1], [0, 0, 1, 1], [], []>, transpose_lhs_hint = false} : vector<256x12xf32>, vector<12x128xf32>, vector<256x128xf32> -> vector<256x128xf32>
    %mul3A_39 = arith.mulf %dot_general3A_12, %dot_general3A_38 : vector<256x128xf32>
    %swap3A_40 = arith.constant 1 : index
    %swap3A_41 = arith.constant 0 : index
    %swap3A_42 = arith.constant 0 : index
    %swap3A_43 = vector.load %arg7[%swap3A_40, %swap3A_41, %swap3A_42] : memref<2x256x128xf32, #tpu.memory_space<vmem>>, vector<1x256x128xf32>
    %swap3A_44 = vector.shape_cast %swap3A_43 : vector<1x256x128xf32> to vector<256x128xf32>
    %swap3A_45 = vector.shape_cast %mul3A_39 : vector<256x128xf32> to vector<1x256x128xf32>
    tpu.vector_store %arg7[%swap3A_40, %swap3A_41, %swap3A_42], %swap3A_45 {strides = array<i32>} : memref<2x256x128xf32, #tpu.memory_space<vmem>>, vector<1x256x128xf32>,
    return
  }
  func.func @transform_0(%arg0: i32) -> (i32, i32) {
    %c0_i32 = arith.constant 0 : i32
    %c0_i32_0 = arith.constant 0 : i32
    return %c0_i32, %arg0 : i32, i32
  }
  func.func @transform_1(%arg0: i32) -> (i32, i32) {
    %c0_i32 = arith.constant 0 : i32
    %c0_i32_0 = arith.constant 0 : i32
    return %arg0, %c0_i32 : i32, i32
  }
  func.func @transform_2(%arg0: i32) -> (i32, i32, i32) {
    %c0_i32 = arith.constant 0 : i32
    %c0_i32_0 = arith.constant 0 : i32
    %c0_i32_1 = arith.constant 0 : i32
    %c0_i32_2 = arith.constant 0 : i32
    return %c0_i32, %c0_i32_0, %c0_i32_1 : i32, i32, i32
  }
  func.func @transform_3(%arg0: i32) -> (i32, i32) {
    %c0_i32 = arith.constant 0 : i32
    %c0_i32_0 = arith.constant 0 : i32
    %c0_i32_1 = arith.constant 0 : i32
    return %c0_i32, %c0_i32_0 : i32, i32
  }
  func.func @transform_4(%arg0: i32) -> (i32, i32) {
    %c0_i32 = arith.constant 0 : i32
    %c0_i32_0 = arith.constant 0 : i32
    %c0_i32_1 = arith.constant 0 : i32
    return %c0_i32, %c0_i32_0 : i32, i32
  }
  func.func @transform_5(%arg0: i32) -> (i32, i32) {
    %c0_i32 = arith.constant 0 : i32
    %c0_i32_0 = arith.constant 0 : i32
    return %arg0, %c0_i32 : i32, i32
  }
  func.func @transform_6(%arg0: i32) -> (i32, i32, i32) {
    %c0_i32 = arith.constant 0 : i32
    %c0_i32_0 = arith.constant 0 : i32
    %c0_i32_1 = arith.constant 0 : i32
    return %c0_i32, %arg0, %c0_i32_0 : i32, i32, i32
  }
}

module attributes {stable_mosaic.version = 14 : i64} {
  func.func @body(%arg0: i32, %arg1: memref<2x256x128xf32, #tpu.memory_space<vmem>>, %arg2: memref<2x256x128xf32, #tpu.memory_space<vmem>>, %arg3: memref<256x128xf32, #tpu.memory_space<vmem>>, %arg4: memref<2x1x128xf32, #tpu.memory_space<vmem>>, %arg5: memref<2x2x128x128xf32, #tpu.memory_space<vmem>>, %arg6: memref<2x256x128xf32, #tpu.memory_space<vmem>>) attributes {dimension_semantics = [#tpu.dimension_semantics<arbitrary>], iteration_bounds = array<i64: 49>, scalar_prefetch = 0 : i64, scratch_operands = 0 : i64, tpu.core_type = #tpu.core_type<tc>, window_params = [{transform_indices = @transform_0, window_bounds = array<i64: 2, 256, 128>}, {transform_indices = @transform_1, window_bounds = array<i64: 2, 256, 128>}, {transform_indices = @transform_2, window_bounds = array<i64: 256, 128>}, {pipeline_mode = #tpu.pipeline_mode<synchronous>, transform_indices = @transform_3, window_bounds = array<i64: 2, 1, 128>}, {pipeline_mode = #tpu.pipeline_mode<synchronous>, transform_indices = @transform_4, window_bounds = array<i64: 2, 2, 128, 128>}, {transform_indices = @transform_5, window_bounds = array<i64: 2, 256, 128>}]} {
    %get3A = arith.constant 0 : index
    %get3A_0 = arith.constant 0 : index
    %get3A_1 = vector.load %arg3[%get3A, %get3A_0] : memref<256x128xf32, #tpu.memory_space<vmem>>, vector<256x128xf32>
    %get3A_2 = arith.constant 0 : index
    %get3A_3 = arith.constant 0 : index
    %get3A_4 = arith.constant 0 : index
    %get3A_5 = vector.load %arg1[%get3A_2, %get3A_3, %get3A_4] : memref<2x256x128xf32, #tpu.memory_space<vmem>>, vector<1x256x128xf32>
    %get3A_6 = vector.shape_cast %get3A_5 : vector<1x256x128xf32> to vector<256x128xf32>
    %get3A_7 = arith.constant 0 : index
    %get3A_8 = arith.constant 0 : index
    %get3A_9 = arith.constant 0 : index
    %get3A_10 = vector.load %arg2[%get3A_7, %get3A_8, %get3A_9] : memref<2x256x128xf32, #tpu.memory_space<vmem>>, vector<1x256x128xf32>
    %get3A_11 = vector.shape_cast %get3A_10 : vector<1x256x128xf32> to vector<256x128xf32>
    %add3A = arith.addf %get3A_6, %get3A_11 : vector<256x128xf32>
    %mul3A = arith.mulf %get3A_1, %add3A : vector<256x128xf32>
    %get3A_12 = arith.constant 0 : index
    %get3A_13 = arith.constant 0 : index
    %get3A_14 = arith.constant 0 : index
    %get3A_15 = vector.load %arg4[%get3A_12, %get3A_13, %get3A_14] : memref<2x1x128xf32, #tpu.memory_space<vmem>>, vector<1x1x128xf32>
    %get3A_16 = vector.shape_cast %get3A_15 : vector<1x1x128xf32> to vector<1x128xf32>
    %add3A_17 = vector.broadcast %get3A_16 : vector<1x128xf32> to vector<256x128xf32>
    %add3A_18 = arith.addf %mul3A, %add3A_17 : vector<256x128xf32>
    %max3A = arith.constant 0.000000e+00 : f32
    %max3A_19 = vector.broadcast %max3A : f32 to vector<256x128xf32>
    %max3A_20 = arith.maximumf %add3A_18, %max3A_19 : vector<256x128xf32>
    %get3A_21 = arith.constant 1 : index
    %get3A_22 = arith.constant 0 : index
    %get3A_23 = arith.constant 0 : index
    %get3A_24 = vector.load %arg1[%get3A_21, %get3A_22, %get3A_23] : memref<2x256x128xf32, #tpu.memory_space<vmem>>, vector<1x256x128xf32>
    %get3A_25 = vector.shape_cast %get3A_24 : vector<1x256x128xf32> to vector<256x128xf32>
    %get3A_26 = arith.constant 1 : index
    %get3A_27 = arith.constant 0 : index
    %get3A_28 = arith.constant 0 : index
    %get3A_29 = vector.load %arg2[%get3A_26, %get3A_27, %get3A_28] : memref<2x256x128xf32, #tpu.memory_space<vmem>>, vector<1x256x128xf32>
    %get3A_30 = vector.shape_cast %get3A_29 : vector<1x256x128xf32> to vector<256x128xf32>
    %add3A_31 = arith.addf %get3A_25, %get3A_30 : vector<256x128xf32>
    %mul3A_32 = arith.mulf %get3A_1, %add3A_31 : vector<256x128xf32>
    %get3A_33 = arith.constant 1 : index
    %get3A_34 = arith.constant 0 : index
    %get3A_35 = arith.constant 0 : index
    %get3A_36 = vector.load %arg4[%get3A_33, %get3A_34, %get3A_35] : memref<2x1x128xf32, #tpu.memory_space<vmem>>, vector<1x1x128xf32>
    %get3A_37 = vector.shape_cast %get3A_36 : vector<1x1x128xf32> to vector<1x128xf32>
    %add3A_38 = vector.broadcast %get3A_37 : vector<1x128xf32> to vector<256x128xf32>
    %add3A_39 = arith.addf %mul3A_32, %add3A_38 : vector<256x128xf32>
    %max3A_40 = arith.constant 0.000000e+00 : f32
    %max3A_41 = vector.broadcast %max3A_40 : f32 to vector<256x128xf32>
    %max3A_42 = arith.maximumf %add3A_39, %max3A_41 : vector<256x128xf32>
    %get3A_43 = arith.constant 0 : index
    %get3A_44 = arith.constant 0 : index
    %get3A_45 = arith.constant 0 : index
    %get3A_46 = arith.constant 0 : index
    %get3A_47 = vector.load %arg5[%get3A_43, %get3A_44, %get3A_45, %get3A_46] : memref<2x2x128x128xf32, #tpu.memory_space<vmem>>, vector<1x1x128x128xf32>
    %get3A_48 = vector.shape_cast %get3A_47 : vector<1x1x128x128xf32> to vector<128x128xf32>
    %dot_general3A = arith.constant dense<0.000000e+00> : vector<256x128xf32>
    %dot_general3A_49 = tpu.matmul %max3A_20, %get3A_48, %dot_general3A {dimension_numbers = #tpu.dot_dimension_numbers<[1], [0], [0], [1], [0, 0, 1, 1], [], []>, transpose_lhs_hint = false} : vector<256x128xf32>, vector<128x128xf32>, vector<256x128xf32> -> vector<256x128xf32>
    %add3A_50 = arith.constant 0.000000e+00 : f32
    %add3A_51 = vector.broadcast %add3A_50 : f32 to vector<256x128xf32>
    %add3A_52 = arith.addf %add3A_51, %dot_general3A_49 : vector<256x128xf32>
    %get3A_53 = arith.constant 1 : index
    %get3A_54 = arith.constant 0 : index
    %get3A_55 = arith.constant 0 : index
    %get3A_56 = arith.constant 0 : index
    %get3A_57 = vector.load %arg5[%get3A_53, %get3A_54, %get3A_55, %get3A_56] : memref<2x2x128x128xf32, #tpu.memory_space<vmem>>, vector<1x1x128x128xf32>
    %get3A_58 = vector.shape_cast %get3A_57 : vector<1x1x128x128xf32> to vector<128x128xf32>
    %dot_general3A_59 = arith.constant dense<0.000000e+00> : vector<256x128xf32>
    %dot_general3A_60 = tpu.matmul %max3A_42, %get3A_58, %dot_general3A_59 {dimension_numbers = #tpu.dot_dimension_numbers<[1], [0], [0], [1], [0, 0, 1, 1], [], []>, transpose_lhs_hint = false} : vector<256x128xf32>, vector<128x128xf32>, vector<256x128xf32> -> vector<256x128xf32>
    %add3A_61 = arith.addf %add3A_52, %dot_general3A_60 : vector<256x128xf32>
    %mul3A_62 = arith.mulf %get3A_1, %add3A_61 : vector<256x128xf32>
    %swap3A = arith.constant 0 : index
    %swap3A_63 = arith.constant 0 : index
    %swap3A_64 = arith.constant 0 : index
    %swap3A_65 = vector.load %arg6[%swap3A, %swap3A_63, %swap3A_64] : memref<2x256x128xf32, #tpu.memory_space<vmem>>, vector<1x256x128xf32>
    %swap3A_66 = vector.shape_cast %swap3A_65 : vector<1x256x128xf32> to vector<256x128xf32>
    %swap3A_67 = vector.shape_cast %mul3A_62 : vector<256x128xf32> to vector<1x256x128xf32>
    tpu.vector_store %arg6[%swap3A, %swap3A_63, %swap3A_64], %swap3A_67 {strides = array<i32>} : memref<2x256x128xf32, #tpu.memory_space<vmem>>, vector<1x256x128xf32>,
    %get3A_68 = arith.constant 0 : index
    %get3A_69 = arith.constant 1 : index
    %get3A_70 = arith.constant 0 : index
    %get3A_71 = arith.constant 0 : index
    %get3A_72 = vector.load %arg5[%get3A_68, %get3A_69, %get3A_70, %get3A_71] : memref<2x2x128x128xf32, #tpu.memory_space<vmem>>, vector<1x1x128x128xf32>
    %get3A_73 = vector.shape_cast %get3A_72 : vector<1x1x128x128xf32> to vector<128x128xf32>
    %dot_general3A_74 = arith.constant dense<0.000000e+00> : vector<256x128xf32>
    %dot_general3A_75 = tpu.matmul %max3A_20, %get3A_73, %dot_general3A_74 {dimension_numbers = #tpu.dot_dimension_numbers<[1], [0], [0], [1], [0, 0, 1, 1], [], []>, transpose_lhs_hint = false} : vector<256x128xf32>, vector<128x128xf32>, vector<256x128xf32> -> vector<256x128xf32>
    %add3A_76 = arith.constant 0.000000e+00 : f32
    %add3A_77 = vector.broadcast %add3A_76 : f32 to vector<256x128xf32>
    %add3A_78 = arith.addf %add3A_77, %dot_general3A_75 : vector<256x128xf32>
    %get3A_79 = arith.constant 1 : index
    %get3A_80 = arith.constant 1 : index
    %get3A_81 = arith.constant 0 : index
    %get3A_82 = arith.constant 0 : index
    %get3A_83 = vector.load %arg5[%get3A_79, %get3A_80, %get3A_81, %get3A_82] : memref<2x2x128x128xf32, #tpu.memory_space<vmem>>, vector<1x1x128x128xf32>
    %get3A_84 = vector.shape_cast %get3A_83 : vector<1x1x128x128xf32> to vector<128x128xf32>
    %dot_general3A_85 = arith.constant dense<0.000000e+00> : vector<256x128xf32>
    %dot_general3A_86 = tpu.matmul %max3A_42, %get3A_84, %dot_general3A_85 {dimension_numbers = #tpu.dot_dimension_numbers<[1], [0], [0], [1], [0, 0, 1, 1], [], []>, transpose_lhs_hint = false} : vector<256x128xf32>, vector<128x128xf32>, vector<256x128xf32> -> vector<256x128xf32>
    %add3A_87 = arith.addf %add3A_78, %dot_general3A_86 : vector<256x128xf32>
    %mul3A_88 = arith.mulf %get3A_1, %add3A_87 : vector<256x128xf32>
    %swap3A_89 = arith.constant 1 : index
    %swap3A_90 = arith.constant 0 : index
    %swap3A_91 = arith.constant 0 : index
    %swap3A_92 = vector.load %arg6[%swap3A_89, %swap3A_90, %swap3A_91] : memref<2x256x128xf32, #tpu.memory_space<vmem>>, vector<1x256x128xf32>
    %swap3A_93 = vector.shape_cast %swap3A_92 : vector<1x256x128xf32> to vector<256x128xf32>
    %swap3A_94 = vector.shape_cast %mul3A_88 : vector<256x128xf32> to vector<1x256x128xf32>
    tpu.vector_store %arg6[%swap3A_89, %swap3A_90, %swap3A_91], %swap3A_94 {strides = array<i32>} : memref<2x256x128xf32, #tpu.memory_space<vmem>>, vector<1x256x128xf32>,
    return
  }
  func.func @transform_0(%arg0: i32) -> (i32, i32, i32) {
    %c0_i32 = arith.constant 0 : i32
    %c0_i32_0 = arith.constant 0 : i32
    %c0_i32_1 = arith.constant 0 : i32
    return %c0_i32, %arg0, %c0_i32_0 : i32, i32, i32
  }
  func.func @transform_1(%arg0: i32) -> (i32, i32, i32) {
    %c0_i32 = arith.constant 0 : i32
    %c0_i32_0 = arith.constant 0 : i32
    %c0_i32_1 = arith.constant 0 : i32
    return %c0_i32, %arg0, %c0_i32_0 : i32, i32, i32
  }
  func.func @transform_2(%arg0: i32) -> (i32, i32) {
    %c0_i32 = arith.constant 0 : i32
    %c0_i32_0 = arith.constant 0 : i32
    return %arg0, %c0_i32 : i32, i32
  }
  func.func @transform_3(%arg0: i32) -> (i32, i32, i32) {
    %c0_i32 = arith.constant 0 : i32
    %c0_i32_0 = arith.constant 0 : i32
    %c0_i32_1 = arith.constant 0 : i32
    %c0_i32_2 = arith.constant 0 : i32
    return %c0_i32, %c0_i32_0, %c0_i32_1 : i32, i32, i32
  }
  func.func @transform_4(%arg0: i32) -> (i32, i32, i32, i32) {
    %c0_i32 = arith.constant 0 : i32
    %c0_i32_0 = arith.constant 0 : i32
    %c0_i32_1 = arith.constant 0 : i32
    %c0_i32_2 = arith.constant 0 : i32
    %c0_i32_3 = arith.constant 0 : i32
    return %c0_i32, %c0_i32_0, %c0_i32_1, %c0_i32_2 : i32, i32, i32, i32
  }
  func.func @transform_5(%arg0: i32) -> (i32, i32, i32) {
    %c0_i32 = arith.constant 0 : i32
    %c0_i32_0 = arith.constant 0 : i32
    %c0_i32_1 = arith.constant 0 : i32
    return %c0_i32, %arg0, %c0_i32_0 : i32, i32, i32
  }
}

module attributes {stable_mosaic.version = 14 : i64} {
  func.func @body(%arg0: i32, %arg1: memref<2x256x128xf32, #tpu.memory_space<vmem>>, %arg2: memref<2x256x128xf32, #tpu.memory_space<vmem>>, %arg3: memref<256x128xf32, #tpu.memory_space<vmem>>, %arg4: memref<2x1x128xf32, #tpu.memory_space<vmem>>, %arg5: memref<256x12xf32, #tpu.memory_space<vmem>>, %arg6: memref<2x2x128x128xf32, #tpu.memory_space<vmem>>, %arg7: memref<2x1x128xf32, #tpu.memory_space<vmem>>, %arg8: memref<2x2x128x128xf32, #tpu.memory_space<vmem>>, %arg9: memref<2x1x128xf32, #tpu.memory_space<vmem>>, %arg10: memref<2x128x12xf32, #tpu.memory_space<vmem>>, %arg11: memref<1x12xf32, #tpu.memory_space<vmem>>, %arg12: memref<256x12xf32, #tpu.memory_space<vmem>>) attributes {dimension_semantics = [#tpu.dimension_semantics<arbitrary>], iteration_bounds = array<i64: 49>, scalar_prefetch = 0 : i64, scratch_operands = 0 : i64, tpu.core_type = #tpu.core_type<tc>, window_params = [{transform_indices = @transform_0, window_bounds = array<i64: 2, 256, 128>}, {transform_indices = @transform_1, window_bounds = array<i64: 2, 256, 128>}, {transform_indices = @transform_2, window_bounds = array<i64: 256, 128>}, {pipeline_mode = #tpu.pipeline_mode<synchronous>, transform_indices = @transform_3, window_bounds = array<i64: 2, 1, 128>}, {transform_indices = @transform_4, window_bounds = array<i64: 256, 12>}, {pipeline_mode = #tpu.pipeline_mode<synchronous>, transform_indices = @transform_5, window_bounds = array<i64: 2, 2, 128, 128>}, {pipeline_mode = #tpu.pipeline_mode<synchronous>, transform_indices = @transform_6, window_bounds = array<i64: 2, 1, 128>}, {pipeline_mode = #tpu.pipeline_mode<synchronous>, transform_indices = @transform_7, window_bounds = array<i64: 2, 2, 128, 128>}, {pipeline_mode = #tpu.pipeline_mode<synchronous>, transform_indices = @transform_8, window_bounds = array<i64: 2, 1, 128>}, {pipeline_mode = #tpu.pipeline_mode<synchronous>, transform_indices = @transform_9, window_bounds = array<i64: 2, 128, 12>}, {pipeline_mode = #tpu.pipeline_mode<synchronous>, transform_indices = @transform_10, window_bounds = array<i64: 1, 12>}, {transform_indices = @transform_11, window_bounds = array<i64: 256, 12>}]} {
    %get3A = arith.constant 0 : index
    %get3A_0 = arith.constant 0 : index
    %get3A_1 = vector.load %arg3[%get3A, %get3A_0] : memref<256x128xf32, #tpu.memory_space<vmem>>, vector<256x128xf32>
    %get3A_2 = arith.constant 0 : index
    %get3A_3 = arith.constant 0 : index
    %get3A_4 = arith.constant 0 : index
    %get3A_5 = vector.load %arg1[%get3A_2, %get3A_3, %get3A_4] : memref<2x256x128xf32, #tpu.memory_space<vmem>>, vector<1x256x128xf32>
    %get3A_6 = vector.shape_cast %get3A_5 : vector<1x256x128xf32> to vector<256x128xf32>
    %get3A_7 = arith.constant 0 : index
    %get3A_8 = arith.constant 0 : index
    %get3A_9 = arith.constant 0 : index
    %get3A_10 = vector.load %arg2[%get3A_7, %get3A_8, %get3A_9] : memref<2x256x128xf32, #tpu.memory_space<vmem>>, vector<1x256x128xf32>
    %get3A_11 = vector.shape_cast %get3A_10 : vector<1x256x128xf32> to vector<256x128xf32>
    %add3A = arith.addf %get3A_6, %get3A_11 : vector<256x128xf32>
    %mul3A = arith.mulf %get3A_1, %add3A : vector<256x128xf32>
    %get3A_12 = arith.constant 0 : index
    %get3A_13 = arith.constant 0 : index
    %get3A_14 = arith.constant 0 : index
    %get3A_15 = vector.load %arg4[%get3A_12, %get3A_13, %get3A_14] : memref<2x1x128xf32, #tpu.memory_space<vmem>>, vector<1x1x128xf32>
    %get3A_16 = vector.shape_cast %get3A_15 : vector<1x1x128xf32> to vector<1x128xf32>
    %add3A_17 = vector.broadcast %get3A_16 : vector<1x128xf32> to vector<256x128xf32>
    %add3A_18 = arith.addf %mul3A, %add3A_17 : vector<256x128xf32>
    %max3A = arith.constant 0.000000e+00 : f32
    %max3A_19 = vector.broadcast %max3A : f32 to vector<256x128xf32>
    %max3A_20 = arith.maximumf %add3A_18, %max3A_19 : vector<256x128xf32>
    %get3A_21 = arith.constant 1 : index
    %get3A_22 = arith.constant 0 : index
    %get3A_23 = arith.constant 0 : index
    %get3A_24 = vector.load %arg1[%get3A_21, %get3A_22, %get3A_23] : memref<2x256x128xf32, #tpu.memory_space<vmem>>, vector<1x256x128xf32>
    %get3A_25 = vector.shape_cast %get3A_24 : vector<1x256x128xf32> to vector<256x128xf32>
    %get3A_26 = arith.constant 1 : index
    %get3A_27 = arith.constant 0 : index
    %get3A_28 = arith.constant 0 : index
    %get3A_29 = vector.load %arg2[%get3A_26, %get3A_27, %get3A_28] : memref<2x256x128xf32, #tpu.memory_space<vmem>>, vector<1x256x128xf32>
    %get3A_30 = vector.shape_cast %get3A_29 : vector<1x256x128xf32> to vector<256x128xf32>
    %add3A_31 = arith.addf %get3A_25, %get3A_30 : vector<256x128xf32>
    %mul3A_32 = arith.mulf %get3A_1, %add3A_31 : vector<256x128xf32>
    %get3A_33 = arith.constant 1 : index
    %get3A_34 = arith.constant 0 : index
    %get3A_35 = arith.constant 0 : index
    %get3A_36 = vector.load %arg4[%get3A_33, %get3A_34, %get3A_35] : memref<2x1x128xf32, #tpu.memory_space<vmem>>, vector<1x1x128xf32>
    %get3A_37 = vector.shape_cast %get3A_36 : vector<1x1x128xf32> to vector<1x128xf32>
    %add3A_38 = vector.broadcast %get3A_37 : vector<1x128xf32> to vector<256x128xf32>
    %add3A_39 = arith.addf %mul3A_32, %add3A_38 : vector<256x128xf32>
    %max3A_40 = arith.constant 0.000000e+00 : f32
    %max3A_41 = vector.broadcast %max3A_40 : f32 to vector<256x128xf32>
    %max3A_42 = arith.maximumf %add3A_39, %max3A_41 : vector<256x128xf32>
    %get3A_43 = arith.constant 0 : index
    %get3A_44 = arith.constant 0 : index
    %get3A_45 = arith.constant 0 : index
    %get3A_46 = arith.constant 0 : index
    %get3A_47 = vector.load %arg6[%get3A_43, %get3A_44, %get3A_45, %get3A_46] : memref<2x2x128x128xf32, #tpu.memory_space<vmem>>, vector<1x1x128x128xf32>
    %get3A_48 = vector.shape_cast %get3A_47 : vector<1x1x128x128xf32> to vector<128x128xf32>
    %dot_general3A = arith.constant dense<0.000000e+00> : vector<256x128xf32>
    %dot_general3A_49 = tpu.matmul %max3A_20, %get3A_48, %dot_general3A {dimension_numbers = #tpu.dot_dimension_numbers<[1], [0], [0], [1], [0, 0, 1, 1], [], []>, transpose_lhs_hint = false} : vector<256x128xf32>, vector<128x128xf32>, vector<256x128xf32> -> vector<256x128xf32>
    %add3A_50 = arith.constant 0.000000e+00 : f32
    %add3A_51 = vector.broadcast %add3A_50 : f32 to vector<256x128xf32>
    %add3A_52 = arith.addf %add3A_51, %dot_general3A_49 : vector<256x128xf32>
    %get3A_53 = arith.constant 1 : index
    %get3A_54 = arith.constant 0 : index
    %get3A_55 = arith.constant 0 : index
    %get3A_56 = arith.constant 0 : index
    %get3A_57 = vector.load %arg6[%get3A_53, %get3A_54, %get3A_55, %get3A_56] : memref<2x2x128x128xf32, #tpu.memory_space<vmem>>, vector<1x1x128x128xf32>
    %get3A_58 = vector.shape_cast %get3A_57 : vector<1x1x128x128xf32> to vector<128x128xf32>
    %dot_general3A_59 = arith.constant dense<0.000000e+00> : vector<256x128xf32>
    %dot_general3A_60 = tpu.matmul %max3A_42, %get3A_58, %dot_general3A_59 {dimension_numbers = #tpu.dot_dimension_numbers<[1], [0], [0], [1], [0, 0, 1, 1], [], []>, transpose_lhs_hint = false} : vector<256x128xf32>, vector<128x128xf32>, vector<256x128xf32> -> vector<256x128xf32>
    %add3A_61 = arith.addf %add3A_52, %dot_general3A_60 : vector<256x128xf32>
    %get3A_62 = arith.constant 0 : index
    %get3A_63 = arith.constant 0 : index
    %get3A_64 = arith.constant 0 : index
    %get3A_65 = vector.load %arg7[%get3A_62, %get3A_63, %get3A_64] : memref<2x1x128xf32, #tpu.memory_space<vmem>>, vector<1x1x128xf32>
    %get3A_66 = vector.shape_cast %get3A_65 : vector<1x1x128xf32> to vector<1x128xf32>
    %add3A_67 = vector.broadcast %get3A_66 : vector<1x128xf32> to vector<256x128xf32>
    %add3A_68 = arith.addf %add3A_61, %add3A_67 : vector<256x128xf32>
    %max3A_69 = arith.constant 0.000000e+00 : f32
    %max3A_70 = vector.broadcast %max3A_69 : f32 to vector<256x128xf32>
    %max3A_71 = arith.maximumf %add3A_68, %max3A_70 : vector<256x128xf32>
    %get3A_72 = arith.constant 0 : index
    %get3A_73 = arith.constant 1 : index
    %get3A_74 = arith.constant 0 : index
    %get3A_75 = arith.constant 0 : index
    %get3A_76 = vector.load %arg6[%get3A_72, %get3A_73, %get3A_74, %get3A_75] : memref<2x2x128x128xf32, #tpu.memory_space<vmem>>, vector<1x1x128x128xf32>
    %get3A_77 = vector.shape_cast %get3A_76 : vector<1x1x128x128xf32> to vector<128x128xf32>
    %dot_general3A_78 = arith.constant dense<0.000000e+00> : vector<256x128xf32>
    %dot_general3A_79 = tpu.matmul %max3A_20, %get3A_77, %dot_general3A_78 {dimension_numbers = #tpu.dot_dimension_numbers<[1], [0], [0], [1], [0, 0, 1, 1], [], []>, transpose_lhs_hint = false} : vector<256x128xf32>, vector<128x128xf32>, vector<256x128xf32> -> vector<256x128xf32>
    %add3A_80 = arith.constant 0.000000e+00 : f32
    %add3A_81 = vector.broadcast %add3A_80 : f32 to vector<256x128xf32>
    %add3A_82 = arith.addf %add3A_81, %dot_general3A_79 : vector<256x128xf32>
    %get3A_83 = arith.constant 1 : index
    %get3A_84 = arith.constant 1 : index
    %get3A_85 = arith.constant 0 : index
    %get3A_86 = arith.constant 0 : index
    %get3A_87 = vector.load %arg6[%get3A_83, %get3A_84, %get3A_85, %get3A_86] : memref<2x2x128x128xf32, #tpu.memory_space<vmem>>, vector<1x1x128x128xf32>
    %get3A_88 = vector.shape_cast %get3A_87 : vector<1x1x128x128xf32> to vector<128x128xf32>
    %dot_general3A_89 = arith.constant dense<0.000000e+00> : vector<256x128xf32>
    %dot_general3A_90 = tpu.matmul %max3A_42, %get3A_88, %dot_general3A_89 {dimension_numbers = #tpu.dot_dimension_numbers<[1], [0], [0], [1], [0, 0, 1, 1], [], []>, transpose_lhs_hint = false} : vector<256x128xf32>, vector<128x128xf32>, vector<256x128xf32> -> vector<256x128xf32>
    %add3A_91 = arith.addf %add3A_82, %dot_general3A_90 : vector<256x128xf32>
    %get3A_92 = arith.constant 1 : index
    %get3A_93 = arith.constant 0 : index
    %get3A_94 = arith.constant 0 : index
    %get3A_95 = vector.load %arg7[%get3A_92, %get3A_93, %get3A_94] : memref<2x1x128xf32, #tpu.memory_space<vmem>>, vector<1x1x128xf32>
    %get3A_96 = vector.shape_cast %get3A_95 : vector<1x1x128xf32> to vector<1x128xf32>
    %add3A_97 = vector.broadcast %get3A_96 : vector<1x128xf32> to vector<256x128xf32>
    %add3A_98 = arith.addf %add3A_91, %add3A_97 : vector<256x128xf32>
    %max3A_99 = arith.constant 0.000000e+00 : f32
    %max3A_100 = vector.broadcast %max3A_99 : f32 to vector<256x128xf32>
    %max3A_101 = arith.maximumf %add3A_98, %max3A_100 : vector<256x128xf32>
    %get3A_102 = arith.constant 0 : index
    %get3A_103 = arith.constant 0 : index
    %get3A_104 = arith.constant 0 : index
    %get3A_105 = arith.constant 0 : index
    %get3A_106 = vector.load %arg8[%get3A_102, %get3A_103, %get3A_104, %get3A_105] : memref<2x2x128x128xf32, #tpu.memory_space<vmem>>, vector<1x1x128x128xf32>
    %get3A_107 = vector.shape_cast %get3A_106 : vector<1x1x128x128xf32> to vector<128x128xf32>
    %dot_general3A_108 = arith.constant dense<0.000000e+00> : vector<256x128xf32>
    %dot_general3A_109 = tpu.matmul %max3A_71, %get3A_107, %dot_general3A_108 {dimension_numbers = #tpu.dot_dimension_numbers<[1], [0], [0], [1], [0, 0, 1, 1], [], []>, transpose_lhs_hint = false} : vector<256x128xf32>, vector<128x128xf32>, vector<256x128xf32> -> vector<256x128xf32>
    %add3A_110 = arith.constant 0.000000e+00 : f32
    %add3A_111 = vector.broadcast %add3A_110 : f32 to vector<256x128xf32>
    %add3A_112 = arith.addf %add3A_111, %dot_general3A_109 : vector<256x128xf32>
    %get3A_113 = arith.constant 1 : index
    %get3A_114 = arith.constant 0 : index
    %get3A_115 = arith.constant 0 : index
    %get3A_116 = arith.constant 0 : index
    %get3A_117 = vector.load %arg8[%get3A_113, %get3A_114, %get3A_115, %get3A_116] : memref<2x2x128x128xf32, #tpu.memory_space<vmem>>, vector<1x1x128x128xf32>
    %get3A_118 = vector.shape_cast %get3A_117 : vector<1x1x128x128xf32> to vector<128x128xf32>
    %dot_general3A_119 = arith.constant dense<0.000000e+00> : vector<256x128xf32>
    %dot_general3A_120 = tpu.matmul %max3A_101, %get3A_118, %dot_general3A_119 {dimension_numbers = #tpu.dot_dimension_numbers<[1], [0], [0], [1], [0, 0, 1, 1], [], []>, transpose_lhs_hint = false} : vector<256x128xf32>, vector<128x128xf32>, vector<256x128xf32> -> vector<256x128xf32>
    %add3A_121 = arith.addf %add3A_112, %dot_general3A_120 : vector<256x128xf32>
    %get3A_122 = arith.constant 0 : index
    %get3A_123 = arith.constant 0 : index
    %get3A_124 = arith.constant 0 : index
    %get3A_125 = vector.load %arg9[%get3A_122, %get3A_123, %get3A_124] : memref<2x1x128xf32, #tpu.memory_space<vmem>>, vector<1x1x128xf32>
    %get3A_126 = vector.shape_cast %get3A_125 : vector<1x1x128xf32> to vector<1x128xf32>
    %add3A_127 = vector.broadcast %get3A_126 : vector<1x128xf32> to vector<256x128xf32>
    %add3A_128 = arith.addf %add3A_121, %add3A_127 : vector<256x128xf32>
    %max3A_129 = arith.constant 0.000000e+00 : f32
    %max3A_130 = vector.broadcast %max3A_129 : f32 to vector<256x128xf32>
    %max3A_131 = arith.maximumf %add3A_128, %max3A_130 : vector<256x128xf32>
    %get3A_132 = arith.constant 0 : index
    %get3A_133 = arith.constant 1 : index
    %get3A_134 = arith.constant 0 : index
    %get3A_135 = arith.constant 0 : index
    %get3A_136 = vector.load %arg8[%get3A_132, %get3A_133, %get3A_134, %get3A_135] : memref<2x2x128x128xf32, #tpu.memory_space<vmem>>, vector<1x1x128x128xf32>
    %get3A_137 = vector.shape_cast %get3A_136 : vector<1x1x128x128xf32> to vector<128x128xf32>
    %dot_general3A_138 = arith.constant dense<0.000000e+00> : vector<256x128xf32>
    %dot_general3A_139 = tpu.matmul %max3A_71, %get3A_137, %dot_general3A_138 {dimension_numbers = #tpu.dot_dimension_numbers<[1], [0], [0], [1], [0, 0, 1, 1], [], []>, transpose_lhs_hint = false} : vector<256x128xf32>, vector<128x128xf32>, vector<256x128xf32> -> vector<256x128xf32>
    %add3A_140 = arith.constant 0.000000e+00 : f32
    %add3A_141 = vector.broadcast %add3A_140 : f32 to vector<256x128xf32>
    %add3A_142 = arith.addf %add3A_141, %dot_general3A_139 : vector<256x128xf32>
    %get3A_143 = arith.constant 1 : index
    %get3A_144 = arith.constant 1 : index
    %get3A_145 = arith.constant 0 : index
    %get3A_146 = arith.constant 0 : index
    %get3A_147 = vector.load %arg8[%get3A_143, %get3A_144, %get3A_145, %get3A_146] : memref<2x2x128x128xf32, #tpu.memory_space<vmem>>, vector<1x1x128x128xf32>
    %get3A_148 = vector.shape_cast %get3A_147 : vector<1x1x128x128xf32> to vector<128x128xf32>
    %dot_general3A_149 = arith.constant dense<0.000000e+00> : vector<256x128xf32>
    %dot_general3A_150 = tpu.matmul %max3A_101, %get3A_148, %dot_general3A_149 {dimension_numbers = #tpu.dot_dimension_numbers<[1], [0], [0], [1], [0, 0, 1, 1], [], []>, transpose_lhs_hint = false} : vector<256x128xf32>, vector<128x128xf32>, vector<256x128xf32> -> vector<256x128xf32>
    %add3A_151 = arith.addf %add3A_142, %dot_general3A_150 : vector<256x128xf32>
    %get3A_152 = arith.constant 1 : index
    %get3A_153 = arith.constant 0 : index
    %get3A_154 = arith.constant 0 : index
    %get3A_155 = vector.load %arg9[%get3A_152, %get3A_153, %get3A_154] : memref<2x1x128xf32, #tpu.memory_space<vmem>>, vector<1x1x128xf32>
    %get3A_156 = vector.shape_cast %get3A_155 : vector<1x1x128xf32> to vector<1x128xf32>
    %add3A_157 = vector.broadcast %get3A_156 : vector<1x128xf32> to vector<256x128xf32>
    %add3A_158 = arith.addf %add3A_151, %add3A_157 : vector<256x128xf32>
    %max3A_159 = arith.constant 0.000000e+00 : f32
    %max3A_160 = vector.broadcast %max3A_159 : f32 to vector<256x128xf32>
    %max3A_161 = arith.maximumf %add3A_158, %max3A_160 : vector<256x128xf32>
    %get3A_162 = arith.constant 0 : index
    %get3A_163 = arith.constant 0 : index
    %get3A_164 = arith.constant 0 : index
    %get3A_165 = arith.constant 0 : index
    %get3A_166 = vector.load %arg8[%get3A_162, %get3A_163, %get3A_164, %get3A_165] : memref<2x2x128x128xf32, #tpu.memory_space<vmem>>, vector<1x1x128x128xf32>
    %get3A_167 = vector.shape_cast %get3A_166 : vector<1x1x128x128xf32> to vector<128x128xf32>
    %dot_general3A_168 = arith.constant dense<0.000000e+00> : vector<256x128xf32>
    %dot_general3A_169 = tpu.matmul %max3A_131, %get3A_167, %dot_general3A_168 {dimension_numbers = #tpu.dot_dimension_numbers<[1], [0], [0], [1], [0, 0, 1, 1], [], []>, transpose_lhs_hint = false} : vector<256x128xf32>, vector<128x128xf32>, vector<256x128xf32> -> vector<256x128xf32>
    %add3A_170 = arith.constant 0.000000e+00 : f32
    %add3A_171 = vector.broadcast %add3A_170 : f32 to vector<256x128xf32>
    %add3A_172 = arith.addf %add3A_171, %dot_general3A_169 : vector<256x128xf32>
    %get3A_173 = arith.constant 1 : index
    %get3A_174 = arith.constant 0 : index
    %get3A_175 = arith.constant 0 : index
    %get3A_176 = arith.constant 0 : index
    %get3A_177 = vector.load %arg8[%get3A_173, %get3A_174, %get3A_175, %get3A_176] : memref<2x2x128x128xf32, #tpu.memory_space<vmem>>, vector<1x1x128x128xf32>
    %get3A_178 = vector.shape_cast %get3A_177 : vector<1x1x128x128xf32> to vector<128x128xf32>
    %dot_general3A_179 = arith.constant dense<0.000000e+00> : vector<256x128xf32>
    %dot_general3A_180 = tpu.matmul %max3A_161, %get3A_178, %dot_general3A_179 {dimension_numbers = #tpu.dot_dimension_numbers<[1], [0], [0], [1], [0, 0, 1, 1], [], []>, transpose_lhs_hint = false} : vector<256x128xf32>, vector<128x128xf32>, vector<256x128xf32> -> vector<256x128xf32>
    %add3A_181 = arith.addf %add3A_172, %dot_general3A_180 : vector<256x128xf32>
    %get3A_182 = arith.constant 0 : index
    %get3A_183 = arith.constant 0 : index
    %get3A_184 = arith.constant 0 : index
    %get3A_185 = vector.load %arg9[%get3A_182, %get3A_183, %get3A_184] : memref<2x1x128xf32, #tpu.memory_space<vmem>>, vector<1x1x128xf32>
    %get3A_186 = vector.shape_cast %get3A_185 : vector<1x1x128xf32> to vector<1x128xf32>
    %add3A_187 = vector.broadcast %get3A_186 : vector<1x128xf32> to vector<256x128xf32>
    %add3A_188 = arith.addf %add3A_181, %add3A_187 : vector<256x128xf32>
    %max3A_189 = arith.constant 0.000000e+00 : f32
    %max3A_190 = vector.broadcast %max3A_189 : f32 to vector<256x128xf32>
    %max3A_191 = arith.maximumf %add3A_188, %max3A_190 : vector<256x128xf32>
    %get3A_192 = arith.constant 0 : index
    %get3A_193 = arith.constant 1 : index
    %get3A_194 = arith.constant 0 : index
    %get3A_195 = arith.constant 0 : index
    %get3A_196 = vector.load %arg8[%get3A_192, %get3A_193, %get3A_194, %get3A_195] : memref<2x2x128x128xf32, #tpu.memory_space<vmem>>, vector<1x1x128x128xf32>
    %get3A_197 = vector.shape_cast %get3A_196 : vector<1x1x128x128xf32> to vector<128x128xf32>
    %dot_general3A_198 = arith.constant dense<0.000000e+00> : vector<256x128xf32>
    %dot_general3A_199 = tpu.matmul %max3A_131, %get3A_197, %dot_general3A_198 {dimension_numbers = #tpu.dot_dimension_numbers<[1], [0], [0], [1], [0, 0, 1, 1], [], []>, transpose_lhs_hint = false} : vector<256x128xf32>, vector<128x128xf32>, vector<256x128xf32> -> vector<256x128xf32>
    %add3A_200 = arith.constant 0.000000e+00 : f32
    %add3A_201 = vector.broadcast %add3A_200 : f32 to vector<256x128xf32>
    %add3A_202 = arith.addf %add3A_201, %dot_general3A_199 : vector<256x128xf32>
    %get3A_203 = arith.constant 1 : index
    %get3A_204 = arith.constant 1 : index
    %get3A_205 = arith.constant 0 : index
    %get3A_206 = arith.constant 0 : index
    %get3A_207 = vector.load %arg8[%get3A_203, %get3A_204, %get3A_205, %get3A_206] : memref<2x2x128x128xf32, #tpu.memory_space<vmem>>, vector<1x1x128x128xf32>
    %get3A_208 = vector.shape_cast %get3A_207 : vector<1x1x128x128xf32> to vector<128x128xf32>
    %dot_general3A_209 = arith.constant dense<0.000000e+00> : vector<256x128xf32>
    %dot_general3A_210 = tpu.matmul %max3A_161, %get3A_208, %dot_general3A_209 {dimension_numbers = #tpu.dot_dimension_numbers<[1], [0], [0], [1], [0, 0, 1, 1], [], []>, transpose_lhs_hint = false} : vector<256x128xf32>, vector<128x128xf32>, vector<256x128xf32> -> vector<256x128xf32>
    %add3A_211 = arith.addf %add3A_202, %dot_general3A_210 : vector<256x128xf32>
    %get3A_212 = arith.constant 1 : index
    %get3A_213 = arith.constant 0 : index
    %get3A_214 = arith.constant 0 : index
    %get3A_215 = vector.load %arg9[%get3A_212, %get3A_213, %get3A_214] : memref<2x1x128xf32, #tpu.memory_space<vmem>>, vector<1x1x128xf32>
    %get3A_216 = vector.shape_cast %get3A_215 : vector<1x1x128xf32> to vector<1x128xf32>
    %add3A_217 = vector.broadcast %get3A_216 : vector<1x128xf32> to vector<256x128xf32>
    %add3A_218 = arith.addf %add3A_211, %add3A_217 : vector<256x128xf32>
    %max3A_219 = arith.constant 0.000000e+00 : f32
    %max3A_220 = vector.broadcast %max3A_219 : f32 to vector<256x128xf32>
    %max3A_221 = arith.maximumf %add3A_218, %max3A_220 : vector<256x128xf32>
    %get3A_222 = arith.constant 0 : index
    %get3A_223 = arith.constant 0 : index
    %get3A_224 = arith.constant 0 : index
    %get3A_225 = vector.load %arg10[%get3A_222, %get3A_223, %get3A_224] : memref<2x128x12xf32, #tpu.memory_space<vmem>>, vector<1x128x12xf32>
    %get3A_226 = vector.shape_cast %get3A_225 : vector<1x128x12xf32> to vector<128x12xf32>
    %dot_general3A_227 = arith.constant dense<0.000000e+00> : vector<256x12xf32>
    %dot_general3A_228 = tpu.matmul %max3A_191, %get3A_226, %dot_general3A_227 {dimension_numbers = #tpu.dot_dimension_numbers<[1], [0], [0], [1], [0, 0, 1, 1], [], []>, transpose_lhs_hint = false} : vector<256x128xf32>, vector<128x12xf32>, vector<256x12xf32> -> vector<256x12xf32>
    %add3A_229 = arith.constant 0.000000e+00 : f32
    %add3A_230 = vector.broadcast %add3A_229 : f32 to vector<256x12xf32>
    %add3A_231 = arith.addf %add3A_230, %dot_general3A_228 : vector<256x12xf32>
    %get3A_232 = arith.constant 1 : index
    %get3A_233 = arith.constant 0 : index
    %get3A_234 = arith.constant 0 : index
    %get3A_235 = vector.load %arg10[%get3A_232, %get3A_233, %get3A_234] : memref<2x128x12xf32, #tpu.memory_space<vmem>>, vector<1x128x12xf32>
    %get3A_236 = vector.shape_cast %get3A_235 : vector<1x128x12xf32> to vector<128x12xf32>
    %dot_general3A_237 = arith.constant dense<0.000000e+00> : vector<256x12xf32>
    %dot_general3A_238 = tpu.matmul %max3A_221, %get3A_236, %dot_general3A_237 {dimension_numbers = #tpu.dot_dimension_numbers<[1], [0], [0], [1], [0, 0, 1, 1], [], []>, transpose_lhs_hint = false} : vector<256x128xf32>, vector<128x12xf32>, vector<256x12xf32> -> vector<256x12xf32>
    %add3A_239 = arith.addf %add3A_231, %dot_general3A_238 : vector<256x12xf32>
    %get3A_240 = arith.constant 0 : index
    %get3A_241 = arith.constant 0 : index
    %get3A_242 = vector.load %arg11[%get3A_240, %get3A_241] : memref<1x12xf32, #tpu.memory_space<vmem>>, vector<1x12xf32>
    %add3A_243 = vector.broadcast %get3A_242 : vector<1x12xf32> to vector<256x12xf32>
    %add3A_244 = arith.addf %add3A_239, %add3A_243 : vector<256x12xf32>
    %get3A_245 = arith.constant 0 : index
    %get3A_246 = arith.constant 0 : index
    %get3A_247 = vector.load %arg5[%get3A_245, %get3A_246] : memref<256x12xf32, #tpu.memory_space<vmem>>, vector<256x12xf32>
    %add3A_248 = arith.addf %add3A_244, %get3A_247 : vector<256x12xf32>
    %swap3A = arith.constant 0 : index
    %swap3A_249 = arith.constant 0 : index
    %swap3A_250 = vector.load %arg12[%swap3A, %swap3A_249] : memref<256x12xf32, #tpu.memory_space<vmem>>, vector<256x12xf32>
    tpu.vector_store %arg12[%swap3A, %swap3A_249], %add3A_248 {strides = array<i32>} : memref<256x12xf32, #tpu.memory_space<vmem>>, vector<256x12xf32>,
    return
  }
  func.func @transform_0(%arg0: i32) -> (i32, i32, i32) {
    %c0_i32 = arith.constant 0 : i32
    %c0_i32_0 = arith.constant 0 : i32
    %c0_i32_1 = arith.constant 0 : i32
    return %c0_i32, %arg0, %c0_i32_0 : i32, i32, i32
  }
  func.func @transform_1(%arg0: i32) -> (i32, i32, i32) {
    %c0_i32 = arith.constant 0 : i32
    %c0_i32_0 = arith.constant 0 : i32
    %c0_i32_1 = arith.constant 0 : i32
    return %c0_i32, %arg0, %c0_i32_0 : i32, i32, i32
  }
  func.func @transform_2(%arg0: i32) -> (i32, i32) {
    %c0_i32 = arith.constant 0 : i32
    %c0_i32_0 = arith.constant 0 : i32
    return %arg0, %c0_i32 : i32, i32
  }
  func.func @transform_3(%arg0: i32) -> (i32, i32, i32) {
    %c0_i32 = arith.constant 0 : i32
    %c0_i32_0 = arith.constant 0 : i32
    %c0_i32_1 = arith.constant 0 : i32
    %c0_i32_2 = arith.constant 0 : i32
    return %c0_i32, %c0_i32_0, %c0_i32_1 : i32, i32, i32
  }
  func.func @transform_4(%arg0: i32) -> (i32, i32) {
    %c0_i32 = arith.constant 0 : i32
    %c0_i32_0 = arith.constant 0 : i32
    return %arg0, %c0_i32 : i32, i32
  }
  func.func @transform_5(%arg0: i32) -> (i32, i32, i32, i32) {
    %c0_i32 = arith.constant 0 : i32
    %c0_i32_0 = arith.constant 0 : i32
    %c0_i32_1 = arith.constant 0 : i32
    %c0_i32_2 = arith.constant 0 : i32
    %c0_i32_3 = arith.constant 0 : i32
    return %c0_i32, %c0_i32_0, %c0_i32_1, %c0_i32_2 : i32, i32, i32, i32
  }
  func.func @transform_6(%arg0: i32) -> (i32, i32, i32) {
    %c0_i32 = arith.constant 0 : i32
    %c0_i32_0 = arith.constant 0 : i32
    %c0_i32_1 = arith.constant 0 : i32
    %c0_i32_2 = arith.constant 0 : i32
    return %c0_i32, %c0_i32_0, %c0_i32_1 : i32, i32, i32
  }
  func.func @transform_7(%arg0: i32) -> (i32, i32, i32, i32) {
    %c0_i32 = arith.constant 0 : i32
    %c0_i32_0 = arith.constant 0 : i32
    %c0_i32_1 = arith.constant 0 : i32
    %c0_i32_2 = arith.constant 0 : i32
    %c0_i32_3 = arith.constant 0 : i32
    return %c0_i32, %c0_i32_0, %c0_i32_1, %c0_i32_2 : i32, i32, i32, i32
  }
  func.func @transform_8(%arg0: i32) -> (i32, i32, i32) {
    %c0_i32 = arith.constant 0 : i32
    %c0_i32_0 = arith.constant 0 : i32
    %c0_i32_1 = arith.constant 0 : i32
    %c0_i32_2 = arith.constant 0 : i32
    return %c0_i32, %c0_i32_0, %c0_i32_1 : i32, i32, i32
  }
  func.func @transform_9(%arg0: i32) -> (i32, i32, i32) {
    %c0_i32 = arith.constant 0 : i32
    %c0_i32_0 = arith.constant 0 : i32
    %c0_i32_1 = arith.constant 0 : i32
    %c0_i32_2 = arith.constant 0 : i32
    return %c0_i32, %c0_i32_0, %c0_i32_1 : i32, i32, i32
  }
  func.func @transform_10(%arg0: i32) -> (i32, i32) {
    %c0_i32 = arith.constant 0 : i32
    %c0_i32_0 = arith.constant 0 : i32
    %c0_i32_1 = arith.constant 0 : i32
    return %c0_i32, %c0_i32_0 : i32, i32
  }
  func.func @transform_11(%arg0: i32) -> (i32, i32) {
    %c0_i32 = arith.constant 0 : i32
    %c0_i32_0 = arith.constant 0 : i32
    return %arg0, %c0_i32 : i32, i32
  }
}

</mosaic_0001>

<sc_bundles>
// kernel: kernel.12.cloned.1.call-start
scs
__scs_entry_jumppad:
0x0: {  	(pc) =	sbr.rel $0x88, $3  }
0x1: {  	(tag) =	ssettag $0x0;
	lr =	simm.s32 $0x1  }
0x2: {  	[smem:$0x3F93] =	sst lr;
	_ =	strace $0xD0000000  }
0x3: {  	_ = 	snop  }
0x4: {  	_ = 	snop  }
0x5: {  	_ = 	snop  }
0x6: {  	_ = 	snop  }
0x7: {  	_ = 	snop  }
__scs_overlays_trampoline_lowered:
0x8: {  	[smem:$0x3FA2] =	sst s0  }
0x9: {  	[smem:$0x3FA3] =	sst s1  }
0xa: {  	[smem:$0x3FA4] =	sst s2  }
0xb: {  	[smem:$0x3FA5] =	sst s3  }
0xc: {  	[smem:$0x3FA6] =	sst s4  }
0xd: {  	[smem:$0x3FA7] =	sst s5  }
0xe: {  	[smem:$0x3FA8] =	sst s6  }
0xf: {  	[smem:$0x3FA9] =	sst s7  }
0x10: {  	[smem:$0x3FAA] =	sst s8  }
0x11: {  	[smem:$0x3FAB] =	sst s9;
	s0 =	simm.s32 @!p0 $0x0  }
0x12: {  	s1 =	sld [smem:$0x3F91];
	s0 =	simm.s32 @p0 $0x1  }
0x13: {  	[smem:$0x3FAC] =	sst s0;
	s0 =	simm.s32 @!p1 $0x0  }
0x14: {  	s2 =	sld [smem:$0x3F90];
	s0 =	simm.s32 @p1 $0x1  }
0x15: {  	[smem:$0x3FAD] =	sst s0;
	s0 =	simm.s32 @!p2 $0x0  }
0x16: {  	s3 =	sld [smem:$0x3FDB];
	s0 =	simm.s32 @p2 $0x1  }
0x17: {  	s4 =	simm.s32 $0x1BF5;
	[smem:$0x3FAF] =	sst s0  }
0x18: {  	s0 =	sld [smem:$0x3F92];
	_ =	swait.ge [sflag:s4], $0x0  }
0x19: {  	s7 =	sld [smem:$0x3F93]  }
0x1a: {  	s8 =	sadd.s32 $0xFFFFE003, lr  }
0x1b: {  	s9 =	sadd.s32 $0xFFFFFEF7, lr;
	s5 =	simm.s32 $0xFFFFFFFF;
	p2 =	slt.u32 s8, $0xFFFFF086  }
0x1c: {  	p1 =	slt.u32 s9, $0xF7A;
	s5 =	simm.s32 @!p2 $0x0  }
0x1d: {  	s5 =	simm.s32 @p1 $0x1;
	p0 =	seq.s32 s7, s2  }
0x1e: {  	s7 =	smul.u32 @!p0 $0xF7A, s2;
	p2 =	seq.s32 @!p0 s5, $0x0  }
0x1f: {  	s9 =	smul.u32 $0xF7A, s1;
	s8 =	simm.s32 @!p0 $0x1BF5;
	p2 =	por !p2, p0  }
0x20: {  	[sflag:s8] =	ssyncset.s32 @!p0 $0xFFFFF086;
	s6 =	sadd.s32 @!p0 s3, s7;
	s7 =	simm.s32 @!p0 $0x108  }
0x21: {  	s3 =	sadd.s32 s3, s9;
	s6 =	sadd.s32 @!p0 $0x88, s6;
	s7 =	simm.s32 @p2 $0x1082  }
0x22: {  	[simem:s7], [sflag:s8] =	dma.local @!p0 [hbm:s6], $0xF7A  }
0x23: {  	s9 =	sor.u32 $0xD0000000, s2;
	s6 =	simm.s32 $0x108;
	_ =	swait.ge @!p0 [sflag:s8], $0x0  }
0x24: {  	s3 =	sadd.s32 $0x88, s3;
	s6 =	simm.s32 @!p1 $0x1082;
	[sflag:s4] =	ssyncset.s32 $0xFFFFF086  }
0x25: {  	[simem:s6], [sflag:s4] =	dma.local [hbm:s3], $0xF7A  }
0x26: {  	[smem:$0x3F93] =	sst s1;
	(tag) =	ssettag s2;
	_ =	strace s9  }
0x27: {  	s1 =	sld [smem:$0x3FA3]  }
0x28: {  	s2 =	sld [smem:$0x3FA4]  }
0x29: {  	s4 =	sld [smem:$0x3FA6]  }
0x2a: {  	p0 =	seq.s32 s5, $0x0;
	s5 =	sld [smem:$0x3FA7]  }
0x2b: {  	s6 =	sld [smem:$0x3FA8]  }
0x2c: {  	s7 =	sld [smem:$0x3FA9]  }
0x2d: {  	s3 =	simm.s32 $0x108;
	s8 =	sld [smem:$0x3FAA]  }
0x2e: {  	s3 =	simm.s32 @!p0 $0x1082;
	s9 =	sld [smem:$0x3FAB]  }
0x2f: {  	lr =	sadd.s32 s0, s3;
	s0 =	sld [smem:$0x3FA2]  }
0x30: {  	s3 =	sld [smem:$0x3FA5]  }
0x31: {  	[smem:$0x3FAE] =	sst s10  }
0x32: {  	s10 =	sld [smem:$0x3FAC];
	_ =	sdelay $0x3  }
0x33: {  	p0 =	seq.s32 s10, $0x1;
	s10 =	sld [smem:$0x3FAE];
	_ =	sdelay $0x3  }
0x34: {  	[smem:$0x3FAE] =	sst s10  }
0x35: {  	s10 =	sld [smem:$0x3FAD];
	_ =	sdelay $0x3  }
0x36: {  	p1 =	seq.s32 s10, $0x1;
	s10 =	sld [smem:$0x3FAE];
	_ =	sdelay $0x3  }
0x37: {  	[smem:$0x3FAE] =	sst s10  }
0x38: {  	s10 =	sld [smem:$0x3FAF]  }
0x39: {  	_ = 	snop;
	(pc) =	sbr.ind lr, $3  }
0x3a: {  	_ = 	snop  }
0x3b: {  	_ = 	snop  }
0x3c: {  	p2 =	seq.s32 s10, $0x1;
	s10 =	sld [smem:$0x3FAE]  }
0x3d: {  	_ =	shalt  }
0x3e: {  	_ =	shalt  }
0x3f: {  	_ =	shalt  }
0x40: {  	_ =	shalt  }
0x41: {  	_ =	shalt  }
0x42: {  	_ =	shalt  }
0x43: {  	_ =	shalt  }
0x44: {  	_ =	shalt  }
0x45: {  	_ =	shalt  }
0x46: {  	_ =	shalt  }
0x47: {  	_ =	shalt  }
0x48: {  	_ =	shalt  }
0x49: {  	_ =	shalt  }
0x4a: {  	_ =	shalt  }
0x4b: {  	_ =	shalt  }
0x4c: {  	_ =	shalt  }
0x4d: {  	_ =	shalt  }
0x4e: {  	_ =	shalt  }
0x4f: {  	_ =	shalt  }
0x50: {  	_ =	shalt  }
0x51: {  	_ =	shalt  }
0x52: {  	_ =	shalt  }
0x53: {  	_ =	shalt  }
0x54: {  	_ =	shalt  }
0x55: {  	_ =	shalt  }
0x56: {  	_ =	shalt  }
0x57: {  	_ =	shalt  }
0x58: {  	_ =	shalt  }
0x59: {  	_ =	shalt  }
0x5a: {  	_ =	shalt  }
0x5b: {  	_ =	shalt  }
0x5c: {  	_ =	shalt  }
0x5d: {  	_ =	shalt  }
0x5e: {  	_ =	shalt  }
0x5f: {  	_ =	shalt  }
0x60: {  	_ =	shalt  }
0x61: {  	_ =	shalt  }
0x62: {  	_ =	shalt  }
0x63: {  	_ =	shalt  }
0x64: {  	_ =	shalt  }
0x65: {  	_ =	shalt  }
0x66: {  	_ =	shalt  }
0x67: {  	_ =	shalt  }
0x68: {  	_ =	shalt  }
0x69: {  	_ =	shalt  }
0x6a: {  	_ =	shalt  }
0x6b: {  	_ =	shalt  }
0x6c: {  	_ =	shalt  }
0x6d: {  	_ =	shalt  }
0x6e: {  	_ =	shalt  }
0x6f: {  	_ =	shalt  }
0x70: {  	_ =	shalt  }
0x71: {  	_ =	shalt  }
0x72: {  	_ =	shalt  }
0x73: {  	_ =	shalt  }
0x74: {  	_ =	shalt  }
0x75: {  	_ =	shalt  }
0x76: {  	_ =	shalt  }
0x77: {  	_ =	shalt  }
0x78: {  	_ =	shalt  }
0x79: {  	_ =	shalt  }
0x7a: {  	_ =	shalt  }
0x7b: {  	_ =	shalt  }
0x7c: {  	_ =	shalt  }
0x7d: {  	_ =	shalt  }
0x7e: {  	_ =	shalt  }
0x7f: {  	_ =	shalt  }
0x80: {  	_ =	shalt  }
0x81: {  	_ =	shalt  }
0x82: {  	_ =	shalt  }
0x83: {  	_ =	shalt  }
0x84: {  	_ =	shalt  }
0x85: {  	_ =	shalt  }
0x86: {  	_ =	shalt  }
0x87: {  	_ =	shalt  }
.Lfunc_end0:
.L_simem_size_0:
called_computation_lowered:
.L_overlay_start_0:
0x88: {  	s2 =	sld [smem:$0x3FD9]  }
0x89: {  	s3 =	sld [smem:$0x3FFE];
	_ =	sdelay $0x1  }
0x8a: {  	s1 =	srdreg.scid  }
0x8b: {  	s0 =	sand.u32 $0x1, s1  }
0x8c: {  	s17 =	sshll.u32 s0, $0xA;
	s2 =	sadd.s32 s3, s2  }
0x8d: {  	s2 =	sadd.s32 s2, s17  }
0x8e: {  	[smem:$0x3FBA] =	sst s2  }
0x8f: {  	_ = 	snop  }
0x90: {  	s2 =	sld [smem:$0x3FD0];
	(tm) =	ssettm $0x1  }
0x91: {  	s18 =	sld [smem:$0x3FFB];
	_ =	sdelay $0x3  }
0x92: {  	_ =	strace s18  }
0x93: {  	s3 =	sld [smem:$0x3FFC];
	_ =	sdelay $0x3  }
0x94: {  	_ =	strace s3  }
0x95: {  	s3 =	sld [smem:$0x3FFD];
	_ =	sdelay $0x3  }
0x96: {  	_ =	strace s3  }
0x97: {  	_ =	strace $0x8FFFFFFF  }
0x98: {  	s19 =	sld [smem:$0x3FDB];
	_ =	sdelay $0x1  }
0x99: {  	s4 =	simm.s32 $_scs_section_size  }
0x9a: {  	s5 =	simm.s32 $_size__tile_overlayer_lowered;
	s6 =	simm.s32 $_tile_overlayer_lowered  }
0x9b: {  	s22 =	simm.s32 $0x1BFF;
	s21 =	sshll.u32 s6, $0x1;
	s3 =	sadd.s32 s4, s19  }
0x9c: {  	s7 =	simm.s32 $0x0;
	s20 =	sshll.u32 s5, $0x1;
	s5 =	sadd.s32 s21, s3  }
0x9d: {  	[timem:s7], [sflag:s22] =	dma.local [hbm:s5], s20  }
0x9e: {  	_ =	swait.ge [sflag:s22], s20  }
0x9f: {  	s4 =	ssub.s32 $0x0, s20;
	[sflag:s22] =	ssyncset.done $0x0  }
0xa0: {  	[sflag:s22] =	ssyncadd.s32 s4;
	_ =	sdelay $0x1  }
0xa1: {  	s23 =	simm.s32 $0x1B8B  }
0xa2: {  	_ =	swait.ge [sflag:s23], $0x1  }
0xa3: {  	[sflag:s23] =	ssyncset.done $0x0  }
0xa4: {  	s25 =	simm.s32 $0x1B8E;
	s24 =	sld [smem:$0x3FFE];
	[sflag:s23] =	ssyncadd.s32 $0xFFFFFFFF  }
0xa5: {  	s26 =	simm.s32 $execute0_lowered;
	[smem:$0x3FD2] =	sst s25  }
0xa6: {  	s5 =	sshll.u32 s26, $0x1;
	_ =	strace $0x80000046;
	[dreg:$0x1] =	wrdreg $0xFFFFFFFF  }
0xa7: {  	s28 =	simm.s32 $_size_execute0_lowered;
	s3 =	sadd.s32 s3, s5;
	[dreg:$0x0] =	wrdreg $0x0  }
0xa8: {  	s5 =	sshll.u32 s28, $0x1;
	[dreg:$0x2] =	wrdreg s3  }
0xa9: {  	[dreg:$0x3] =	wrdreg s5  }
0xaa: {  	[dreg:$0x4] =	wrdreg $0xC0  }
0xab: {  	_ =	task [dreg:s7], $0x5FFFF  }
0xac: {  	[dreg:$0x1] =	wrdreg $0xFFFFFFFF  }
0xad: {  	[dreg:$0x0] =	wrdreg $0x60  }
0xae: {  	[dreg:$0x2] =	wrdreg s24  }
0xaf: {  	[dreg:$0x3] =	wrdreg s2  }
0xb0: {  	[dreg:$0x4] =	wrdreg $0x9  }
0xb1: {  	_ =	task.clear_ibuf [dreg:s7], $0x5FFFF;
	_ =	strace $0x90000046  }
0xb2: {  	s29 =	simm.s32 $0x9;
	_ =	strace $0x80000048  }
0xb3: {  	_ =	swait.ge [sflag:s29], $0x1  }
0xb4: {  	[sflag:s29] =	ssyncadd.s32 $0xFFFFFFFF  }
0xb5: {  	_ =	strace $0x90000048  }
0xb6: {  	_ =	sfence  }
0xb7: {  	s30 =	sld [smem:$0x0];
	_ =	sdelay $0x2  }
0xb8: {  	s31 =	sshll.u32 s1, $0xD;
	s1 =	sshrl.u32 s1, $0x2  }
0xb9: {  	s3 =	sand.u32 $0x4000, s31;
	s1 =	sadd.s32 s1, s30  }
0xba: {  	s0 =	sor.u32 s3, s0;
	s1 =	sshll.u32 s1, $0x11  }
0xbb: {  	s0 =	sor.u32 s1, s0  }
0xbc: {  	s0 =	sadd.s32 $0x8F2B, s0  }
0xbd: {  	[sflag:s0] =	ssyncadd.remote.s32 $0x1  }
0xbe: {  	_ =	sfence.sel $0xFFFF  }
0xbf: {  	[dreg:$0x0] =	wrdreg $0xFFFFFFFF;
	(pc) =	sbr.abs _section_cstart, $3  }
0xc0: {  	[dreg:$0x1] =	wrdreg $0xFFFFFFFF  }
0xc1: {  	_ =	task.clear_ibuf [dreg:s7], $0x2FFFF;
	_ =	strace $0x9FFFFFFF  }
0xc2: {  	(tm) =	ssettm $0x7FFFFFFF  }
0xc3: {  	_ =	shalt  }
tec
execute0_lowered:
.L_overlay_start_1:
0x0: {  	(tag) =	ssettag $0x1  }
0x1: {  	s0 =	srdreg.scid  }
0x2: {  	s5 =	rddreg [dreg:$0x0];
	s4 =	sand.u32 $0x1, s0  }
0x3: {  	s2 =	rddreg [dreg:$0x1];
	s0 =	stileid.u32;
	s1 =	sshll.u32 s4, $0x4  }
0x4: {  	s3 =	simm.s32 $0x0;
	s9 =	simm.s32 $0x0;
	s6 =	sor.u32 s0, s1  }
0x5: {  	[smem:$0x7FF] =	sst s3;
	s4 =	ssub.s32 $0x2, s4;
	s7 =	smul.u32 $0xC80, s6  }
0x6: {  	s1 =	rddreg [dreg:$0x2];
	s8 =	sshrl.u32 s4, $0x1;
	s6 =	smul.u32 $0x1870, s6  }
0x7: {  	_ =	strace $0x80000047;
	s31 =	ssub.s32 s4, s8;
	s8 =	simm.s32 $0x1  }
0x8: {  	s7 =	sadd.s32 s7, s5;
	s5 =	sadd.s32 s6, s5;
	s6 =	smax.u32 s31, $0x1  }
0x9: {  	v0 =	vimm.f32 $1.000000000e+00;
	s4 =	sadd.s32 $0x5400, s7;
	s5 =	sadd.s32 $0x1E400, s5;
	s7 =	simm.s32 $0x6400  }
.LBB2_1:
0xa: {  	[tilespmem:s7], [sflag:$0x1] =	stream.linear.gather [hbm4b:s2+s3], $0xC380, $0x38;
	[tilespmem:$0x12780] =	vst v63  }
0xb: {  	_ =	swait.ge [sflag:s8], $0xC380  }
0xc: {  	[sflag:s8] =	ssyncset.done $0x0  }
0xd: {  	[sflag:s8] =	ssyncadd.s32 $0xFFFF3C80  }
0xe: {  	[tilespmem:s3], [sflag:$0x1] =	stream.linear.gather [hbm4b:s4+s3], $0x6400, $0x38;
	[tilespmem:$0x12780] =	vst v63  }
0xf: {  	_ =	swait.ge [sflag:s8], $0x6400  }
0x10: {  	[sflag:s8] =	ssyncset.done $0x0  }
0x11: {  	s11 =	simm.s32 $0x0;
	s10 =	simm.s32 $0x40;
	[sflag:s8] =	ssyncadd.s32 $0xFFFF9C00  }
.LBB2_2:
0x12: {  	p0 =	sne.s32 s10, $0x18FC0;
	v1 =	vld [tilespmem:s11+$0x0];
	_ =	sdelay $0x3  }
.Ltmp0:
0x13: {  	(pc) =	sbr.rel @p0 .LBB2_2-.Ltmp0, $2  }
0x14: {  	_ =	sdelay $0x2  }
0x15: {  	s11 =	sshra.s32 s10, $0x2;
	s10 =	sadd.s32 $0x40, s10;
	[tilespmem:v1+s7+$0x0] =	vst.idx.add.f32.msk $0xffff, v0  }
0x16: {  	v1 =	vld [tilespmem:s11+$0x0];
	_ =	sdelay $0x5  }
0x17: {  	s9 =	sadd.s32 $0x1, s9  }
0x18: {  	p0 =	sne.s32 s9, s6  }
.Ltmp1:
0x19: {  	[tilespmem:v1+s7+$0x0] =	vst.idx.add.f32.msk $0xffff, v0;
	(pc) =	sbr.rel @p0 .LBB2_1-.Ltmp1, $4  }
0x1a: {  	[hbm4b:s5+s3] =	stream.linear.scatter [tilespmem:s7], [sflag:$0x1], $0xC380, $0x38;
	[tilespmem:$0x12780] =	vst v63  }
0x1b: {  	_ =	swait.ge [sflag:s8], $0xC380  }
0x1c: {  	[sflag:s8] =	ssyncset.done $0x0  }
0x1d: {  	[sflag:s8] =	ssyncadd.s32 $0xFFFF3C80  }
0x1e: {  	_ =	sfence.sel $0x180000  }
0x1f: {  	[bflag:$0x0] =	sbarrier.arrive $0xFFFF  }
0x20: {  	p0 =	sne.s32 s0, $0x0;
	_ =	strace $0x90000047  }
0x21: {  	s0 =	sadd.s32 @!p0 $0x100000, s1;
	[bflag:$0x2] =	sbarrier.arrive $0xFFFF  }
0x22: {  	[sflag:s0] =	ssyncadd.tile.s32 @!p0 $0x1;
	_ =	shalt  }
.Lfunc_end2:
_tile_overlayer_lowered:
.L_overlay_start_2:
0x23: {  	(tag) =	ssettag $0x2  }
0x24: {  	s0 =	rddreg [dreg:$0x0];
	s2 =	stileid.u32  }
0x25: {  	s1 =	rddreg [dreg:$0x1];
	p0 =	sne.s32 s2, $0x0  }
0x26: {  	s3 =	rddreg [dreg:$0x2];
	[bflag:$0x3] =	sbarrier.arrive $0xFFFF;
	s2 =	simm.s32 @!p0 $0x1C01  }
0x27: {  	[timem:s3], [sflag:s2] =	dma.local @!p0 [hbm:s0], s1  }
0x28: {  	s0 =	simm.s32 @!p0 $0x1  }
0x29: {  	_ =	swait.ge @!p0 [sflag:s0], s1  }
0x2a: {  	s1 =	ssub.s32 @!p0 $0x0, s1;
	[sflag:s0] =	ssyncset.done @!p0 $0x0  }
0x2b: {  	[sflag:s0] =	ssyncadd.s32 @!p0 s1  }
0x2c: {  	[bflag:$0x3] =	sbarrier.arrive $0xFFFF  }
0x2d: {  	_ =	shalt  }

// kernel: kernel.15.cloned.1.call-start
scs
__scs_entry_jumppad:
0x0: {  	(pc) =	sbr.rel $0x88, $3  }
0x1: {  	(tag) =	ssettag $0x0;
	lr =	simm.s32 $0x1  }
0x2: {  	[smem:$0x3F93] =	sst lr;
	_ =	strace $0xD0000000  }
0x3: {  	_ = 	snop  }
0x4: {  	_ = 	snop  }
0x5: {  	_ = 	snop  }
0x6: {  	_ = 	snop  }
0x7: {  	_ = 	snop  }
__scs_overlays_trampoline_lowered:
0x8: {  	[smem:$0x3FA2] =	sst s0  }
0x9: {  	[smem:$0x3FA3] =	sst s1  }
0xa: {  	[smem:$0x3FA4] =	sst s2  }
0xb: {  	[smem:$0x3FA5] =	sst s3  }
0xc: {  	[smem:$0x3FA6] =	sst s4  }
0xd: {  	[smem:$0x3FA7] =	sst s5  }
0xe: {  	[smem:$0x3FA8] =	sst s6  }
0xf: {  	[smem:$0x3FA9] =	sst s7  }
0x10: {  	[smem:$0x3FAA] =	sst s8  }
0x11: {  	[smem:$0x3FAB] =	sst s9;
	s0 =	simm.s32 @!p0 $0x0  }
0x12: {  	s1 =	sld [smem:$0x3F91];
	s0 =	simm.s32 @p0 $0x1  }
0x13: {  	[smem:$0x3FAC] =	sst s0;
	s0 =	simm.s32 @!p1 $0x0  }
0x14: {  	s2 =	sld [smem:$0x3F90];
	s0 =	simm.s32 @p1 $0x1  }
0x15: {  	[smem:$0x3FAD] =	sst s0;
	s0 =	simm.s32 @!p2 $0x0  }
0x16: {  	s3 =	sld [smem:$0x3FDB];
	s0 =	simm.s32 @p2 $0x1  }
0x17: {  	s4 =	simm.s32 $0x1BF5;
	[smem:$0x3FAF] =	sst s0  }
0x18: {  	s0 =	sld [smem:$0x3F92];
	_ =	swait.ge [sflag:s4], $0x0  }
0x19: {  	s7 =	sld [smem:$0x3F93]  }
0x1a: {  	s8 =	sadd.s32 $0xFFFFE003, lr  }
0x1b: {  	s9 =	sadd.s32 $0xFFFFFEF7, lr;
	s5 =	simm.s32 $0xFFFFFFFF;
	p2 =	slt.u32 s8, $0xFFFFF086  }
0x1c: {  	p1 =	slt.u32 s9, $0xF7A;
	s5 =	simm.s32 @!p2 $0x0  }
0x1d: {  	s5 =	simm.s32 @p1 $0x1;
	p0 =	seq.s32 s7, s2  }
0x1e: {  	s7 =	smul.u32 @!p0 $0xF7A, s2;
	p2 =	seq.s32 @!p0 s5, $0x0  }
0x1f: {  	s9 =	smul.u32 $0xF7A, s1;
	s8 =	simm.s32 @!p0 $0x1BF5;
	p2 =	por !p2, p0  }
0x20: {  	[sflag:s8] =	ssyncset.s32 @!p0 $0xFFFFF086;
	s6 =	sadd.s32 @!p0 s3, s7;
	s7 =	simm.s32 @!p0 $0x108  }
0x21: {  	s3 =	sadd.s32 s3, s9;
	s6 =	sadd.s32 @!p0 $0x88, s6;
	s7 =	simm.s32 @p2 $0x1082  }
0x22: {  	[simem:s7], [sflag:s8] =	dma.local @!p0 [hbm:s6], $0xF7A  }
0x23: {  	s9 =	sor.u32 $0xD0000000, s2;
	s6 =	simm.s32 $0x108;
	_ =	swait.ge @!p0 [sflag:s8], $0x0  }
0x24: {  	s3 =	sadd.s32 $0x88, s3;
	s6 =	simm.s32 @!p1 $0x1082;
	[sflag:s4] =	ssyncset.s32 $0xFFFFF086  }
0x25: {  	[simem:s6], [sflag:s4] =	dma.local [hbm:s3], $0xF7A  }
0x26: {  	[smem:$0x3F93] =	sst s1;
	(tag) =	ssettag s2;
	_ =	strace s9  }
0x27: {  	s1 =	sld [smem:$0x3FA3]  }
0x28: {  	s2 =	sld [smem:$0x3FA4]  }
0x29: {  	s4 =	sld [smem:$0x3FA6]  }
0x2a: {  	p0 =	seq.s32 s5, $0x0;
	s5 =	sld [smem:$0x3FA7]  }
0x2b: {  	s6 =	sld [smem:$0x3FA8]  }
0x2c: {  	s7 =	sld [smem:$0x3FA9]  }
0x2d: {  	s3 =	simm.s32 $0x108;
	s8 =	sld [smem:$0x3FAA]  }
0x2e: {  	s3 =	simm.s32 @!p0 $0x1082;
	s9 =	sld [smem:$0x3FAB]  }
0x2f: {  	lr =	sadd.s32 s0, s3;
	s0 =	sld [smem:$0x3FA2]  }
0x30: {  	s3 =	sld [smem:$0x3FA5]  }
0x31: {  	[smem:$0x3FAE] =	sst s10  }
0x32: {  	s10 =	sld [smem:$0x3FAC];
	_ =	sdelay $0x3  }
0x33: {  	p0 =	seq.s32 s10, $0x1;
	s10 =	sld [smem:$0x3FAE];
	_ =	sdelay $0x3  }
0x34: {  	[smem:$0x3FAE] =	sst s10  }
0x35: {  	s10 =	sld [smem:$0x3FAD];
	_ =	sdelay $0x3  }
0x36: {  	p1 =	seq.s32 s10, $0x1;
	s10 =	sld [smem:$0x3FAE];
	_ =	sdelay $0x3  }
0x37: {  	[smem:$0x3FAE] =	sst s10  }
0x38: {  	s10 =	sld [smem:$0x3FAF]  }
0x39: {  	_ = 	snop;
	(pc) =	sbr.ind lr, $3  }
0x3a: {  	_ = 	snop  }
0x3b: {  	_ = 	snop  }
0x3c: {  	p2 =	seq.s32 s10, $0x1;
	s10 =	sld [smem:$0x3FAE]  }
0x3d: {  	_ =	shalt  }
0x3e: {  	_ =	shalt  }
0x3f: {  	_ =	shalt  }
0x40: {  	_ =	shalt  }
0x41: {  	_ =	shalt  }
0x42: {  	_ =	shalt  }
0x43: {  	_ =	shalt  }
0x44: {  	_ =	shalt  }
0x45: {  	_ =	shalt  }
0x46: {  	_ =	shalt  }
0x47: {  	_ =	shalt  }
0x48: {  	_ =	shalt  }
0x49: {  	_ =	shalt  }
0x4a: {  	_ =	shalt  }
0x4b: {  	_ =	shalt  }
0x4c: {  	_ =	shalt  }
0x4d: {  	_ =	shalt  }
0x4e: {  	_ =	shalt  }
0x4f: {  	_ =	shalt  }
0x50: {  	_ =	shalt  }
0x51: {  	_ =	shalt  }
0x52: {  	_ =	shalt  }
0x53: {  	_ =	shalt  }
0x54: {  	_ =	shalt  }
0x55: {  	_ =	shalt  }
0x56: {  	_ =	shalt  }
0x57: {  	_ =	shalt  }
0x58: {  	_ =	shalt  }
0x59: {  	_ =	shalt  }
0x5a: {  	_ =	shalt  }
0x5b: {  	_ =	shalt  }
0x5c: {  	_ =	shalt  }
0x5d: {  	_ =	shalt  }
0x5e: {  	_ =	shalt  }
0x5f: {  	_ =	shalt  }
0x60: {  	_ =	shalt  }
0x61: {  	_ =	shalt  }
0x62: {  	_ =	shalt  }
0x63: {  	_ =	shalt  }
0x64: {  	_ =	shalt  }
0x65: {  	_ =	shalt  }
0x66: {  	_ =	shalt  }
0x67: {  	_ =	shalt  }
0x68: {  	_ =	shalt  }
0x69: {  	_ =	shalt  }
0x6a: {  	_ =	shalt  }
0x6b: {  	_ =	shalt  }
0x6c: {  	_ =	shalt  }
0x6d: {  	_ =	shalt  }
0x6e: {  	_ =	shalt  }
0x6f: {  	_ =	shalt  }
0x70: {  	_ =	shalt  }
0x71: {  	_ =	shalt  }
0x72: {  	_ =	shalt  }
0x73: {  	_ =	shalt  }
0x74: {  	_ =	shalt  }
0x75: {  	_ =	shalt  }
0x76: {  	_ =	shalt  }
0x77: {  	_ =	shalt  }
0x78: {  	_ =	shalt  }
0x79: {  	_ =	shalt  }
0x7a: {  	_ =	shalt  }
0x7b: {  	_ =	shalt  }
0x7c: {  	_ =	shalt  }
0x7d: {  	_ =	shalt  }
0x7e: {  	_ =	shalt  }
0x7f: {  	_ =	shalt  }
0x80: {  	_ =	shalt  }
0x81: {  	_ =	shalt  }
0x82: {  	_ =	shalt  }
0x83: {  	_ =	shalt  }
0x84: {  	_ =	shalt  }
0x85: {  	_ =	shalt  }
0x86: {  	_ =	shalt  }
0x87: {  	_ =	shalt  }
.Lfunc_end0:
.L_simem_size_0:
called_computation.1_lowered:
.L_overlay_start_0:
0x88: {  	s2 =	sld [smem:$0x3FD9]  }
0x89: {  	s3 =	sld [smem:$0x3FFE];
	_ =	sdelay $0x1  }
0x8a: {  	s1 =	srdreg.scid  }
0x8b: {  	s0 =	sand.u32 $0x1, s1  }
0x8c: {  	s16 =	sshll.u32 s0, $0xA;
	s2 =	sadd.s32 s3, s2  }
0x8d: {  	s2 =	sadd.s32 s2, s16  }
0x8e: {  	[smem:$0x3FBA] =	sst s2  }
0x8f: {  	_ = 	snop  }
0x90: {  	(tm) =	ssettm $0x1  }
0x91: {  	s17 =	sld [smem:$0x3FFB];
	_ =	sdelay $0x3  }
0x92: {  	_ =	strace s17  }
0x93: {  	s2 =	sld [smem:$0x3FFC];
	_ =	sdelay $0x3  }
0x94: {  	_ =	strace s2  }
0x95: {  	s2 =	sld [smem:$0x3FFD];
	_ =	sdelay $0x3  }
0x96: {  	_ =	strace s2  }
0x97: {  	_ =	strace $0x8FFFFFFF  }
0x98: {  	s18 =	sld [smem:$0x3FDB];
	_ =	sdelay $0x1  }
0x99: {  	s19 =	simm.s32 $_scs_section_size  }
0x9a: {  	s4 =	simm.s32 $_size__tile_overlayer_lowered;
	s5 =	simm.s32 $_tile_overlayer_lowered  }
0x9b: {  	s22 =	simm.s32 $0x1BFF;
	s21 =	sshll.u32 s5, $0x1;
	s2 =	sadd.s32 s19, s18  }
0x9c: {  	s6 =	simm.s32 $0x0;
	s20 =	sshll.u32 s4, $0x1;
	s4 =	sadd.s32 s21, s2  }
0x9d: {  	[timem:s6], [sflag:s22] =	dma.local [hbm:s4], s20  }
0x9e: {  	_ =	swait.ge [sflag:s22], s20  }
0x9f: {  	s3 =	ssub.s32 $0x0, s20;
	[sflag:s22] =	ssyncset.done $0x0  }
0xa0: {  	[sflag:s22] =	ssyncadd.s32 s3;
	_ =	sdelay $0x1  }
0xa1: {  	s23 =	simm.s32 $0x1B8B  }
0xa2: {  	_ =	swait.ge [sflag:s23], $0x1  }
0xa3: {  	[sflag:s23] =	ssyncset.done $0x0  }
0xa4: {  	s25 =	simm.s32 $0x1B8E;
	s24 =	sld [smem:$0x3FFE];
	[sflag:s23] =	ssyncadd.s32 $0xFFFFFFFF  }
0xa5: {  	s26 =	simm.s32 $execute0_lowered;
	[smem:$0x3FD2] =	sst s25  }
0xa6: {  	s4 =	sshll.u32 s26, $0x1;
	_ =	strace $0x80000049;
	[dreg:$0x1] =	wrdreg $0xFFFFFFFF  }
0xa7: {  	s28 =	simm.s32 $_size_execute0_lowered;
	s2 =	sadd.s32 s2, s4;
	[dreg:$0x0] =	wrdreg $0x0  }
0xa8: {  	s4 =	sshll.u32 s28, $0x1;
	[dreg:$0x2] =	wrdreg s2  }
0xa9: {  	[dreg:$0x3] =	wrdreg s4  }
0xaa: {  	[dreg:$0x4] =	wrdreg $0xC0  }
0xab: {  	_ =	task [dreg:s6], $0x5FFFF  }
0xac: {  	[dreg:$0x1] =	wrdreg $0xFFFFFFFF  }
0xad: {  	[dreg:$0x0] =	wrdreg $0x60  }
0xae: {  	[dreg:$0x2] =	wrdreg s24  }
0xaf: {  	[dreg:$0x3] =	wrdreg $0x58000  }
0xb0: {  	[dreg:$0x4] =	wrdreg $0x9  }
0xb1: {  	_ =	task.clear_ibuf [dreg:s6], $0x5FFFF;
	_ =	strace $0x90000049  }
0xb2: {  	s29 =	simm.s32 $0x9;
	_ =	strace $0x8000004B  }
0xb3: {  	_ =	swait.ge [sflag:s29], $0x1  }
0xb4: {  	[sflag:s29] =	ssyncadd.s32 $0xFFFFFFFF  }
0xb5: {  	_ =	strace $0x9000004B  }
0xb6: {  	_ =	sfence  }
0xb7: {  	s30 =	sld [smem:$0x0];
	_ =	sdelay $0x2  }
0xb8: {  	s31 =	sshll.u32 s1, $0xD;
	s1 =	sshrl.u32 s1, $0x2  }
0xb9: {  	s3 =	sand.u32 $0x4000, s31;
	s1 =	sadd.s32 s1, s30  }
0xba: {  	s0 =	sor.u32 s3, s0;
	s1 =	sshll.u32 s1, $0x11  }
0xbb: {  	s0 =	sor.u32 s1, s0  }
0xbc: {  	s0 =	sadd.s32 $0x8F2B, s0  }
0xbd: {  	[sflag:s0] =	ssyncadd.remote.s32 $0x1  }
0xbe: {  	_ =	sfence.sel $0xFFFF  }
0xbf: {  	[dreg:$0x0] =	wrdreg $0xFFFFFFFF;
	(pc) =	sbr.abs _section_cstart, $3  }
0xc0: {  	[dreg:$0x1] =	wrdreg $0xFFFFFFFF  }
0xc1: {  	_ =	task.clear_ibuf [dreg:s6], $0x2FFFF;
	_ =	strace $0x9FFFFFFF  }
0xc2: {  	(tm) =	ssettm $0x7FFFFFFF  }
0xc3: {  	_ =	shalt  }
tec
execute0_lowered:
.L_overlay_start_1:
0x0: {  	(tag) =	ssettag $0x1  }
0x1: {  	s6 =	rddreg [dreg:$0x0]  }
0x2: {  	s2 =	rddreg [dreg:$0x1]  }
0x3: {  	s0 =	rddreg [dreg:$0x2];
	s3 =	simm.s32 $0x0  }
0x4: {  	s1 =	stileid.u32;
	s4 =	srdreg.scid;
	s14 =	simm.s32 $0x80  }
0x5: {  	s15 =	simm.s32 $0x3800;
	s16 =	simm.s32 $0x4800;
	s17 =	simm.s32 $0x1  }
0x6: {  	s18 =	simm.s32 $0x3;
	s19 =	simm.s32 $0x2;
	s20 =	simm.s32 $0x4  }
0x7: {  	s21 =	simm.s32 $0x3700;
	s22 =	simm.s32 $0x3780;
	[smem:$0x7FF] =	sst s3  }
0x8: {  	s7 =	smul.u32 $0x18700, s1;
	s5 =	sand.u32 $0x1, s4;
	s4 =	sadd.s32 $0x98A00, s6  }
0x9: {  	s31 =	sshll.u32 s1, $0x6;
	_ =	strace $0x8000004A;
	s8 =	smul.u32 $0x30E00, s5  }
0xa: {  	s9 =	ssub.s32 $0x2, s5;
	s5 =	sadd.s32 $0x4F200, s6;
	s23 =	sshrl.u32 s7, $0x3  }
0xb: {  	s10 =	sshrl.u32 s9, $0x1;
	s13 =	sadd.s32 s7, s2;
	s7 =	sor.u32 $0x1C05, s31  }
0xc: {  	s11 =	sadd.s32 s23, s6;
	s12 =	sadd.s32 s8, s6;
	s10 =	ssub.s32 s9, s10  }
0xd: {  	s8 =	smul.u32 $0x188, s1;
	s6 =	sadd.s32 $0x5400, s11;
	s9 =	sadd.s32 $0xB1200, s12  }
0xe: {  	s24 =	sadd.s32 $0x112E00, s12;
	s10 =	smax.u32 s10, $0x1;
	s11 =	sshrl.u32 s13, $0x3  }
0xf: {  	s12 =	simm.s32 $0x5;
	s13 =	simm.s32 $0x1C00;
	s23 =	sadd.s32 s23, s24  }
.LBB2_1:
0x10: {  	[spmem:s11], [sflag:s7] =	dma.local [hbm:s6], $0x30E0  }
0x11: {  	_ =	swait.ge [sflag:s12], $0x30E0  }
0x12: {  	[sflag:s12] =	ssyncset.done $0x0  }
0x13: {  	[sflag:s12] =	ssyncadd.s32 $0xFFFFCF20  }
0x14: {  	s24 =	simm.s32 $0x0;
	[bflag:$0x0] =	sbarrier.arrive $0xFFFF  }
.LBB2_2:
0x15: {  	s25 =	smul.u32 $0x38, s24;
	_ =	sdelay $0x1  }
0x16: {  	s25 =	sadd.s32 s8, s25  }
0x17: {  	s25 =	sshll.u32 s25, $0x4  }
0x18: {  	s28 =	simm.s32 $0x0;
	s26 =	sadd.s32 s4, s25  }
0x19: {  	[tilespmem:s28], [sflag:$0x5] =	stream.linear.gather [hbm4b:s26+s28], $0x1C00, $0x38;
	[tilespmem:$0x1DF00] =	vst v63  }
0x1a: {  	_ =	swait.ge [sflag:s12], $0x1C00  }
0x1b: {  	[sflag:s12] =	ssyncset.done $0x0  }
0x1c: {  	s25 =	sadd.s32 s5, s25;
	[sflag:s12] =	ssyncadd.s32 $0xFFFFE400  }
0x1d: {  	[tilespmem:s13], [sflag:$0x5] =	stream.linear.gather [hbm4b:s25+s28], $0x1C00, $0x38;
	[tilespmem:$0x1DF00] =	vst v63  }
0x1e: {  	_ =	swait.ge [sflag:s12], $0x1C00  }
0x1f: {  	[sflag:s12] =	ssyncset.done $0x0  }
0x20: {  	[sflag:s12] =	ssyncadd.s32 $0xFFFFE400  }
0x21: {  	[tilespmem:s15], [sflag:$0x1] =	stream.indirect.gather [hbm4b:s9+s14], $0x20, s28, s14, $0xb8;
	[tilespmem:$0x1DF00] =	vst v63  }
0x22: {  	_ = 	snop  }
0x23: {  	[tilespmem:s16], [sflag:$0x2] =	stream.indirect.gather [hbm4b:s9+s14], $0x20, s14, s14, $0xb8;
	[tilespmem:$0x1DF00] =	vst v63  }
0x24: {  	_ =	swait.ge [sflag:s17], $0x1000  }
0x25: {  	[sflag:s17] =	ssyncset.done $0x0  }
0x26: {  	s29 =	simm.s32 $0x1C00;
	[sflag:s17] =	ssyncadd.s32 $0xFFFFF000  }
0x27: {  	[spmem:s2] =	stream.indirect.scatter.add.f32 [tilespmem:s15], [sflag:$0x3], $0x20, s29, s14, $0xb8;
	[tilespmem:$0x1DF00] =	vst v63  }
0x28: {  	_ =	swait.ge [sflag:s18], $0x1000  }
0x29: {  	[sflag:s18] =	ssyncset.done $0x0  }
0x2a: {  	s30 =	simm.s32 $0x100;
	[sflag:s18] =	ssyncadd.s32 $0xFFFFF000  }
0x2b: {  	[tilespmem:s15], [sflag:$0x1] =	stream.indirect.gather [hbm4b:s9+s14], $0x20, s30, s14, $0xb8;
	[tilespmem:$0x1DF00] =	vst v63  }
0x2c: {  	_ =	swait.ge [sflag:s19], $0x1000  }
0x2d: {  	[sflag:s19] =	ssyncset.done $0x0  }
0x2e: {  	s31 =	simm.s32 $0x1C80;
	[sflag:s19] =	ssyncadd.s32 $0xFFFFF000  }
0x2f: {  	[spmem:s2] =	stream.indirect.scatter.add.f32 [tilespmem:s16], [sflag:$0x4], $0x20, s31, s14, $0xb8;
	[tilespmem:$0x1DF00] =	vst v63  }
0x30: {  	_ =	swait.ge [sflag:s20], $0x1000  }
0x31: {  	[sflag:s20] =	ssyncset.done $0x0  }
0x32: {  	s26 =	simm.s32 $0x180;
	s25 =	simm.s32 $0x400;
	[sflag:s20] =	ssyncadd.s32 $0xFFFFF000  }
.LBB2_3:
0x33: {  	[tilespmem:s16], [sflag:$0x2] =	stream.indirect.gather [hbm4b:s9+s14], $0x20, s26, s14, $0xb8;
	[tilespmem:$0x1DF00] =	vst v63  }
0x34: {  	s26 =	smov.u32 s25  }
0x35: {  	p0 =	sne.s32 s25, $0x6800;
	s25 =	sadd.s32 $0x400, s25;
	_ =	swait.ge [sflag:s17], $0x1000  }
0x36: {  	s26 =	sshra.s32 s26, $0x2;
	[sflag:s17] =	ssyncset.done $0x0  }
0x37: {  	s28 =	sadd.s32 $0x1C00, s26;
	[sflag:s17] =	ssyncadd.s32 $0xFFFFF000  }
0x38: {  	[spmem:s2] =	stream.indirect.scatter.add.f32 [tilespmem:s15], [sflag:$0x3], $0x20, s28, s14, $0xb8;
	[tilespmem:$0x1DF00] =	vst v63  }
0x39: {  	_ =	swait.ge [sflag:s18], $0x1000  }
0x3a: {  	[sflag:s18] =	ssyncset.done $0x0  }
0x3b: {  	s28 =	sadd.s32 $0x100, s26;
	[sflag:s18] =	ssyncadd.s32 $0xFFFFF000  }
0x3c: {  	[tilespmem:s15], [sflag:$0x1] =	stream.indirect.gather [hbm4b:s9+s14], $0x20, s28, s14, $0xb8;
	[tilespmem:$0x1DF00] =	vst v63  }
0x3d: {  	_ =	swait.ge [sflag:s19], $0x1000  }
0x3e: {  	[sflag:s19] =	ssyncset.done $0x0  }
.Ltmp0:
0x3f: {  	s28 =	sadd.s32 $0x1C80, s26;
	[sflag:s19] =	ssyncadd.s32 $0xFFFFF000;
	(pc) =	sbr.rel @p0 .LBB2_3-.Ltmp0, $4  }
0x40: {  	[spmem:s2] =	stream.indirect.scatter.add.f32 [tilespmem:s16], [sflag:$0x4], $0x20, s28, s14, $0xb8;
	[tilespmem:$0x1DF00] =	vst v63  }
0x41: {  	_ =	swait.ge [sflag:s20], $0x1000  }
0x42: {  	[sflag:s20] =	ssyncset.done $0x0  }
0x43: {  	s26 =	sadd.s32 $0x180, s26;
	[sflag:s20] =	ssyncadd.s32 $0xFFFFF000  }
0x44: {  	[tilespmem:s16], [sflag:$0x2] =	stream.indirect.gather [hbm4b:s9+s14], $0x20, s26, s14, $0xb8;
	[tilespmem:$0x1DF00] =	vst v63  }
0x45: {  	_ =	swait.ge [sflag:s17], $0x1000  }
0x46: {  	[sflag:s17] =	ssyncset.done $0x0  }
0x47: {  	[sflag:s17] =	ssyncadd.s32 $0xFFFFF000  }
0x48: {  	[spmem:s2] =	stream.indirect.scatter.add.f32 [tilespmem:s15], [sflag:$0x3], $0x20, s21, s14, $0xb8;
	[tilespmem:$0x1DF00] =	vst v63  }
0x49: {  	_ =	swait.ge [sflag:s18], $0x1000  }
0x4a: {  	[sflag:s18] =	ssyncset.done $0x0  }
0x4b: {  	[sflag:s18] =	ssyncadd.s32 $0xFFFFF000  }
0x4c: {  	s24 =	sadd.s32 $0x1, s24;
	_ =	swait.ge [sflag:s19], $0x1000  }
0x4d: {  	p0 =	sne.s32 s24, $0x7;
	[sflag:s19] =	ssyncset.done $0x0  }
.Ltmp1:
0x4e: {  	[sflag:s19] =	ssyncadd.s32 $0xFFFFF000;
	(pc) =	sbr.rel @p0 .LBB2_2-.Ltmp1, $4  }
0x4f: {  	[spmem:s2] =	stream.indirect.scatter.add.f32 [tilespmem:s16], [sflag:$0x4], $0x20, s22, s14, $0xb8;
	[tilespmem:$0x1DF00] =	vst v63  }
0x50: {  	_ =	swait.ge [sflag:s20], $0x1000  }
0x51: {  	[sflag:s20] =	ssyncset.done $0x0  }
0x52: {  	[sflag:s20] =	ssyncadd.s32 $0xFFFFF000  }
0x53: {  	s3 =	sadd.s32 $0x1, s3  }
0x54: {  	p0 =	sne.s32 s3, s10  }
.Ltmp2:
0x55: {  	[bflag:$0x0] =	sbarrier.arrive $0xFFFF;
	(pc) =	sbr.rel @p0 .LBB2_1-.Ltmp2, $4  }
0x56: {  	[hbm:s23], [sflag:s7] =	dma.local [spmem:s11], $0x30E0  }
0x57: {  	_ =	swait.ge [sflag:s12], $0x30E0  }
0x58: {  	[sflag:s12] =	ssyncset.done $0x0  }
0x59: {  	[sflag:s12] =	ssyncadd.s32 $0xFFFFCF20  }
0x5a: {  	_ =	sfence.sel $0x180000  }
0x5b: {  	[bflag:$0x0] =	sbarrier.arrive $0xFFFF  }
0x5c: {  	p0 =	sne.s32 s1, $0x0;
	_ =	strace $0x9000004A  }
0x5d: {  	s0 =	sadd.s32 @!p0 $0x100000, s0;
	[bflag:$0x2] =	sbarrier.arrive $0xFFFF  }
0x5e: {  	[sflag:s0] =	ssyncadd.tile.s32 @!p0 $0x1;
	_ =	shalt  }
.Lfunc_end2:
_tile_overlayer_lowered:
.L_overlay_start_2:
0x5f: {  	(tag) =	ssettag $0x2  }
0x60: {  	s0 =	rddreg [dreg:$0x0];
	s2 =	stileid.u32  }
0x61: {  	s1 =	rddreg [dreg:$0x1];
	p0 =	sne.s32 s2, $0x0  }
0x62: {  	s3 =	rddreg [dreg:$0x2];
	[bflag:$0x3] =	sbarrier.arrive $0xFFFF;
	s2 =	simm.s32 @!p0 $0x1C05  }
0x63: {  	[timem:s3], [sflag:s2] =	dma.local @!p0 [hbm:s0], s1  }
0x64: {  	s0 =	simm.s32 @!p0 $0x5  }
0x65: {  	_ =	swait.ge @!p0 [sflag:s0], s1  }
0x66: {  	s1 =	ssub.s32 @!p0 $0x0, s1;
	[sflag:s0] =	ssyncset.done @!p0 $0x0  }
0x67: {  	[sflag:s0] =	ssyncadd.s32 @!p0 s1  }
0x68: {  	[bflag:$0x3] =	sbarrier.arrive $0xFFFF  }
0x69: {  	_ =	shalt  }

// kernel: kernel.18.cloned.1.call-start
scs
__scs_entry_jumppad:
0x0: {  	(pc) =	sbr.rel $0x88, $3  }
0x1: {  	(tag) =	ssettag $0x0;
	lr =	simm.s32 $0x1  }
0x2: {  	[smem:$0x3F93] =	sst lr;
	_ =	strace $0xD0000000  }
0x3: {  	_ = 	snop  }
0x4: {  	_ = 	snop  }
0x5: {  	_ = 	snop  }
0x6: {  	_ = 	snop  }
0x7: {  	_ = 	snop  }
__scs_overlays_trampoline_lowered:
0x8: {  	[smem:$0x3FA2] =	sst s0  }
0x9: {  	[smem:$0x3FA3] =	sst s1  }
0xa: {  	[smem:$0x3FA4] =	sst s2  }
0xb: {  	[smem:$0x3FA5] =	sst s3  }
0xc: {  	[smem:$0x3FA6] =	sst s4  }
0xd: {  	[smem:$0x3FA7] =	sst s5  }
0xe: {  	[smem:$0x3FA8] =	sst s6  }
0xf: {  	[smem:$0x3FA9] =	sst s7  }
0x10: {  	[smem:$0x3FAA] =	sst s8  }
0x11: {  	[smem:$0x3FAB] =	sst s9;
	s0 =	simm.s32 @!p0 $0x0  }
0x12: {  	s1 =	sld [smem:$0x3F91];
	s0 =	simm.s32 @p0 $0x1  }
0x13: {  	[smem:$0x3FAC] =	sst s0;
	s0 =	simm.s32 @!p1 $0x0  }
0x14: {  	s2 =	sld [smem:$0x3F90];
	s0 =	simm.s32 @p1 $0x1  }
0x15: {  	[smem:$0x3FAD] =	sst s0;
	s0 =	simm.s32 @!p2 $0x0  }
0x16: {  	s3 =	sld [smem:$0x3FDB];
	s0 =	simm.s32 @p2 $0x1  }
0x17: {  	s4 =	simm.s32 $0x1BF5;
	[smem:$0x3FAF] =	sst s0  }
0x18: {  	s0 =	sld [smem:$0x3F92];
	_ =	swait.ge [sflag:s4], $0x0  }
0x19: {  	s7 =	sld [smem:$0x3F93]  }
0x1a: {  	s8 =	sadd.s32 $0xFFFFE003, lr  }
0x1b: {  	s9 =	sadd.s32 $0xFFFFFEF7, lr;
	s5 =	simm.s32 $0xFFFFFFFF;
	p2 =	slt.u32 s8, $0xFFFFF086  }
0x1c: {  	p1 =	slt.u32 s9, $0xF7A;
	s5 =	simm.s32 @!p2 $0x0  }
0x1d: {  	s5 =	simm.s32 @p1 $0x1;
	p0 =	seq.s32 s7, s2  }
0x1e: {  	s7 =	smul.u32 @!p0 $0xF7A, s2;
	p2 =	seq.s32 @!p0 s5, $0x0  }
0x1f: {  	s9 =	smul.u32 $0xF7A, s1;
	s8 =	simm.s32 @!p0 $0x1BF5;
	p2 =	por !p2, p0  }
0x20: {  	[sflag:s8] =	ssyncset.s32 @!p0 $0xFFFFF086;
	s6 =	sadd.s32 @!p0 s3, s7;
	s7 =	simm.s32 @!p0 $0x108  }
0x21: {  	s3 =	sadd.s32 s3, s9;
	s6 =	sadd.s32 @!p0 $0x88, s6;
	s7 =	simm.s32 @p2 $0x1082  }
0x22: {  	[simem:s7], [sflag:s8] =	dma.local @!p0 [hbm:s6], $0xF7A  }
0x23: {  	s9 =	sor.u32 $0xD0000000, s2;
	s6 =	simm.s32 $0x108;
	_ =	swait.ge @!p0 [sflag:s8], $0x0  }
0x24: {  	s3 =	sadd.s32 $0x88, s3;
	s6 =	simm.s32 @!p1 $0x1082;
	[sflag:s4] =	ssyncset.s32 $0xFFFFF086  }
0x25: {  	[simem:s6], [sflag:s4] =	dma.local [hbm:s3], $0xF7A  }
0x26: {  	[smem:$0x3F93] =	sst s1;
	(tag) =	ssettag s2;
	_ =	strace s9  }
0x27: {  	s1 =	sld [smem:$0x3FA3]  }
0x28: {  	s2 =	sld [smem:$0x3FA4]  }
0x29: {  	s4 =	sld [smem:$0x3FA6]  }
0x2a: {  	p0 =	seq.s32 s5, $0x0;
	s5 =	sld [smem:$0x3FA7]  }
0x2b: {  	s6 =	sld [smem:$0x3FA8]  }
0x2c: {  	s7 =	sld [smem:$0x3FA9]  }
0x2d: {  	s3 =	simm.s32 $0x108;
	s8 =	sld [smem:$0x3FAA]  }
0x2e: {  	s3 =	simm.s32 @!p0 $0x1082;
	s9 =	sld [smem:$0x3FAB]  }
0x2f: {  	lr =	sadd.s32 s0, s3;
	s0 =	sld [smem:$0x3FA2]  }
0x30: {  	s3 =	sld [smem:$0x3FA5]  }
0x31: {  	[smem:$0x3FAE] =	sst s10  }
0x32: {  	s10 =	sld [smem:$0x3FAC];
	_ =	sdelay $0x3  }
0x33: {  	p0 =	seq.s32 s10, $0x1;
	s10 =	sld [smem:$0x3FAE];
	_ =	sdelay $0x3  }
0x34: {  	[smem:$0x3FAE] =	sst s10  }
0x35: {  	s10 =	sld [smem:$0x3FAD];
	_ =	sdelay $0x3  }
0x36: {  	p1 =	seq.s32 s10, $0x1;
	s10 =	sld [smem:$0x3FAE];
	_ =	sdelay $0x3  }
0x37: {  	[smem:$0x3FAE] =	sst s10  }
0x38: {  	s10 =	sld [smem:$0x3FAF]  }
0x39: {  	_ = 	snop;
	(pc) =	sbr.ind lr, $3  }
0x3a: {  	_ = 	snop  }
0x3b: {  	_ = 	snop  }
0x3c: {  	p2 =	seq.s32 s10, $0x1;
	s10 =	sld [smem:$0x3FAE]  }
0x3d: {  	_ =	shalt  }
0x3e: {  	_ =	shalt  }
0x3f: {  	_ =	shalt  }
0x40: {  	_ =	shalt  }
0x41: {  	_ =	shalt  }
0x42: {  	_ =	shalt  }
0x43: {  	_ =	shalt  }
0x44: {  	_ =	shalt  }
0x45: {  	_ =	shalt  }
0x46: {  	_ =	shalt  }
0x47: {  	_ =	shalt  }
0x48: {  	_ =	shalt  }
0x49: {  	_ =	shalt  }
0x4a: {  	_ =	shalt  }
0x4b: {  	_ =	shalt  }
0x4c: {  	_ =	shalt  }
0x4d: {  	_ =	shalt  }
0x4e: {  	_ =	shalt  }
0x4f: {  	_ =	shalt  }
0x50: {  	_ =	shalt  }
0x51: {  	_ =	shalt  }
0x52: {  	_ =	shalt  }
0x53: {  	_ =	shalt  }
0x54: {  	_ =	shalt  }
0x55: {  	_ =	shalt  }
0x56: {  	_ =	shalt  }
0x57: {  	_ =	shalt  }
0x58: {  	_ =	shalt  }
0x59: {  	_ =	shalt  }
0x5a: {  	_ =	shalt  }
0x5b: {  	_ =	shalt  }
0x5c: {  	_ =	shalt  }
0x5d: {  	_ =	shalt  }
0x5e: {  	_ =	shalt  }
0x5f: {  	_ =	shalt  }
0x60: {  	_ =	shalt  }
0x61: {  	_ =	shalt  }
0x62: {  	_ =	shalt  }
0x63: {  	_ =	shalt  }
0x64: {  	_ =	shalt  }
0x65: {  	_ =	shalt  }
0x66: {  	_ =	shalt  }
0x67: {  	_ =	shalt  }
0x68: {  	_ =	shalt  }
0x69: {  	_ =	shalt  }
0x6a: {  	_ =	shalt  }
0x6b: {  	_ =	shalt  }
0x6c: {  	_ =	shalt  }
0x6d: {  	_ =	shalt  }
0x6e: {  	_ =	shalt  }
0x6f: {  	_ =	shalt  }
0x70: {  	_ =	shalt  }
0x71: {  	_ =	shalt  }
0x72: {  	_ =	shalt  }
0x73: {  	_ =	shalt  }
0x74: {  	_ =	shalt  }
0x75: {  	_ =	shalt  }
0x76: {  	_ =	shalt  }
0x77: {  	_ =	shalt  }
0x78: {  	_ =	shalt  }
0x79: {  	_ =	shalt  }
0x7a: {  	_ =	shalt  }
0x7b: {  	_ =	shalt  }
0x7c: {  	_ =	shalt  }
0x7d: {  	_ =	shalt  }
0x7e: {  	_ =	shalt  }
0x7f: {  	_ =	shalt  }
0x80: {  	_ =	shalt  }
0x81: {  	_ =	shalt  }
0x82: {  	_ =	shalt  }
0x83: {  	_ =	shalt  }
0x84: {  	_ =	shalt  }
0x85: {  	_ =	shalt  }
0x86: {  	_ =	shalt  }
0x87: {  	_ =	shalt  }
.Lfunc_end0:
.L_simem_size_0:
called_computation.2_lowered:
.L_overlay_start_0:
0x88: {  	s2 =	sld [smem:$0x3FD9]  }
0x89: {  	s3 =	sld [smem:$0x3FFE];
	_ =	sdelay $0x1  }
0x8a: {  	s1 =	srdreg.scid  }
0x8b: {  	s0 =	sand.u32 $0x1, s1  }
0x8c: {  	s16 =	sshll.u32 s0, $0xA;
	s2 =	sadd.s32 s3, s2  }
0x8d: {  	s2 =	sadd.s32 s2, s16  }
0x8e: {  	[smem:$0x3FBA] =	sst s2  }
0x8f: {  	_ = 	snop  }
0x90: {  	(tm) =	ssettm $0x1  }
0x91: {  	s17 =	sld [smem:$0x3FFB];
	_ =	sdelay $0x3  }
0x92: {  	_ =	strace s17  }
0x93: {  	s2 =	sld [smem:$0x3FFC];
	_ =	sdelay $0x3  }
0x94: {  	_ =	strace s2  }
0x95: {  	s2 =	sld [smem:$0x3FFD];
	_ =	sdelay $0x3  }
0x96: {  	_ =	strace s2  }
0x97: {  	_ =	strace $0x8FFFFFFF  }
0x98: {  	s18 =	sld [smem:$0x3FDB];
	_ =	sdelay $0x1  }
0x99: {  	s19 =	simm.s32 $_scs_section_size  }
0x9a: {  	s4 =	simm.s32 $_size__tile_overlayer_lowered;
	s5 =	simm.s32 $_tile_overlayer_lowered  }
0x9b: {  	s22 =	simm.s32 $0x1BFF;
	s21 =	sshll.u32 s5, $0x1;
	s2 =	sadd.s32 s19, s18  }
0x9c: {  	s6 =	simm.s32 $0x0;
	s20 =	sshll.u32 s4, $0x1;
	s4 =	sadd.s32 s21, s2  }
0x9d: {  	[timem:s6], [sflag:s22] =	dma.local [hbm:s4], s20  }
0x9e: {  	_ =	swait.ge [sflag:s22], s20  }
0x9f: {  	s3 =	ssub.s32 $0x0, s20;
	[sflag:s22] =	ssyncset.done $0x0  }
0xa0: {  	[sflag:s22] =	ssyncadd.s32 s3;
	_ =	sdelay $0x1  }
0xa1: {  	s23 =	simm.s32 $0x1B8B  }
0xa2: {  	_ =	swait.ge [sflag:s23], $0x1  }
0xa3: {  	[sflag:s23] =	ssyncset.done $0x0  }
0xa4: {  	s25 =	simm.s32 $0x1B8E;
	s24 =	sld [smem:$0x3FFE];
	[sflag:s23] =	ssyncadd.s32 $0xFFFFFFFF  }
0xa5: {  	s26 =	simm.s32 $execute0_lowered;
	[smem:$0x3FD2] =	sst s25  }
0xa6: {  	s4 =	sshll.u32 s26, $0x1;
	_ =	strace $0x8000004C;
	[dreg:$0x1] =	wrdreg $0xFFFFFFFF  }
0xa7: {  	s28 =	simm.s32 $_size_execute0_lowered;
	s2 =	sadd.s32 s2, s4;
	[dreg:$0x0] =	wrdreg $0x0  }
0xa8: {  	s4 =	sshll.u32 s28, $0x1;
	[dreg:$0x2] =	wrdreg s2  }
0xa9: {  	[dreg:$0x3] =	wrdreg s4  }
0xaa: {  	[dreg:$0x4] =	wrdreg $0xC0  }
0xab: {  	_ =	task [dreg:s6], $0x5FFFF  }
0xac: {  	[dreg:$0x1] =	wrdreg $0xFFFFFFFF  }
0xad: {  	[dreg:$0x0] =	wrdreg $0x60  }
0xae: {  	[dreg:$0x2] =	wrdreg s24  }
0xaf: {  	[dreg:$0x3] =	wrdreg $0x58000  }
0xb0: {  	[dreg:$0x4] =	wrdreg $0x9  }
0xb1: {  	_ =	task.clear_ibuf [dreg:s6], $0x5FFFF;
	_ =	strace $0x9000004C  }
0xb2: {  	s29 =	simm.s32 $0x9;
	_ =	strace $0x8000004E  }
0xb3: {  	_ =	swait.ge [sflag:s29], $0x1  }
0xb4: {  	[sflag:s29] =	ssyncadd.s32 $0xFFFFFFFF  }
0xb5: {  	_ =	strace $0x9000004E  }
0xb6: {  	_ =	sfence  }
0xb7: {  	s30 =	sld [smem:$0x0];
	_ =	sdelay $0x2  }
0xb8: {  	s31 =	sshll.u32 s1, $0xD;
	s1 =	sshrl.u32 s1, $0x2  }
0xb9: {  	s3 =	sand.u32 $0x4000, s31;
	s1 =	sadd.s32 s1, s30  }
0xba: {  	s0 =	sor.u32 s3, s0;
	s1 =	sshll.u32 s1, $0x11  }
0xbb: {  	s0 =	sor.u32 s1, s0  }
0xbc: {  	s0 =	sadd.s32 $0x8F2B, s0  }
0xbd: {  	[sflag:s0] =	ssyncadd.remote.s32 $0x1  }
0xbe: {  	_ =	sfence.sel $0xFFFF  }
0xbf: {  	[dreg:$0x0] =	wrdreg $0xFFFFFFFF;
	(pc) =	sbr.abs _section_cstart, $3  }
0xc0: {  	[dreg:$0x1] =	wrdreg $0xFFFFFFFF  }
0xc1: {  	_ =	task.clear_ibuf [dreg:s6], $0x2FFFF;
	_ =	strace $0x9FFFFFFF  }
0xc2: {  	(tm) =	ssettm $0x7FFFFFFF  }
0xc3: {  	_ =	shalt  }
tec
execute0_lowered:
.L_overlay_start_1:
0x0: {  	(tag) =	ssettag $0x1  }
0x1: {  	s6 =	rddreg [dreg:$0x0]  }
0x2: {  	s2 =	rddreg [dreg:$0x1]  }
0x3: {  	s0 =	rddreg [dreg:$0x2];
	s3 =	simm.s32 $0x0  }
0x4: {  	s1 =	stileid.u32;
	s4 =	srdreg.scid;
	s14 =	simm.s32 $0x80  }
0x5: {  	s15 =	simm.s32 $0x3800;
	s16 =	simm.s32 $0x4800;
	s17 =	simm.s32 $0x1  }
0x6: {  	s18 =	simm.s32 $0x3;
	s19 =	simm.s32 $0x2;
	s20 =	simm.s32 $0x4  }
0x7: {  	s21 =	simm.s32 $0x3700;
	s22 =	simm.s32 $0x3780;
	[smem:$0x7FF] =	sst s3  }
0x8: {  	s7 =	smul.u32 $0x18700, s1;
	s5 =	sand.u32 $0x1, s4;
	s4 =	sadd.s32 $0x98A00, s6  }
0x9: {  	s31 =	sshll.u32 s1, $0x6;
	_ =	strace $0x8000004D;
	s8 =	smul.u32 $0x30E00, s5  }
0xa: {  	s9 =	ssub.s32 $0x2, s5;
	s5 =	sadd.s32 $0x4F200, s6;
	s23 =	sshrl.u32 s7, $0x3  }
0xb: {  	s10 =	sshrl.u32 s9, $0x1;
	s13 =	sadd.s32 s7, s2;
	s7 =	sor.u32 $0x1C05, s31  }
0xc: {  	s11 =	sadd.s32 s23, s6;
	s12 =	sadd.s32 s8, s6;
	s10 =	ssub.s32 s9, s10  }
0xd: {  	s8 =	smul.u32 $0x188, s1;
	s6 =	sadd.s32 $0x5400, s11;
	s9 =	sadd.s32 $0xB1200, s12  }
0xe: {  	s24 =	sadd.s32 $0x112E00, s12;
	s10 =	smax.u32 s10, $0x1;
	s11 =	sshrl.u32 s13, $0x3  }
0xf: {  	s12 =	simm.s32 $0x5;
	s13 =	simm.s32 $0x1C00;
	s23 =	sadd.s32 s23, s24  }
.LBB2_1:
0x10: {  	[spmem:s11], [sflag:s7] =	dma.local [hbm:s6], $0x30E0  }
0x11: {  	_ =	swait.ge [sflag:s12], $0x30E0  }
0x12: {  	[sflag:s12] =	ssyncset.done $0x0  }
0x13: {  	[sflag:s12] =	ssyncadd.s32 $0xFFFFCF20  }
0x14: {  	s24 =	simm.s32 $0x0;
	[bflag:$0x0] =	sbarrier.arrive $0xFFFF  }
.LBB2_2:
0x15: {  	s25 =	smul.u32 $0x38, s24;
	_ =	sdelay $0x1  }
0x16: {  	s25 =	sadd.s32 s8, s25  }
0x17: {  	s25 =	sshll.u32 s25, $0x4  }
0x18: {  	s28 =	simm.s32 $0x0;
	s26 =	sadd.s32 s4, s25  }
0x19: {  	[tilespmem:s28], [sflag:$0x5] =	stream.linear.gather [hbm4b:s26+s28], $0x1C00, $0x38;
	[tilespmem:$0x1DF00] =	vst v63  }
0x1a: {  	_ =	swait.ge [sflag:s12], $0x1C00  }
0x1b: {  	[sflag:s12] =	ssyncset.done $0x0  }
0x1c: {  	s25 =	sadd.s32 s5, s25;
	[sflag:s12] =	ssyncadd.s32 $0xFFFFE400  }
0x1d: {  	[tilespmem:s13], [sflag:$0x5] =	stream.linear.gather [hbm4b:s25+s28], $0x1C00, $0x38;
	[tilespmem:$0x1DF00] =	vst v63  }
0x1e: {  	_ =	swait.ge [sflag:s12], $0x1C00  }
0x1f: {  	[sflag:s12] =	ssyncset.done $0x0  }
0x20: {  	[sflag:s12] =	ssyncadd.s32 $0xFFFFE400  }
0x21: {  	[tilespmem:s15], [sflag:$0x1] =	stream.indirect.gather [hbm4b:s9+s14], $0x20, s28, s14, $0xb8;
	[tilespmem:$0x1DF00] =	vst v63  }
0x22: {  	_ = 	snop  }
0x23: {  	[tilespmem:s16], [sflag:$0x2] =	stream.indirect.gather [hbm4b:s9+s14], $0x20, s14, s14, $0xb8;
	[tilespmem:$0x1DF00] =	vst v63  }
0x24: {  	_ =	swait.ge [sflag:s17], $0x1000  }
0x25: {  	[sflag:s17] =	ssyncset.done $0x0  }
0x26: {  	s29 =	simm.s32 $0x1C00;
	[sflag:s17] =	ssyncadd.s32 $0xFFFFF000  }
0x27: {  	[spmem:s2] =	stream.indirect.scatter.add.f32 [tilespmem:s15], [sflag:$0x3], $0x20, s29, s14, $0xb8;
	[tilespmem:$0x1DF00] =	vst v63  }
0x28: {  	_ =	swait.ge [sflag:s18], $0x1000  }
0x29: {  	[sflag:s18] =	ssyncset.done $0x0  }
0x2a: {  	s30 =	simm.s32 $0x100;
	[sflag:s18] =	ssyncadd.s32 $0xFFFFF000  }
0x2b: {  	[tilespmem:s15], [sflag:$0x1] =	stream.indirect.gather [hbm4b:s9+s14], $0x20, s30, s14, $0xb8;
	[tilespmem:$0x1DF00] =	vst v63  }
0x2c: {  	_ =	swait.ge [sflag:s19], $0x1000  }
0x2d: {  	[sflag:s19] =	ssyncset.done $0x0  }
0x2e: {  	s31 =	simm.s32 $0x1C80;
	[sflag:s19] =	ssyncadd.s32 $0xFFFFF000  }
0x2f: {  	[spmem:s2] =	stream.indirect.scatter.add.f32 [tilespmem:s16], [sflag:$0x4], $0x20, s31, s14, $0xb8;
	[tilespmem:$0x1DF00] =	vst v63  }
0x30: {  	_ =	swait.ge [sflag:s20], $0x1000  }
0x31: {  	[sflag:s20] =	ssyncset.done $0x0  }
0x32: {  	s26 =	simm.s32 $0x180;
	s25 =	simm.s32 $0x400;
	[sflag:s20] =	ssyncadd.s32 $0xFFFFF000  }
.LBB2_3:
0x33: {  	[tilespmem:s16], [sflag:$0x2] =	stream.indirect.gather [hbm4b:s9+s14], $0x20, s26, s14, $0xb8;
	[tilespmem:$0x1DF00] =	vst v63  }
0x34: {  	s26 =	smov.u32 s25  }
0x35: {  	p0 =	sne.s32 s25, $0x6800;
	s25 =	sadd.s32 $0x400, s25;
	_ =	swait.ge [sflag:s17], $0x1000  }
0x36: {  	s26 =	sshra.s32 s26, $0x2;
	[sflag:s17] =	ssyncset.done $0x0  }
0x37: {  	s28 =	sadd.s32 $0x1C00, s26;
	[sflag:s17] =	ssyncadd.s32 $0xFFFFF000  }
0x38: {  	[spmem:s2] =	stream.indirect.scatter.add.f32 [tilespmem:s15], [sflag:$0x3], $0x20, s28, s14, $0xb8;
	[tilespmem:$0x1DF00] =	vst v63  }
0x39: {  	_ =	swait.ge [sflag:s18], $0x1000  }
0x3a: {  	[sflag:s18] =	ssyncset.done $0x0  }
0x3b: {  	s28 =	sadd.s32 $0x100, s26;
	[sflag:s18] =	ssyncadd.s32 $0xFFFFF000  }
0x3c: {  	[tilespmem:s15], [sflag:$0x1] =	stream.indirect.gather [hbm4b:s9+s14], $0x20, s28, s14, $0xb8;
	[tilespmem:$0x1DF00] =	vst v63  }
0x3d: {  	_ =	swait.ge [sflag:s19], $0x1000  }
0x3e: {  	[sflag:s19] =	ssyncset.done $0x0  }
.Ltmp0:
0x3f: {  	s28 =	sadd.s32 $0x1C80, s26;
	[sflag:s19] =	ssyncadd.s32 $0xFFFFF000;
	(pc) =	sbr.rel @p0 .LBB2_3-.Ltmp0, $4  }
0x40: {  	[spmem:s2] =	stream.indirect.scatter.add.f32 [tilespmem:s16], [sflag:$0x4], $0x20, s28, s14, $0xb8;
	[tilespmem:$0x1DF00] =	vst v63  }
0x41: {  	_ =	swait.ge [sflag:s20], $0x1000  }
0x42: {  	[sflag:s20] =	ssyncset.done $0x0  }
0x43: {  	s26 =	sadd.s32 $0x180, s26;
	[sflag:s20] =	ssyncadd.s32 $0xFFFFF000  }
0x44: {  	[tilespmem:s16], [sflag:$0x2] =	stream.indirect.gather [hbm4b:s9+s14], $0x20, s26, s14, $0xb8;
	[tilespmem:$0x1DF00] =	vst v63  }
0x45: {  	_ =	swait.ge [sflag:s17], $0x1000  }
0x46: {  	[sflag:s17] =	ssyncset.done $0x0  }
0x47: {  	[sflag:s17] =	ssyncadd.s32 $0xFFFFF000  }
0x48: {  	[spmem:s2] =	stream.indirect.scatter.add.f32 [tilespmem:s15], [sflag:$0x3], $0x20, s21, s14, $0xb8;
	[tilespmem:$0x1DF00] =	vst v63  }
0x49: {  	_ =	swait.ge [sflag:s18], $0x1000  }
0x4a: {  	[sflag:s18] =	ssyncset.done $0x0  }
0x4b: {  	[sflag:s18] =	ssyncadd.s32 $0xFFFFF000  }
0x4c: {  	s24 =	sadd.s32 $0x1, s24;
	_ =	swait.ge [sflag:s19], $0x1000  }
0x4d: {  	p0 =	sne.s32 s24, $0x7;
	[sflag:s19] =	ssyncset.done $0x0  }
.Ltmp1:
0x4e: {  	[sflag:s19] =	ssyncadd.s32 $0xFFFFF000;
	(pc) =	sbr.rel @p0 .LBB2_2-.Ltmp1, $4  }
0x4f: {  	[spmem:s2] =	stream.indirect.scatter.add.f32 [tilespmem:s16], [sflag:$0x4], $0x20, s22, s14, $0xb8;
	[tilespmem:$0x1DF00] =	vst v63  }
0x50: {  	_ =	swait.ge [sflag:s20], $0x1000  }
0x51: {  	[sflag:s20] =	ssyncset.done $0x0  }
0x52: {  	[sflag:s20] =	ssyncadd.s32 $0xFFFFF000  }
0x53: {  	s3 =	sadd.s32 $0x1, s3  }
0x54: {  	p0 =	sne.s32 s3, s10  }
.Ltmp2:
0x55: {  	[bflag:$0x0] =	sbarrier.arrive $0xFFFF;
	(pc) =	sbr.rel @p0 .LBB2_1-.Ltmp2, $4  }
0x56: {  	[hbm:s23], [sflag:s7] =	dma.local [spmem:s11], $0x30E0  }
0x57: {  	_ =	swait.ge [sflag:s12], $0x30E0  }
0x58: {  	[sflag:s12] =	ssyncset.done $0x0  }
0x59: {  	[sflag:s12] =	ssyncadd.s32 $0xFFFFCF20  }
0x5a: {  	_ =	sfence.sel $0x180000  }
0x5b: {  	[bflag:$0x0] =	sbarrier.arrive $0xFFFF  }
0x5c: {  	p0 =	sne.s32 s1, $0x0;
	_ =	strace $0x9000004D  }
0x5d: {  	s0 =	sadd.s32 @!p0 $0x100000, s0;
	[bflag:$0x2] =	sbarrier.arrive $0xFFFF  }
0x5e: {  	[sflag:s0] =	ssyncadd.tile.s32 @!p0 $0x1;
	_ =	shalt  }
.Lfunc_end2:
_tile_overlayer_lowered:
.L_overlay_start_2:
0x5f: {  	(tag) =	ssettag $0x2  }
0x60: {  	s0 =	rddreg [dreg:$0x0];
	s2 =	stileid.u32  }
0x61: {  	s1 =	rddreg [dreg:$0x1];
	p0 =	sne.s32 s2, $0x0  }
0x62: {  	s3 =	rddreg [dreg:$0x2];
	[bflag:$0x3] =	sbarrier.arrive $0xFFFF;
	s2 =	simm.s32 @!p0 $0x1C05  }
0x63: {  	[timem:s3], [sflag:s2] =	dma.local @!p0 [hbm:s0], s1  }
0x64: {  	s0 =	simm.s32 @!p0 $0x5  }
0x65: {  	_ =	swait.ge @!p0 [sflag:s0], s1  }
0x66: {  	s1 =	ssub.s32 @!p0 $0x0, s1;
	[sflag:s0] =	ssyncset.done @!p0 $0x0  }
0x67: {  	[sflag:s0] =	ssyncadd.s32 @!p0 s1  }
0x68: {  	[bflag:$0x3] =	sbarrier.arrive $0xFFFF  }
0x69: {  	_ =	shalt  }

// kernel: kernel.21.cloned.1.call-start
scs
__scs_entry_jumppad:
0x0: {  	(pc) =	sbr.rel $0x88, $3  }
0x1: {  	(tag) =	ssettag $0x0;
	lr =	simm.s32 $0x1  }
0x2: {  	[smem:$0x3F93] =	sst lr;
	_ =	strace $0xD0000000  }
0x3: {  	_ = 	snop  }
0x4: {  	_ = 	snop  }
0x5: {  	_ = 	snop  }
0x6: {  	_ = 	snop  }
0x7: {  	_ = 	snop  }
__scs_overlays_trampoline_lowered:
0x8: {  	[smem:$0x3FA2] =	sst s0  }
0x9: {  	[smem:$0x3FA3] =	sst s1  }
0xa: {  	[smem:$0x3FA4] =	sst s2  }
0xb: {  	[smem:$0x3FA5] =	sst s3  }
0xc: {  	[smem:$0x3FA6] =	sst s4  }
0xd: {  	[smem:$0x3FA7] =	sst s5  }
0xe: {  	[smem:$0x3FA8] =	sst s6  }
0xf: {  	[smem:$0x3FA9] =	sst s7  }
0x10: {  	[smem:$0x3FAA] =	sst s8  }
0x11: {  	[smem:$0x3FAB] =	sst s9;
	s0 =	simm.s32 @!p0 $0x0  }
0x12: {  	s1 =	sld [smem:$0x3F91];
	s0 =	simm.s32 @p0 $0x1  }
0x13: {  	[smem:$0x3FAC] =	sst s0;
	s0 =	simm.s32 @!p1 $0x0  }
0x14: {  	s2 =	sld [smem:$0x3F90];
	s0 =	simm.s32 @p1 $0x1  }
0x15: {  	[smem:$0x3FAD] =	sst s0;
	s0 =	simm.s32 @!p2 $0x0  }
0x16: {  	s3 =	sld [smem:$0x3FDB];
	s0 =	simm.s32 @p2 $0x1  }
0x17: {  	s4 =	simm.s32 $0x1BF5;
	[smem:$0x3FAF] =	sst s0  }
0x18: {  	s0 =	sld [smem:$0x3F92];
	_ =	swait.ge [sflag:s4], $0x0  }
0x19: {  	s7 =	sld [smem:$0x3F93]  }
0x1a: {  	s8 =	sadd.s32 $0xFFFFE003, lr  }
0x1b: {  	s9 =	sadd.s32 $0xFFFFFEF7, lr;
	s5 =	simm.s32 $0xFFFFFFFF;
	p2 =	slt.u32 s8, $0xFFFFF086  }
0x1c: {  	p1 =	slt.u32 s9, $0xF7A;
	s5 =	simm.s32 @!p2 $0x0  }
0x1d: {  	s5 =	simm.s32 @p1 $0x1;
	p0 =	seq.s32 s7, s2  }
0x1e: {  	s7 =	smul.u32 @!p0 $0xF7A, s2;
	p2 =	seq.s32 @!p0 s5, $0x0  }
0x1f: {  	s9 =	smul.u32 $0xF7A, s1;
	s8 =	simm.s32 @!p0 $0x1BF5;
	p2 =	por !p2, p0  }
0x20: {  	[sflag:s8] =	ssyncset.s32 @!p0 $0xFFFFF086;
	s6 =	sadd.s32 @!p0 s3, s7;
	s7 =	simm.s32 @!p0 $0x108  }
0x21: {  	s3 =	sadd.s32 s3, s9;
	s6 =	sadd.s32 @!p0 $0x88, s6;
	s7 =	simm.s32 @p2 $0x1082  }
0x22: {  	[simem:s7], [sflag:s8] =	dma.local @!p0 [hbm:s6], $0xF7A  }
0x23: {  	s9 =	sor.u32 $0xD0000000, s2;
	s6 =	simm.s32 $0x108;
	_ =	swait.ge @!p0 [sflag:s8], $0x0  }
0x24: {  	s3 =	sadd.s32 $0x88, s3;
	s6 =	simm.s32 @!p1 $0x1082;
	[sflag:s4] =	ssyncset.s32 $0xFFFFF086  }
0x25: {  	[simem:s6], [sflag:s4] =	dma.local [hbm:s3], $0xF7A  }
0x26: {  	[smem:$0x3F93] =	sst s1;
	(tag) =	ssettag s2;
	_ =	strace s9  }
0x27: {  	s1 =	sld [smem:$0x3FA3]  }
0x28: {  	s2 =	sld [smem:$0x3FA4]  }
0x29: {  	s4 =	sld [smem:$0x3FA6]  }
0x2a: {  	p0 =	seq.s32 s5, $0x0;
	s5 =	sld [smem:$0x3FA7]  }
0x2b: {  	s6 =	sld [smem:$0x3FA8]  }
0x2c: {  	s7 =	sld [smem:$0x3FA9]  }
0x2d: {  	s3 =	simm.s32 $0x108;
	s8 =	sld [smem:$0x3FAA]  }
0x2e: {  	s3 =	simm.s32 @!p0 $0x1082;
	s9 =	sld [smem:$0x3FAB]  }
0x2f: {  	lr =	sadd.s32 s0, s3;
	s0 =	sld [smem:$0x3FA2]  }
0x30: {  	s3 =	sld [smem:$0x3FA5]  }
0x31: {  	[smem:$0x3FAE] =	sst s10  }
0x32: {  	s10 =	sld [smem:$0x3FAC];
	_ =	sdelay $0x3  }
0x33: {  	p0 =	seq.s32 s10, $0x1;
	s10 =	sld [smem:$0x3FAE];
	_ =	sdelay $0x3  }
0x34: {  	[smem:$0x3FAE] =	sst s10  }
0x35: {  	s10 =	sld [smem:$0x3FAD];
	_ =	sdelay $0x3  }
0x36: {  	p1 =	seq.s32 s10, $0x1;
	s10 =	sld [smem:$0x3FAE];
	_ =	sdelay $0x3  }
0x37: {  	[smem:$0x3FAE] =	sst s10  }
0x38: {  	s10 =	sld [smem:$0x3FAF]  }
0x39: {  	_ = 	snop;
	(pc) =	sbr.ind lr, $3  }
0x3a: {  	_ = 	snop  }
0x3b: {  	_ = 	snop  }
0x3c: {  	p2 =	seq.s32 s10, $0x1;
	s10 =	sld [smem:$0x3FAE]  }
0x3d: {  	_ =	shalt  }
0x3e: {  	_ =	shalt  }
0x3f: {  	_ =	shalt  }
0x40: {  	_ =	shalt  }
0x41: {  	_ =	shalt  }
0x42: {  	_ =	shalt  }
0x43: {  	_ =	shalt  }
0x44: {  	_ =	shalt  }
0x45: {  	_ =	shalt  }
0x46: {  	_ =	shalt  }
0x47: {  	_ =	shalt  }
0x48: {  	_ =	shalt  }
0x49: {  	_ =	shalt  }
0x4a: {  	_ =	shalt  }
0x4b: {  	_ =	shalt  }
0x4c: {  	_ =	shalt  }
0x4d: {  	_ =	shalt  }
0x4e: {  	_ =	shalt  }
0x4f: {  	_ =	shalt  }
0x50: {  	_ =	shalt  }
0x51: {  	_ =	shalt  }
0x52: {  	_ =	shalt  }
0x53: {  	_ =	shalt  }
0x54: {  	_ =	shalt  }
0x55: {  	_ =	shalt  }
0x56: {  	_ =	shalt  }
0x57: {  	_ =	shalt  }
0x58: {  	_ =	shalt  }
0x59: {  	_ =	shalt  }
0x5a: {  	_ =	shalt  }
0x5b: {  	_ =	shalt  }
0x5c: {  	_ =	shalt  }
0x5d: {  	_ =	shalt  }
0x5e: {  	_ =	shalt  }
0x5f: {  	_ =	shalt  }
0x60: {  	_ =	shalt  }
0x61: {  	_ =	shalt  }
0x62: {  	_ =	shalt  }
0x63: {  	_ =	shalt  }
0x64: {  	_ =	shalt  }
0x65: {  	_ =	shalt  }
0x66: {  	_ =	shalt  }
0x67: {  	_ =	shalt  }
0x68: {  	_ =	shalt  }
0x69: {  	_ =	shalt  }
0x6a: {  	_ =	shalt  }
0x6b: {  	_ =	shalt  }
0x6c: {  	_ =	shalt  }
0x6d: {  	_ =	shalt  }
0x6e: {  	_ =	shalt  }
0x6f: {  	_ =	shalt  }
0x70: {  	_ =	shalt  }
0x71: {  	_ =	shalt  }
0x72: {  	_ =	shalt  }
0x73: {  	_ =	shalt  }
0x74: {  	_ =	shalt  }
0x75: {  	_ =	shalt  }
0x76: {  	_ =	shalt  }
0x77: {  	_ =	shalt  }
0x78: {  	_ =	shalt  }
0x79: {  	_ =	shalt  }
0x7a: {  	_ =	shalt  }
0x7b: {  	_ =	shalt  }
0x7c: {  	_ =	shalt  }
0x7d: {  	_ =	shalt  }
0x7e: {  	_ =	shalt  }
0x7f: {  	_ =	shalt  }
0x80: {  	_ =	shalt  }
0x81: {  	_ =	shalt  }
0x82: {  	_ =	shalt  }
0x83: {  	_ =	shalt  }
0x84: {  	_ =	shalt  }
0x85: {  	_ =	shalt  }
0x86: {  	_ =	shalt  }
0x87: {  	_ =	shalt  }
.Lfunc_end0:
.L_simem_size_0:
called_computation.3_lowered:
.L_overlay_start_0:
0x88: {  	s2 =	sld [smem:$0x3FD9]  }
0x89: {  	s3 =	sld [smem:$0x3FFE];
	_ =	sdelay $0x1  }
0x8a: {  	s1 =	srdreg.scid  }
0x8b: {  	s0 =	sand.u32 $0x1, s1  }
0x8c: {  	s16 =	sshll.u32 s0, $0xA;
	s2 =	sadd.s32 s3, s2  }
0x8d: {  	s2 =	sadd.s32 s2, s16  }
0x8e: {  	[smem:$0x3FBA] =	sst s2  }
0x8f: {  	_ = 	snop  }
0x90: {  	(tm) =	ssettm $0x1  }
0x91: {  	s17 =	sld [smem:$0x3FFB];
	_ =	sdelay $0x3  }
0x92: {  	_ =	strace s17  }
0x93: {  	s2 =	sld [smem:$0x3FFC];
	_ =	sdelay $0x3  }
0x94: {  	_ =	strace s2  }
0x95: {  	s2 =	sld [smem:$0x3FFD];
	_ =	sdelay $0x3  }
0x96: {  	_ =	strace s2  }
0x97: {  	_ =	strace $0x8FFFFFFF  }
0x98: {  	s18 =	sld [smem:$0x3FDB];
	_ =	sdelay $0x1  }
0x99: {  	s19 =	simm.s32 $_scs_section_size  }
0x9a: {  	s4 =	simm.s32 $_size__tile_overlayer_lowered;
	s5 =	simm.s32 $_tile_overlayer_lowered  }
0x9b: {  	s22 =	simm.s32 $0x1BFF;
	s21 =	sshll.u32 s5, $0x1;
	s2 =	sadd.s32 s19, s18  }
0x9c: {  	s6 =	simm.s32 $0x0;
	s20 =	sshll.u32 s4, $0x1;
	s4 =	sadd.s32 s21, s2  }
0x9d: {  	[timem:s6], [sflag:s22] =	dma.local [hbm:s4], s20  }
0x9e: {  	_ =	swait.ge [sflag:s22], s20  }
0x9f: {  	s3 =	ssub.s32 $0x0, s20;
	[sflag:s22] =	ssyncset.done $0x0  }
0xa0: {  	[sflag:s22] =	ssyncadd.s32 s3;
	_ =	sdelay $0x1  }
0xa1: {  	s23 =	simm.s32 $0x1B8B  }
0xa2: {  	_ =	swait.ge [sflag:s23], $0x1  }
0xa3: {  	[sflag:s23] =	ssyncset.done $0x0  }
0xa4: {  	s25 =	simm.s32 $0x1B8E;
	s24 =	sld [smem:$0x3FFE];
	[sflag:s23] =	ssyncadd.s32 $0xFFFFFFFF  }
0xa5: {  	s26 =	simm.s32 $execute0_lowered;
	[smem:$0x3FD2] =	sst s25  }
0xa6: {  	s4 =	sshll.u32 s26, $0x1;
	_ =	strace $0x8000004F;
	[dreg:$0x1] =	wrdreg $0xFFFFFFFF  }
0xa7: {  	s28 =	simm.s32 $_size_execute0_lowered;
	s2 =	sadd.s32 s2, s4;
	[dreg:$0x0] =	wrdreg $0x0  }
0xa8: {  	s4 =	sshll.u32 s28, $0x1;
	[dreg:$0x2] =	wrdreg s2  }
0xa9: {  	[dreg:$0x3] =	wrdreg s4  }
0xaa: {  	[dreg:$0x4] =	wrdreg $0xC0  }
0xab: {  	_ =	task [dreg:s6], $0x5FFFF  }
0xac: {  	[dreg:$0x1] =	wrdreg $0xFFFFFFFF  }
0xad: {  	[dreg:$0x0] =	wrdreg $0x60  }
0xae: {  	[dreg:$0x2] =	wrdreg s24  }
0xaf: {  	[dreg:$0x3] =	wrdreg $0x58000  }
0xb0: {  	[dreg:$0x4] =	wrdreg $0x9  }
0xb1: {  	_ =	task.clear_ibuf [dreg:s6], $0x5FFFF;
	_ =	strace $0x9000004F  }
0xb2: {  	s29 =	simm.s32 $0x9;
	_ =	strace $0x80000051  }
0xb3: {  	_ =	swait.ge [sflag:s29], $0x1  }
0xb4: {  	[sflag:s29] =	ssyncadd.s32 $0xFFFFFFFF  }
0xb5: {  	_ =	strace $0x90000051  }
0xb6: {  	_ =	sfence  }
0xb7: {  	s30 =	sld [smem:$0x0];
	_ =	sdelay $0x2  }
0xb8: {  	s31 =	sshll.u32 s1, $0xD;
	s1 =	sshrl.u32 s1, $0x2  }
0xb9: {  	s3 =	sand.u32 $0x4000, s31;
	s1 =	sadd.s32 s1, s30  }
0xba: {  	s0 =	sor.u32 s3, s0;
	s1 =	sshll.u32 s1, $0x11  }
0xbb: {  	s0 =	sor.u32 s1, s0  }
0xbc: {  	s0 =	sadd.s32 $0x8F2B, s0  }
0xbd: {  	[sflag:s0] =	ssyncadd.remote.s32 $0x1  }
0xbe: {  	_ =	sfence.sel $0xFFFF  }
0xbf: {  	[dreg:$0x0] =	wrdreg $0xFFFFFFFF;
	(pc) =	sbr.abs _section_cstart, $3  }
0xc0: {  	[dreg:$0x1] =	wrdreg $0xFFFFFFFF  }
0xc1: {  	_ =	task.clear_ibuf [dreg:s6], $0x2FFFF;
	_ =	strace $0x9FFFFFFF  }
0xc2: {  	(tm) =	ssettm $0x7FFFFFFF  }
0xc3: {  	_ =	shalt  }
tec
execute0_lowered:
.L_overlay_start_1:
0x0: {  	(tag) =	ssettag $0x1  }
0x1: {  	s6 =	rddreg [dreg:$0x0]  }
0x2: {  	s2 =	rddreg [dreg:$0x1]  }
0x3: {  	s0 =	rddreg [dreg:$0x2];
	s3 =	simm.s32 $0x0  }
0x4: {  	s1 =	stileid.u32;
	s4 =	srdreg.scid;
	s14 =	simm.s32 $0x80  }
0x5: {  	s15 =	simm.s32 $0x3800;
	s16 =	simm.s32 $0x4800;
	s17 =	simm.s32 $0x1  }
0x6: {  	s18 =	simm.s32 $0x3;
	s19 =	simm.s32 $0x2;
	s20 =	simm.s32 $0x4  }
0x7: {  	s21 =	simm.s32 $0x3700;
	s22 =	simm.s32 $0x3780;
	[smem:$0x7FF] =	sst s3  }
0x8: {  	s7 =	smul.u32 $0x18700, s1;
	s5 =	sand.u32 $0x1, s4;
	s4 =	sadd.s32 $0x98A00, s6  }
0x9: {  	s31 =	sshll.u32 s1, $0x6;
	_ =	strace $0x80000050;
	s8 =	smul.u32 $0x30E00, s5  }
0xa: {  	s9 =	ssub.s32 $0x2, s5;
	s5 =	sadd.s32 $0x4F200, s6;
	s23 =	sshrl.u32 s7, $0x3  }
0xb: {  	s10 =	sshrl.u32 s9, $0x1;
	s13 =	sadd.s32 s7, s2;
	s7 =	sor.u32 $0x1C05, s31  }
0xc: {  	s11 =	sadd.s32 s23, s6;
	s12 =	sadd.s32 s8, s6;
	s10 =	ssub.s32 s9, s10  }
0xd: {  	s8 =	smul.u32 $0x188, s1;
	s6 =	sadd.s32 $0x5400, s11;
	s9 =	sadd.s32 $0xB1200, s12  }
0xe: {  	s24 =	sadd.s32 $0x112E00, s12;
	s10 =	smax.u32 s10, $0x1;
	s11 =	sshrl.u32 s13, $0x3  }
0xf: {  	s12 =	simm.s32 $0x5;
	s13 =	simm.s32 $0x1C00;
	s23 =	sadd.s32 s23, s24  }
.LBB2_1:
0x10: {  	[spmem:s11], [sflag:s7] =	dma.local [hbm:s6], $0x30E0  }
0x11: {  	_ =	swait.ge [sflag:s12], $0x30E0  }
0x12: {  	[sflag:s12] =	ssyncset.done $0x0  }
0x13: {  	[sflag:s12] =	ssyncadd.s32 $0xFFFFCF20  }
0x14: {  	s24 =	simm.s32 $0x0;
	[bflag:$0x0] =	sbarrier.arrive $0xFFFF  }
.LBB2_2:
0x15: {  	s25 =	smul.u32 $0x38, s24;
	_ =	sdelay $0x1  }
0x16: {  	s25 =	sadd.s32 s8, s25  }
0x17: {  	s25 =	sshll.u32 s25, $0x4  }
0x18: {  	s28 =	simm.s32 $0x0;
	s26 =	sadd.s32 s4, s25  }
0x19: {  	[tilespmem:s28], [sflag:$0x5] =	stream.linear.gather [hbm4b:s26+s28], $0x1C00, $0x38;
	[tilespmem:$0x1DF00] =	vst v63  }
0x1a: {  	_ =	swait.ge [sflag:s12], $0x1C00  }
0x1b: {  	[sflag:s12] =	ssyncset.done $0x0  }
0x1c: {  	s25 =	sadd.s32 s5, s25;
	[sflag:s12] =	ssyncadd.s32 $0xFFFFE400  }
0x1d: {  	[tilespmem:s13], [sflag:$0x5] =	stream.linear.gather [hbm4b:s25+s28], $0x1C00, $0x38;
	[tilespmem:$0x1DF00] =	vst v63  }
0x1e: {  	_ =	swait.ge [sflag:s12], $0x1C00  }
0x1f: {  	[sflag:s12] =	ssyncset.done $0x0  }
0x20: {  	[sflag:s12] =	ssyncadd.s32 $0xFFFFE400  }
0x21: {  	[tilespmem:s15], [sflag:$0x1] =	stream.indirect.gather [hbm4b:s9+s14], $0x20, s28, s14, $0xb8;
	[tilespmem:$0x1DF00] =	vst v63  }
0x22: {  	_ = 	snop  }
0x23: {  	[tilespmem:s16], [sflag:$0x2] =	stream.indirect.gather [hbm4b:s9+s14], $0x20, s14, s14, $0xb8;
	[tilespmem:$0x1DF00] =	vst v63  }
0x24: {  	_ =	swait.ge [sflag:s17], $0x1000  }
0x25: {  	[sflag:s17] =	ssyncset.done $0x0  }
0x26: {  	s29 =	simm.s32 $0x1C00;
	[sflag:s17] =	ssyncadd.s32 $0xFFFFF000  }
0x27: {  	[spmem:s2] =	stream.indirect.scatter.add.f32 [tilespmem:s15], [sflag:$0x3], $0x20, s29, s14, $0xb8;
	[tilespmem:$0x1DF00] =	vst v63  }
0x28: {  	_ =	swait.ge [sflag:s18], $0x1000  }
0x29: {  	[sflag:s18] =	ssyncset.done $0x0  }
0x2a: {  	s30 =	simm.s32 $0x100;
	[sflag:s18] =	ssyncadd.s32 $0xFFFFF000  }
0x2b: {  	[tilespmem:s15], [sflag:$0x1] =	stream.indirect.gather [hbm4b:s9+s14], $0x20, s30, s14, $0xb8;
	[tilespmem:$0x1DF00] =	vst v63  }
0x2c: {  	_ =	swait.ge [sflag:s19], $0x1000  }
0x2d: {  	[sflag:s19] =	ssyncset.done $0x0  }
0x2e: {  	s31 =	simm.s32 $0x1C80;
	[sflag:s19] =	ssyncadd.s32 $0xFFFFF000  }
0x2f: {  	[spmem:s2] =	stream.indirect.scatter.add.f32 [tilespmem:s16], [sflag:$0x4], $0x20, s31, s14, $0xb8;
	[tilespmem:$0x1DF00] =	vst v63  }
0x30: {  	_ =	swait.ge [sflag:s20], $0x1000  }
0x31: {  	[sflag:s20] =	ssyncset.done $0x0  }
0x32: {  	s26 =	simm.s32 $0x180;
	s25 =	simm.s32 $0x400;
	[sflag:s20] =	ssyncadd.s32 $0xFFFFF000  }
.LBB2_3:
0x33: {  	[tilespmem:s16], [sflag:$0x2] =	stream.indirect.gather [hbm4b:s9+s14], $0x20, s26, s14, $0xb8;
	[tilespmem:$0x1DF00] =	vst v63  }
0x34: {  	s26 =	smov.u32 s25  }
0x35: {  	p0 =	sne.s32 s25, $0x6800;
	s25 =	sadd.s32 $0x400, s25;
	_ =	swait.ge [sflag:s17], $0x1000  }
0x36: {  	s26 =	sshra.s32 s26, $0x2;
	[sflag:s17] =	ssyncset.done $0x0  }
0x37: {  	s28 =	sadd.s32 $0x1C00, s26;
	[sflag:s17] =	ssyncadd.s32 $0xFFFFF000  }
0x38: {  	[spmem:s2] =	stream.indirect.scatter.add.f32 [tilespmem:s15], [sflag:$0x3], $0x20, s28, s14, $0xb8;
	[tilespmem:$0x1DF00] =	vst v63  }
0x39: {  	_ =	swait.ge [sflag:s18], $0x1000  }
0x3a: {  	[sflag:s18] =	ssyncset.done $0x0  }
0x3b: {  	s28 =	sadd.s32 $0x100, s26;
	[sflag:s18] =	ssyncadd.s32 $0xFFFFF000  }
0x3c: {  	[tilespmem:s15], [sflag:$0x1] =	stream.indirect.gather [hbm4b:s9+s14], $0x20, s28, s14, $0xb8;
	[tilespmem:$0x1DF00] =	vst v63  }
0x3d: {  	_ =	swait.ge [sflag:s19], $0x1000  }
0x3e: {  	[sflag:s19] =	ssyncset.done $0x0  }
.Ltmp0:
0x3f: {  	s28 =	sadd.s32 $0x1C80, s26;
	[sflag:s19] =	ssyncadd.s32 $0xFFFFF000;
	(pc) =	sbr.rel @p0 .LBB2_3-.Ltmp0, $4  }
0x40: {  	[spmem:s2] =	stream.indirect.scatter.add.f32 [tilespmem:s16], [sflag:$0x4], $0x20, s28, s14, $0xb8;
	[tilespmem:$0x1DF00] =	vst v63  }
0x41: {  	_ =	swait.ge [sflag:s20], $0x1000  }
0x42: {  	[sflag:s20] =	ssyncset.done $0x0  }
0x43: {  	s26 =	sadd.s32 $0x180, s26;
	[sflag:s20] =	ssyncadd.s32 $0xFFFFF000  }
0x44: {  	[tilespmem:s16], [sflag:$0x2] =	stream.indirect.gather [hbm4b:s9+s14], $0x20, s26, s14, $0xb8;
	[tilespmem:$0x1DF00] =	vst v63  }
0x45: {  	_ =	swait.ge [sflag:s17], $0x1000  }
0x46: {  	[sflag:s17] =	ssyncset.done $0x0  }
0x47: {  	[sflag:s17] =	ssyncadd.s32 $0xFFFFF000  }
0x48: {  	[spmem:s2] =	stream.indirect.scatter.add.f32 [tilespmem:s15], [sflag:$0x3], $0x20, s21, s14, $0xb8;
	[tilespmem:$0x1DF00] =	vst v63  }
0x49: {  	_ =	swait.ge [sflag:s18], $0x1000  }
0x4a: {  	[sflag:s18] =	ssyncset.done $0x0  }
0x4b: {  	[sflag:s18] =	ssyncadd.s32 $0xFFFFF000  }
0x4c: {  	s24 =	sadd.s32 $0x1, s24;
	_ =	swait.ge [sflag:s19], $0x1000  }
0x4d: {  	p0 =	sne.s32 s24, $0x7;
	[sflag:s19] =	ssyncset.done $0x0  }
.Ltmp1:
0x4e: {  	[sflag:s19] =	ssyncadd.s32 $0xFFFFF000;
	(pc) =	sbr.rel @p0 .LBB2_2-.Ltmp1, $4  }
0x4f: {  	[spmem:s2] =	stream.indirect.scatter.add.f32 [tilespmem:s16], [sflag:$0x4], $0x20, s22, s14, $0xb8;
	[tilespmem:$0x1DF00] =	vst v63  }
0x50: {  	_ =	swait.ge [sflag:s20], $0x1000  }
0x51: {  	[sflag:s20] =	ssyncset.done $0x0  }
0x52: {  	[sflag:s20] =	ssyncadd.s32 $0xFFFFF000  }
0x53: {  	s3 =	sadd.s32 $0x1, s3  }
0x54: {  	p0 =	sne.s32 s3, s10  }
.Ltmp2:
0x55: {  	[bflag:$0x0] =	sbarrier.arrive $0xFFFF;
	(pc) =	sbr.rel @p0 .LBB2_1-.Ltmp2, $4  }
0x56: {  	[hbm:s23], [sflag:s7] =	dma.local [spmem:s11], $0x30E0  }
0x57: {  	_ =	swait.ge [sflag:s12], $0x30E0  }
0x58: {  	[sflag:s12] =	ssyncset.done $0x0  }
0x59: {  	[sflag:s12] =	ssyncadd.s32 $0xFFFFCF20  }
0x5a: {  	_ =	sfence.sel $0x180000  }
0x5b: {  	[bflag:$0x0] =	sbarrier.arrive $0xFFFF  }
0x5c: {  	p0 =	sne.s32 s1, $0x0;
	_ =	strace $0x90000050  }
0x5d: {  	s0 =	sadd.s32 @!p0 $0x100000, s0;
	[bflag:$0x2] =	sbarrier.arrive $0xFFFF  }
0x5e: {  	[sflag:s0] =	ssyncadd.tile.s32 @!p0 $0x1;
	_ =	shalt  }
.Lfunc_end2:
_tile_overlayer_lowered:
.L_overlay_start_2:
0x5f: {  	(tag) =	ssettag $0x2  }
0x60: {  	s0 =	rddreg [dreg:$0x0];
	s2 =	stileid.u32  }
0x61: {  	s1 =	rddreg [dreg:$0x1];
	p0 =	sne.s32 s2, $0x0  }
0x62: {  	s3 =	rddreg [dreg:$0x2];
	[bflag:$0x3] =	sbarrier.arrive $0xFFFF;
	s2 =	simm.s32 @!p0 $0x1C05  }
0x63: {  	[timem:s3], [sflag:s2] =	dma.local @!p0 [hbm:s0], s1  }
0x64: {  	s0 =	simm.s32 @!p0 $0x5  }
0x65: {  	_ =	swait.ge @!p0 [sflag:s0], s1  }
0x66: {  	s1 =	ssub.s32 @!p0 $0x0, s1;
	[sflag:s0] =	ssyncset.done @!p0 $0x0  }
0x67: {  	[sflag:s0] =	ssyncadd.s32 @!p0 s1  }
0x68: {  	[bflag:$0x3] =	sbarrier.arrive $0xFFFF  }
0x69: {  	_ =	shalt  }

// kernel: kernel.24.cloned.1.call-start
scs
__scs_entry_jumppad:
0x0: {  	(pc) =	sbr.rel $0x88, $3  }
0x1: {  	(tag) =	ssettag $0x0;
	lr =	simm.s32 $0x1  }
0x2: {  	[smem:$0x3F93] =	sst lr;
	_ =	strace $0xD0000000  }
0x3: {  	_ = 	snop  }
0x4: {  	_ = 	snop  }
0x5: {  	_ = 	snop  }
0x6: {  	_ = 	snop  }
0x7: {  	_ = 	snop  }
__scs_overlays_trampoline_lowered:
0x8: {  	[smem:$0x3FA2] =	sst s0  }
0x9: {  	[smem:$0x3FA3] =	sst s1  }
0xa: {  	[smem:$0x3FA4] =	sst s2  }
0xb: {  	[smem:$0x3FA5] =	sst s3  }
0xc: {  	[smem:$0x3FA6] =	sst s4  }
0xd: {  	[smem:$0x3FA7] =	sst s5  }
0xe: {  	[smem:$0x3FA8] =	sst s6  }
0xf: {  	[smem:$0x3FA9] =	sst s7  }
0x10: {  	[smem:$0x3FAA] =	sst s8  }
0x11: {  	[smem:$0x3FAB] =	sst s9;
	s0 =	simm.s32 @!p0 $0x0  }
0x12: {  	s1 =	sld [smem:$0x3F91];
	s0 =	simm.s32 @p0 $0x1  }
0x13: {  	[smem:$0x3FAC] =	sst s0;
	s0 =	simm.s32 @!p1 $0x0  }
0x14: {  	s2 =	sld [smem:$0x3F90];
	s0 =	simm.s32 @p1 $0x1  }
0x15: {  	[smem:$0x3FAD] =	sst s0;
	s0 =	simm.s32 @!p2 $0x0  }
0x16: {  	s3 =	sld [smem:$0x3FDB];
	s0 =	simm.s32 @p2 $0x1  }
0x17: {  	s4 =	simm.s32 $0x1BF5;
	[smem:$0x3FAF] =	sst s0  }
0x18: {  	s0 =	sld [smem:$0x3F92];
	_ =	swait.ge [sflag:s4], $0x0  }
0x19: {  	s7 =	sld [smem:$0x3F93]  }
0x1a: {  	s8 =	sadd.s32 $0xFFFFE003, lr  }
0x1b: {  	s9 =	sadd.s32 $0xFFFFFEF7, lr;
	s5 =	simm.s32 $0xFFFFFFFF;
	p2 =	slt.u32 s8, $0xFFFFF086  }
0x1c: {  	p1 =	slt.u32 s9, $0xF7A;
	s5 =	simm.s32 @!p2 $0x0  }
0x1d: {  	s5 =	simm.s32 @p1 $0x1;
	p0 =	seq.s32 s7, s2  }
0x1e: {  	s7 =	smul.u32 @!p0 $0xF7A, s2;
	p2 =	seq.s32 @!p0 s5, $0x0  }
0x1f: {  	s9 =	smul.u32 $0xF7A, s1;
	s8 =	simm.s32 @!p0 $0x1BF5;
	p2 =	por !p2, p0  }
0x20: {  	[sflag:s8] =	ssyncset.s32 @!p0 $0xFFFFF086;
	s6 =	sadd.s32 @!p0 s3, s7;
	s7 =	simm.s32 @!p0 $0x108  }
0x21: {  	s3 =	sadd.s32 s3, s9;
	s6 =	sadd.s32 @!p0 $0x88, s6;
	s7 =	simm.s32 @p2 $0x1082  }
0x22: {  	[simem:s7], [sflag:s8] =	dma.local @!p0 [hbm:s6], $0xF7A  }
0x23: {  	s9 =	sor.u32 $0xD0000000, s2;
	s6 =	simm.s32 $0x108;
	_ =	swait.ge @!p0 [sflag:s8], $0x0  }
0x24: {  	s3 =	sadd.s32 $0x88, s3;
	s6 =	simm.s32 @!p1 $0x1082;
	[sflag:s4] =	ssyncset.s32 $0xFFFFF086  }
0x25: {  	[simem:s6], [sflag:s4] =	dma.local [hbm:s3], $0xF7A  }
0x26: {  	[smem:$0x3F93] =	sst s1;
	(tag) =	ssettag s2;
	_ =	strace s9  }
0x27: {  	s1 =	sld [smem:$0x3FA3]  }
0x28: {  	s2 =	sld [smem:$0x3FA4]  }
0x29: {  	s4 =	sld [smem:$0x3FA6]  }
0x2a: {  	p0 =	seq.s32 s5, $0x0;
	s5 =	sld [smem:$0x3FA7]  }
0x2b: {  	s6 =	sld [smem:$0x3FA8]  }
0x2c: {  	s7 =	sld [smem:$0x3FA9]  }
0x2d: {  	s3 =	simm.s32 $0x108;
	s8 =	sld [smem:$0x3FAA]  }
0x2e: {  	s3 =	simm.s32 @!p0 $0x1082;
	s9 =	sld [smem:$0x3FAB]  }
0x2f: {  	lr =	sadd.s32 s0, s3;
	s0 =	sld [smem:$0x3FA2]  }
0x30: {  	s3 =	sld [smem:$0x3FA5]  }
0x31: {  	[smem:$0x3FAE] =	sst s10  }
0x32: {  	s10 =	sld [smem:$0x3FAC];
	_ =	sdelay $0x3  }
0x33: {  	p0 =	seq.s32 s10, $0x1;
	s10 =	sld [smem:$0x3FAE];
	_ =	sdelay $0x3  }
0x34: {  	[smem:$0x3FAE] =	sst s10  }
0x35: {  	s10 =	sld [smem:$0x3FAD];
	_ =	sdelay $0x3  }
0x36: {  	p1 =	seq.s32 s10, $0x1;
	s10 =	sld [smem:$0x3FAE];
	_ =	sdelay $0x3  }
0x37: {  	[smem:$0x3FAE] =	sst s10  }
0x38: {  	s10 =	sld [smem:$0x3FAF]  }
0x39: {  	_ = 	snop;
	(pc) =	sbr.ind lr, $3  }
0x3a: {  	_ = 	snop  }
0x3b: {  	_ = 	snop  }
0x3c: {  	p2 =	seq.s32 s10, $0x1;
	s10 =	sld [smem:$0x3FAE]  }
0x3d: {  	_ =	shalt  }
0x3e: {  	_ =	shalt  }
0x3f: {  	_ =	shalt  }
0x40: {  	_ =	shalt  }
0x41: {  	_ =	shalt  }
0x42: {  	_ =	shalt  }
0x43: {  	_ =	shalt  }
0x44: {  	_ =	shalt  }
0x45: {  	_ =	shalt  }
0x46: {  	_ =	shalt  }
0x47: {  	_ =	shalt  }
0x48: {  	_ =	shalt  }
0x49: {  	_ =	shalt  }
0x4a: {  	_ =	shalt  }
0x4b: {  	_ =	shalt  }
0x4c: {  	_ =	shalt  }
0x4d: {  	_ =	shalt  }
0x4e: {  	_ =	shalt  }
0x4f: {  	_ =	shalt  }
0x50: {  	_ =	shalt  }
0x51: {  	_ =	shalt  }
0x52: {  	_ =	shalt  }
0x53: {  	_ =	shalt  }
0x54: {  	_ =	shalt  }
0x55: {  	_ =	shalt  }
0x56: {  	_ =	shalt  }
0x57: {  	_ =	shalt  }
0x58: {  	_ =	shalt  }
0x59: {  	_ =	shalt  }
0x5a: {  	_ =	shalt  }
0x5b: {  	_ =	shalt  }
0x5c: {  	_ =	shalt  }
0x5d: {  	_ =	shalt  }
0x5e: {  	_ =	shalt  }
0x5f: {  	_ =	shalt  }
0x60: {  	_ =	shalt  }
0x61: {  	_ =	shalt  }
0x62: {  	_ =	shalt  }
0x63: {  	_ =	shalt  }
0x64: {  	_ =	shalt  }
0x65: {  	_ =	shalt  }
0x66: {  	_ =	shalt  }
0x67: {  	_ =	shalt  }
0x68: {  	_ =	shalt  }
0x69: {  	_ =	shalt  }
0x6a: {  	_ =	shalt  }
0x6b: {  	_ =	shalt  }
0x6c: {  	_ =	shalt  }
0x6d: {  	_ =	shalt  }
0x6e: {  	_ =	shalt  }
0x6f: {  	_ =	shalt  }
0x70: {  	_ =	shalt  }
0x71: {  	_ =	shalt  }
0x72: {  	_ =	shalt  }
0x73: {  	_ =	shalt  }
0x74: {  	_ =	shalt  }
0x75: {  	_ =	shalt  }
0x76: {  	_ =	shalt  }
0x77: {  	_ =	shalt  }
0x78: {  	_ =	shalt  }
0x79: {  	_ =	shalt  }
0x7a: {  	_ =	shalt  }
0x7b: {  	_ =	shalt  }
0x7c: {  	_ =	shalt  }
0x7d: {  	_ =	shalt  }
0x7e: {  	_ =	shalt  }
0x7f: {  	_ =	shalt  }
0x80: {  	_ =	shalt  }
0x81: {  	_ =	shalt  }
0x82: {  	_ =	shalt  }
0x83: {  	_ =	shalt  }
0x84: {  	_ =	shalt  }
0x85: {  	_ =	shalt  }
0x86: {  	_ =	shalt  }
0x87: {  	_ =	shalt  }
.Lfunc_end0:
.L_simem_size_0:
called_computation.4_lowered:
.L_overlay_start_0:
0x88: {  	s2 =	sld [smem:$0x3FD9]  }
0x89: {  	s3 =	sld [smem:$0x3FFE];
	_ =	sdelay $0x1  }
0x8a: {  	s1 =	srdreg.scid  }
0x8b: {  	s0 =	sand.u32 $0x1, s1  }
0x8c: {  	s16 =	sshll.u32 s0, $0xA;
	s2 =	sadd.s32 s3, s2  }
0x8d: {  	s2 =	sadd.s32 s2, s16  }
0x8e: {  	[smem:$0x3FBA] =	sst s2  }
0x8f: {  	_ = 	snop  }
0x90: {  	(tm) =	ssettm $0x1  }
0x91: {  	s17 =	sld [smem:$0x3FFB];
	_ =	sdelay $0x3  }
0x92: {  	_ =	strace s17  }
0x93: {  	s2 =	sld [smem:$0x3FFC];
	_ =	sdelay $0x3  }
0x94: {  	_ =	strace s2  }
0x95: {  	s2 =	sld [smem:$0x3FFD];
	_ =	sdelay $0x3  }
0x96: {  	_ =	strace s2  }
0x97: {  	_ =	strace $0x8FFFFFFF  }
0x98: {  	s18 =	sld [smem:$0x3FDB];
	_ =	sdelay $0x1  }
0x99: {  	s19 =	simm.s32 $_scs_section_size  }
0x9a: {  	s4 =	simm.s32 $_size__tile_overlayer_lowered;
	s5 =	simm.s32 $_tile_overlayer_lowered  }
0x9b: {  	s22 =	simm.s32 $0x1BFF;
	s21 =	sshll.u32 s5, $0x1;
	s2 =	sadd.s32 s19, s18  }
0x9c: {  	s6 =	simm.s32 $0x0;
	s20 =	sshll.u32 s4, $0x1;
	s4 =	sadd.s32 s21, s2  }
0x9d: {  	[timem:s6], [sflag:s22] =	dma.local [hbm:s4], s20  }
0x9e: {  	_ =	swait.ge [sflag:s22], s20  }
0x9f: {  	s3 =	ssub.s32 $0x0, s20;
	[sflag:s22] =	ssyncset.done $0x0  }
0xa0: {  	[sflag:s22] =	ssyncadd.s32 s3;
	_ =	sdelay $0x1  }
0xa1: {  	s23 =	simm.s32 $0x1B8B  }
0xa2: {  	_ =	swait.ge [sflag:s23], $0x1  }
0xa3: {  	[sflag:s23] =	ssyncset.done $0x0  }
0xa4: {  	s25 =	simm.s32 $0x1B8E;
	s24 =	sld [smem:$0x3FFE];
	[sflag:s23] =	ssyncadd.s32 $0xFFFFFFFF  }
0xa5: {  	s26 =	simm.s32 $execute0_lowered;
	[smem:$0x3FD2] =	sst s25  }
0xa6: {  	s4 =	sshll.u32 s26, $0x1;
	_ =	strace $0x80000052;
	[dreg:$0x1] =	wrdreg $0xFFFFFFFF  }
0xa7: {  	s28 =	simm.s32 $_size_execute0_lowered;
	s2 =	sadd.s32 s2, s4;
	[dreg:$0x0] =	wrdreg $0x0  }
0xa8: {  	s4 =	sshll.u32 s28, $0x1;
	[dreg:$0x2] =	wrdreg s2  }
0xa9: {  	[dreg:$0x3] =	wrdreg s4  }
0xaa: {  	[dreg:$0x4] =	wrdreg $0xC0  }
0xab: {  	_ =	task [dreg:s6], $0x5FFFF  }
0xac: {  	[dreg:$0x1] =	wrdreg $0xFFFFFFFF  }
0xad: {  	[dreg:$0x0] =	wrdreg $0x60  }
0xae: {  	[dreg:$0x2] =	wrdreg s24  }
0xaf: {  	[dreg:$0x3] =	wrdreg $0x58000  }
0xb0: {  	[dreg:$0x4] =	wrdreg $0x9  }
0xb1: {  	_ =	task.clear_ibuf [dreg:s6], $0x5FFFF;
	_ =	strace $0x90000052  }
0xb2: {  	s29 =	simm.s32 $0x9;
	_ =	strace $0x80000054  }
0xb3: {  	_ =	swait.ge [sflag:s29], $0x1  }
0xb4: {  	[sflag:s29] =	ssyncadd.s32 $0xFFFFFFFF  }
0xb5: {  	_ =	strace $0x90000054  }
0xb6: {  	_ =	sfence  }
0xb7: {  	s30 =	sld [smem:$0x0];
	_ =	sdelay $0x2  }
0xb8: {  	s31 =	sshll.u32 s1, $0xD;
	s1 =	sshrl.u32 s1, $0x2  }
0xb9: {  	s3 =	sand.u32 $0x4000, s31;
	s1 =	sadd.s32 s1, s30  }
0xba: {  	s0 =	sor.u32 s3, s0;
	s1 =	sshll.u32 s1, $0x11  }
0xbb: {  	s0 =	sor.u32 s1, s0  }
0xbc: {  	s0 =	sadd.s32 $0x8F2B, s0  }
0xbd: {  	[sflag:s0] =	ssyncadd.remote.s32 $0x1  }
0xbe: {  	_ =	sfence.sel $0xFFFF  }
0xbf: {  	[dreg:$0x0] =	wrdreg $0xFFFFFFFF;
	(pc) =	sbr.abs _section_cstart, $3  }
0xc0: {  	[dreg:$0x1] =	wrdreg $0xFFFFFFFF  }
0xc1: {  	_ =	task.clear_ibuf [dreg:s6], $0x2FFFF;
	_ =	strace $0x9FFFFFFF  }
0xc2: {  	(tm) =	ssettm $0x7FFFFFFF  }
0xc3: {  	_ =	shalt  }
tec
execute0_lowered:
.L_overlay_start_1:
0x0: {  	(tag) =	ssettag $0x1  }
0x1: {  	s6 =	rddreg [dreg:$0x0]  }
0x2: {  	s2 =	rddreg [dreg:$0x1]  }
0x3: {  	s0 =	rddreg [dreg:$0x2];
	s3 =	simm.s32 $0x0  }
0x4: {  	s1 =	stileid.u32;
	s4 =	srdreg.scid;
	s14 =	simm.s32 $0x80  }
0x5: {  	s15 =	simm.s32 $0x3800;
	s16 =	simm.s32 $0x4800;
	s17 =	simm.s32 $0x1  }
0x6: {  	s18 =	simm.s32 $0x3;
	s19 =	simm.s32 $0x2;
	s20 =	simm.s32 $0x4  }
0x7: {  	s21 =	simm.s32 $0x3700;
	s22 =	simm.s32 $0x3780;
	[smem:$0x7FF] =	sst s3  }
0x8: {  	s7 =	smul.u32 $0x18700, s1;
	s5 =	sand.u32 $0x1, s4;
	s4 =	sadd.s32 $0x98A00, s6  }
0x9: {  	s31 =	sshll.u32 s1, $0x6;
	_ =	strace $0x80000053;
	s8 =	smul.u32 $0x30E00, s5  }
0xa: {  	s9 =	ssub.s32 $0x2, s5;
	s5 =	sadd.s32 $0x4F200, s6;
	s23 =	sshrl.u32 s7, $0x3  }
0xb: {  	s10 =	sshrl.u32 s9, $0x1;
	s13 =	sadd.s32 s7, s2;
	s7 =	sor.u32 $0x1C05, s31  }
0xc: {  	s11 =	sadd.s32 s23, s6;
	s12 =	sadd.s32 s8, s6;
	s10 =	ssub.s32 s9, s10  }
0xd: {  	s8 =	smul.u32 $0x188, s1;
	s6 =	sadd.s32 $0x5400, s11;
	s9 =	sadd.s32 $0xB1200, s12  }
0xe: {  	s24 =	sadd.s32 $0x112E00, s12;
	s10 =	smax.u32 s10, $0x1;
	s11 =	sshrl.u32 s13, $0x3  }
0xf: {  	s12 =	simm.s32 $0x5;
	s13 =	simm.s32 $0x1C00;
	s23 =	sadd.s32 s23, s24  }
.LBB2_1:
0x10: {  	[spmem:s11], [sflag:s7] =	dma.local [hbm:s6], $0x30E0  }
0x11: {  	_ =	swait.ge [sflag:s12], $0x30E0  }
0x12: {  	[sflag:s12] =	ssyncset.done $0x0  }
0x13: {  	[sflag:s12] =	ssyncadd.s32 $0xFFFFCF20  }
0x14: {  	s24 =	simm.s32 $0x0;
	[bflag:$0x0] =	sbarrier.arrive $0xFFFF  }
.LBB2_2:
0x15: {  	s25 =	smul.u32 $0x38, s24;
	_ =	sdelay $0x1  }
0x16: {  	s25 =	sadd.s32 s8, s25  }
0x17: {  	s25 =	sshll.u32 s25, $0x4  }
0x18: {  	s28 =	simm.s32 $0x0;
	s26 =	sadd.s32 s4, s25  }
0x19: {  	[tilespmem:s28], [sflag:$0x5] =	stream.linear.gather [hbm4b:s26+s28], $0x1C00, $0x38;
	[tilespmem:$0x1DF00] =	vst v63  }
0x1a: {  	_ =	swait.ge [sflag:s12], $0x1C00  }
0x1b: {  	[sflag:s12] =	ssyncset.done $0x0  }
0x1c: {  	s25 =	sadd.s32 s5, s25;
	[sflag:s12] =	ssyncadd.s32 $0xFFFFE400  }
0x1d: {  	[tilespmem:s13], [sflag:$0x5] =	stream.linear.gather [hbm4b:s25+s28], $0x1C00, $0x38;
	[tilespmem:$0x1DF00] =	vst v63  }
0x1e: {  	_ =	swait.ge [sflag:s12], $0x1C00  }
0x1f: {  	[sflag:s12] =	ssyncset.done $0x0  }
0x20: {  	[sflag:s12] =	ssyncadd.s32 $0xFFFFE400  }
0x21: {  	[tilespmem:s15], [sflag:$0x1] =	stream.indirect.gather [hbm4b:s9+s14], $0x20, s28, s14, $0xb8;
	[tilespmem:$0x1DF00] =	vst v63  }
0x22: {  	_ = 	snop  }
0x23: {  	[tilespmem:s16], [sflag:$0x2] =	stream.indirect.gather [hbm4b:s9+s14], $0x20, s14, s14, $0xb8;
	[tilespmem:$0x1DF00] =	vst v63  }
0x24: {  	_ =	swait.ge [sflag:s17], $0x1000  }
0x25: {  	[sflag:s17] =	ssyncset.done $0x0  }
0x26: {  	s29 =	simm.s32 $0x1C00;
	[sflag:s17] =	ssyncadd.s32 $0xFFFFF000  }
0x27: {  	[spmem:s2] =	stream.indirect.scatter.add.f32 [tilespmem:s15], [sflag:$0x3], $0x20, s29, s14, $0xb8;
	[tilespmem:$0x1DF00] =	vst v63  }
0x28: {  	_ =	swait.ge [sflag:s18], $0x1000  }
0x29: {  	[sflag:s18] =	ssyncset.done $0x0  }
0x2a: {  	s30 =	simm.s32 $0x100;
	[sflag:s18] =	ssyncadd.s32 $0xFFFFF000  }
0x2b: {  	[tilespmem:s15], [sflag:$0x1] =	stream.indirect.gather [hbm4b:s9+s14], $0x20, s30, s14, $0xb8;
	[tilespmem:$0x1DF00] =	vst v63  }
0x2c: {  	_ =	swait.ge [sflag:s19], $0x1000  }
0x2d: {  	[sflag:s19] =	ssyncset.done $0x0  }
0x2e: {  	s31 =	simm.s32 $0x1C80;
	[sflag:s19] =	ssyncadd.s32 $0xFFFFF000  }
0x2f: {  	[spmem:s2] =	stream.indirect.scatter.add.f32 [tilespmem:s16], [sflag:$0x4], $0x20, s31, s14, $0xb8;
	[tilespmem:$0x1DF00] =	vst v63  }
0x30: {  	_ =	swait.ge [sflag:s20], $0x1000  }
0x31: {  	[sflag:s20] =	ssyncset.done $0x0  }
0x32: {  	s26 =	simm.s32 $0x180;
	s25 =	simm.s32 $0x400;
	[sflag:s20] =	ssyncadd.s32 $0xFFFFF000  }
.LBB2_3:
0x33: {  	[tilespmem:s16], [sflag:$0x2] =	stream.indirect.gather [hbm4b:s9+s14], $0x20, s26, s14, $0xb8;
	[tilespmem:$0x1DF00] =	vst v63  }
0x34: {  	s26 =	smov.u32 s25  }
0x35: {  	p0 =	sne.s32 s25, $0x6800;
	s25 =	sadd.s32 $0x400, s25;
	_ =	swait.ge [sflag:s17], $0x1000  }
0x36: {  	s26 =	sshra.s32 s26, $0x2;
	[sflag:s17] =	ssyncset.done $0x0  }
0x37: {  	s28 =	sadd.s32 $0x1C00, s26;
	[sflag:s17] =	ssyncadd.s32 $0xFFFFF000  }
0x38: {  	[spmem:s2] =	stream.indirect.scatter.add.f32 [tilespmem:s15], [sflag:$0x3], $0x20, s28, s14, $0xb8;
	[tilespmem:$0x1DF00] =	vst v63  }
0x39: {  	_ =	swait.ge [sflag:s18], $0x1000  }
0x3a: {  	[sflag:s18] =	ssyncset.done $0x0  }
0x3b: {  	s28 =	sadd.s32 $0x100, s26;
	[sflag:s18] =	ssyncadd.s32 $0xFFFFF000  }
0x3c: {  	[tilespmem:s15], [sflag:$0x1] =	stream.indirect.gather [hbm4b:s9+s14], $0x20, s28, s14, $0xb8;
	[tilespmem:$0x1DF00] =	vst v63  }
0x3d: {  	_ =	swait.ge [sflag:s19], $0x1000  }
0x3e: {  	[sflag:s19] =	ssyncset.done $0x0  }
.Ltmp0:
0x3f: {  	s28 =	sadd.s32 $0x1C80, s26;
	[sflag:s19] =	ssyncadd.s32 $0xFFFFF000;
	(pc) =	sbr.rel @p0 .LBB2_3-.Ltmp0, $4  }
0x40: {  	[spmem:s2] =	stream.indirect.scatter.add.f32 [tilespmem:s16], [sflag:$0x4], $0x20, s28, s14, $0xb8;
	[tilespmem:$0x1DF00] =	vst v63  }
0x41: {  	_ =	swait.ge [sflag:s20], $0x1000  }
0x42: {  	[sflag:s20] =	ssyncset.done $0x0  }
0x43: {  	s26 =	sadd.s32 $0x180, s26;
	[sflag:s20] =	ssyncadd.s32 $0xFFFFF000  }
0x44: {  	[tilespmem:s16], [sflag:$0x2] =	stream.indirect.gather [hbm4b:s9+s14], $0x20, s26, s14, $0xb8;
	[tilespmem:$0x1DF00] =	vst v63  }
0x45: {  	_ =	swait.ge [sflag:s17], $0x1000  }
0x46: {  	[sflag:s17] =	ssyncset.done $0x0  }
0x47: {  	[sflag:s17] =	ssyncadd.s32 $0xFFFFF000  }
0x48: {  	[spmem:s2] =	stream.indirect.scatter.add.f32 [tilespmem:s15], [sflag:$0x3], $0x20, s21, s14, $0xb8;
	[tilespmem:$0x1DF00] =	vst v63  }
0x49: {  	_ =	swait.ge [sflag:s18], $0x1000  }
0x4a: {  	[sflag:s18] =	ssyncset.done $0x0  }
0x4b: {  	[sflag:s18] =	ssyncadd.s32 $0xFFFFF000  }
0x4c: {  	s24 =	sadd.s32 $0x1, s24;
	_ =	swait.ge [sflag:s19], $0x1000  }
0x4d: {  	p0 =	sne.s32 s24, $0x7;
	[sflag:s19] =	ssyncset.done $0x0  }
.Ltmp1:
0x4e: {  	[sflag:s19] =	ssyncadd.s32 $0xFFFFF000;
	(pc) =	sbr.rel @p0 .LBB2_2-.Ltmp1, $4  }
0x4f: {  	[spmem:s2] =	stream.indirect.scatter.add.f32 [tilespmem:s16], [sflag:$0x4], $0x20, s22, s14, $0xb8;
	[tilespmem:$0x1DF00] =	vst v63  }
0x50: {  	_ =	swait.ge [sflag:s20], $0x1000  }
0x51: {  	[sflag:s20] =	ssyncset.done $0x0  }
0x52: {  	[sflag:s20] =	ssyncadd.s32 $0xFFFFF000  }
0x53: {  	s3 =	sadd.s32 $0x1, s3  }
0x54: {  	p0 =	sne.s32 s3, s10  }
.Ltmp2:
0x55: {  	[bflag:$0x0] =	sbarrier.arrive $0xFFFF;
	(pc) =	sbr.rel @p0 .LBB2_1-.Ltmp2, $4  }
0x56: {  	[hbm:s23], [sflag:s7] =	dma.local [spmem:s11], $0x30E0  }
0x57: {  	_ =	swait.ge [sflag:s12], $0x30E0  }
0x58: {  	[sflag:s12] =	ssyncset.done $0x0  }
0x59: {  	[sflag:s12] =	ssyncadd.s32 $0xFFFFCF20  }
0x5a: {  	_ =	sfence.sel $0x180000  }
0x5b: {  	[bflag:$0x0] =	sbarrier.arrive $0xFFFF  }
0x5c: {  	p0 =	sne.s32 s1, $0x0;
	_ =	strace $0x90000053  }
0x5d: {  	s0 =	sadd.s32 @!p0 $0x100000, s0;
	[bflag:$0x2] =	sbarrier.arrive $0xFFFF  }
0x5e: {  	[sflag:s0] =	ssyncadd.tile.s32 @!p0 $0x1;
	_ =	shalt  }
.Lfunc_end2:
_tile_overlayer_lowered:
.L_overlay_start_2:
0x5f: {  	(tag) =	ssettag $0x2  }
0x60: {  	s0 =	rddreg [dreg:$0x0];
	s2 =	stileid.u32  }
0x61: {  	s1 =	rddreg [dreg:$0x1];
	p0 =	sne.s32 s2, $0x0  }
0x62: {  	s3 =	rddreg [dreg:$0x2];
	[bflag:$0x3] =	sbarrier.arrive $0xFFFF;
	s2 =	simm.s32 @!p0 $0x1C05  }
0x63: {  	[timem:s3], [sflag:s2] =	dma.local @!p0 [hbm:s0], s1  }
0x64: {  	s0 =	simm.s32 @!p0 $0x5  }
0x65: {  	_ =	swait.ge @!p0 [sflag:s0], s1  }
0x66: {  	s1 =	ssub.s32 @!p0 $0x0, s1;
	[sflag:s0] =	ssyncset.done @!p0 $0x0  }
0x67: {  	[sflag:s0] =	ssyncadd.s32 @!p0 s1  }
0x68: {  	[bflag:$0x3] =	sbarrier.arrive $0xFFFF  }
0x69: {  	_ =	shalt  }

</sc_bundles>
